<compile_context>
chip_gen: v7x
topology: tpu7x:2x2x1
jax: 0.10.2.dev20260603
libtpu: 0.0.44.dev20260713+nightly
codegen_flags: <defaults>
</compile_context>

<pallas_src>
import functools

import jax
import jax.numpy as jnp
from jax import lax
from jax.experimental import pallas as pl
from jax.experimental.pallas import tpu as pltpu
from jax.experimental.pallas import tpu_sc as plsc

N = 10000
E = 320000
D = 128
NC = 2
NS = 16
NW = NC * NS
EP = E // NW
C = 80
J = EP // C
RPT = N // NS
RB = 2000
G = N // RB

_mesh = plsc.VectorSubcoreMesh(core_axis_name="c", subcore_axis_name="s")
_sc_params = pltpu.CompilerParams(
    use_tc_tiling_on_sc=False, needs_layout_passes=False)


@functools.partial(
    pl.kernel,
    out_type=jax.ShapeDtypeStruct((NC, 2, N), jnp.float32),
    mesh=_mesh,
    compiler_params=_sc_params,
    scratch_types=[
        pltpu.VMEM((J, C), jnp.int32),
        pltpu.VMEM((J, C), jnp.int32),
        pltpu.VMEM((2, N), jnp.float32),
        pltpu.VMEM((2,), jnp.int32),
        pltpu.VMEM_SHARED((2, N), jnp.float32),
    ],
)
def _sc_degrees(edges_hbm, i01_hbm, out_hbm, sidx_v, didx_v, deg_v, i01_v, hsum_sh):
    cid = lax.axis_index("c")
    sid = lax.axis_index("s")
    w = sid * NC + cid
    pltpu.sync_copy(edges_hbm.at[0, w], sidx_v)
    pltpu.sync_copy(edges_hbm.at[1, w], didx_v)
    pltpu.sync_copy(i01_hbm, i01_v)
    z16 = jnp.zeros((16,), jnp.float32)

    def zbody(i, carry):
        deg_v[0, pl.ds(i * 16, 16)] = z16
        deg_v[1, pl.ds(i * 16, 16)] = z16
        return carry

    lax.fori_loop(0, N // 16, zbody, 0, unroll=False)

    @pl.when(sid == 0)
    def _():
        pltpu.sync_copy(deg_v, hsum_sh)

    ones = jnp.ones((16,), jnp.float32)

    def body(j, carry):
        for k in range(C // 16):
            s16 = sidx_v[j, pl.ds(k * 16, 16)]
            plsc.addupdate_scatter(deg_v.at[0], [s16], ones)
            d16 = didx_v[j, pl.ds(k * 16, 16)]
            plsc.addupdate_scatter(deg_v.at[1], [d16], ones)
        return carry

    lax.fori_loop(0, J, body, 0, unroll=2)
    plsc.subcore_barrier()
    pltpu.sync_copy(deg_v, hsum_sh.at[i01_v], add=True)
    plsc.subcore_barrier()

    @pl.when(sid == 0)
    def _():
        pltpu.sync_copy(hsum_sh, out_hbm.at[cid])


def _tc_norms_body(hp_ref, ns_ref, nd_ref):
    deg = hp_ref[0] + hp_ref[1] + 1.0
    ns_ref[...] = lax.rsqrt(deg[0])[:, None]
    nd_ref[...] = lax.rsqrt(deg[1])[:, None]


_tc_norms = pl.pallas_call(
    _tc_norms_body,
    out_shape=[
        jax.ShapeDtypeStruct((N, 1), jnp.float32),
        jax.ShapeDtypeStruct((N, 1), jnp.float32),
    ],
)


def _tc_prep_body(ns_ref, x_ref, w1_ref, y_ref):
    y_ref[...] = jnp.dot(x_ref[...] * ns_ref[...], w1_ref[...],
                         precision=lax.Precision.HIGHEST)


_tc_prep = pl.pallas_call(
    _tc_prep_body,
    grid=(G,),
    in_specs=[
        pl.BlockSpec((RB, 1), lambda i: (i, 0)),
        pl.BlockSpec((RB, D), lambda i: (i, 0)),
        pl.BlockSpec((D, D), lambda i: (0, 0)),
    ],
    out_specs=[pl.BlockSpec((RB, D), lambda i: (i, 0))],
    out_shape=[jax.ShapeDtypeStruct((N, D), jnp.float32)],
)


@functools.partial(
    pl.kernel,
    out_type=jax.ShapeDtypeStruct((NC, N, D), jnp.float32),
    mesh=_mesh,
    compiler_params=_sc_params,
    scratch_types=[
        pltpu.VMEM((J, C), jnp.int32),
        pltpu.VMEM((J, C), jnp.int32),
        pltpu.VMEM((C, D), jnp.float32),
        pltpu.VMEM((C, D), jnp.float32),
        pltpu.VMEM((C, D), jnp.float32),
        pltpu.VMEM_SHARED((N, D), jnp.float32),
        pltpu.SemaphoreType.DMA,
        pltpu.SemaphoreType.DMA,
        pltpu.SemaphoreType.DMA,
        pltpu.SemaphoreType.DMA,
        pltpu.SemaphoreType.DMA,
        pltpu.SemaphoreType.DMA,
    ],
)
def _sc_gather_scatter(edges_hbm, y_hbm, out_hbm,
                       sidx_v, didx_v, rows0_v, rows1_v, rows2_v,
                       acc_sh, g0, g1, g2, s0, s1, s2):
    cid = lax.axis_index("c")
    sid = lax.axis_index("s")
    w = sid * NC + cid

    bufs = (rows0_v, rows1_v, rows2_v)
    gs = (g0, g1, g2)
    ss = (s0, s1, s2)

    def _drain(buf, sem):
        pltpu.make_async_copy(y_hbm.at[sidx_v.at[0]], buf, sem).wait()

    def _gather(j, b):
        pltpu.async_copy(y_hbm.at[sidx_v.at[j]], bufs[b], gs[b])

    def _step(j, b, drain_prev):
        _drain(bufs[b], gs[b])
        pltpu.async_copy(bufs[b], acc_sh.at[didx_v.at[j]], ss[b], add=True)
        bp = (b + 2) % 3
        if drain_prev:
            _drain(bufs[bp], ss[bp])
        return bp

    pltpu.sync_copy(edges_hbm.at[0, w], sidx_v)
    pltpu.sync_copy(edges_hbm.at[1, w], didx_v)
    _gather(0, 0)
    _gather(1, 1)

    @pl.when(cid == 0)
    def _():
        pltpu.sync_copy(y_hbm.at[pl.ds(sid * RPT, RPT)],
                        acc_sh.at[pl.ds(sid * RPT, RPT)])

    @pl.when(cid != 0)
    def _():
        z16 = jnp.zeros((16,), jnp.float32)

        def zb(i, carry):
            rows2_v[i, pl.ds(0, 16)] = z16
            rows2_v[i, pl.ds(16, 16)] = z16
            rows2_v[i, pl.ds(32, 16)] = z16
            rows2_v[i, pl.ds(48, 16)] = z16
            rows2_v[i, pl.ds(64, 16)] = z16
            rows2_v[i, pl.ds(80, 16)] = z16
            rows2_v[i, pl.ds(96, 16)] = z16
            rows2_v[i, pl.ds(112, 16)] = z16
            return carry

        lax.fori_loop(0, C, zb, 0, unroll=False)
        for q in range(7):
            pltpu.sync_copy(rows2_v,
                            acc_sh.at[pl.ds(sid * RPT + q * C, C)])
        pltpu.sync_copy(rows2_v.at[pl.ds(0, RPT - 7 * C)],
                        acc_sh.at[pl.ds(sid * RPT + 7 * C, RPT - 7 * C)])

    plsc.subcore_barrier()
    _step(0, 0, False)
    _gather(2, 2)
    bp = _step(1, 1, True)
    _gather(3, bp)
    bp = _step(2, 2, True)
    _gather(4, bp)

    def body(i, carry):
        j0 = 3 * i
        for b in range(3):
            bp = _step(j0 + b, b, True)
            _gather(j0 + b + 2, bp)
        return carry

    lax.fori_loop(1, (J - 2) // 3, body, 0, unroll=False)
    _step(J - 2, (J - 2) % 3, True)
    _step(J - 1, (J - 1) % 3, True)
    _drain(bufs[(J - 1) % 3], ss[(J - 1) % 3])
    plsc.subcore_barrier()
    pltpu.sync_copy(acc_sh.at[pl.ds(sid * RPT, RPT)],
                    out_hbm.at[cid].at[pl.ds(sid * RPT, RPT)])


def _tc_mid_body(acc_ref, ns_ref, nd_ref, b1_ref, w2_ref, wr_ref, t_ref):
    w = jnp.dot(w2_ref[...], wr_ref[...],
                precision=lax.Precision.HIGHEST)
    a = acc_ref[0] + acc_ref[1]
    h1 = jnp.maximum(nd_ref[...] * a + b1_ref[...][None, :], 0.0)
    t_ref[...] = jnp.dot(h1, w, precision=lax.Precision.HIGHEST) * ns_ref[...]


_tc_mid = pl.pallas_call(
    _tc_mid_body,
    grid=(G,),
    in_specs=[
        pl.BlockSpec((NC, RB, D), lambda i: (0, i, 0)),
        pl.BlockSpec((RB, 1), lambda i: (i, 0)),
        pl.BlockSpec((RB, 1), lambda i: (i, 0)),
        pl.BlockSpec((D,), lambda i: (0,)),
        pl.BlockSpec((D, D), lambda i: (0, 0)),
        pl.BlockSpec((D, 1), lambda i: (0, 0)),
    ],
    out_specs=[pl.BlockSpec((RB, 1), lambda i: (i, 0))],
    out_shape=[jax.ShapeDtypeStruct((N, 1), jnp.float32)],
)


@functools.partial(
    pl.kernel,
    out_type=jax.ShapeDtypeStruct((NC, N), jnp.float32),
    mesh=_mesh,
    compiler_params=_sc_params,
    scratch_types=[
        pltpu.VMEM((J, C), jnp.int32),
        pltpu.VMEM((J, C), jnp.int32),
        pltpu.VMEM((N,), jnp.float32),
        pltpu.VMEM((1, N), jnp.float32),
        pltpu.VMEM((1,), jnp.int32),
        pltpu.VMEM_SHARED((1, N), jnp.float32),
    ],
)
def _sc_scalar(edges_hbm, t_hbm, i0_hbm, out_hbm,
               sidx_v, didx_v, t_v, z_v, i0_v, zsum_sh):
    cid = lax.axis_index("c")
    sid = lax.axis_index("s")
    w = sid * NC + cid
    pltpu.sync_copy(edges_hbm.at[0, w], sidx_v)
    pltpu.sync_copy(edges_hbm.at[1, w], didx_v)
    pltpu.sync_copy(t_hbm, t_v)
    pltpu.sync_copy(i0_hbm, i0_v)
    z16 = jnp.zeros((16,), jnp.float32)

    def zbody(i, carry):
        z_v[0, pl.ds(i * 16, 16)] = z16
        return carry

    lax.fori_loop(0, N // 16, zbody, 0, unroll=False)

    @pl.when(sid == 0)
    def _():
        pltpu.sync_copy(z_v, zsum_sh)

    def body(j, carry):
        for k in range(C // 16):
            s16 = sidx_v[j, pl.ds(k * 16, 16)]
            vals = plsc.load_gather(t_v, [s16])
            d16 = didx_v[j, pl.ds(k * 16, 16)]
            plsc.addupdate_scatter(z_v.at[0], [d16], vals)
        return carry

    lax.fori_loop(0, J, body, 0, unroll=False)
    plsc.subcore_barrier()
    pltpu.sync_copy(z_v, zsum_sh.at[i0_v], add=True)
    plsc.subcore_barrier()

    @pl.when(sid == 0)
    def _():
        pltpu.sync_copy(zsum_sh.at[0], out_hbm.at[cid])


def _tc_final_body(zp_ref, t_ref, nd_ref, b2_ref, wr_ref, br_ref, out_ref):
    z = zp_ref[0] + zp_ref[1]
    c = jnp.sum(b2_ref[...] * wr_ref[...][:, 0]) + br_ref[0]
    out_ref[...] = nd_ref[...] * (z[:, None] + t_ref[...]) + c


_tc_final = pl.pallas_call(
    _tc_final_body,
    out_shape=[jax.ShapeDtypeStruct((N, 1), jnp.float32)],
)


def kernel(x, edge_index, W1, b1, W2, b2, Wr, br):
    edges = edge_index.reshape(2, NW, J, C)
    i01 = jnp.arange(2, dtype=jnp.int32)
    i0 = jnp.zeros((1,), jnp.int32)

    hp = _sc_degrees(edges, i01)
    ns, nd = _tc_norms(hp)
    (y,) = _tc_prep(ns, x, W1)
    acc = _sc_gather_scatter(edges, y)
    (t,) = _tc_mid(acc, ns, nd, b1, W2, Wr)
    zp = _sc_scalar(edges, t[:, 0], i0)
    (out,) = _tc_final(zp, t, nd, b2, Wr, br)
    return out[:, 0]

# --- scband reference (transcript-rebuilt; emitter-appended) ---
"""Pipeline reference for scband-gcn-43009802502548 (READ-ONLY COPY).

The authoritative reference and input builder live on the scoring server;
editing this copy changes nothing except your own understanding.
"""

import jax, jax.numpy as jnp
import numpy as np

N = 10000
E = 320000
D_IN = 128
D_HID = 128
D_OUT = 128


def setup_inputs(seed: int = 0) -> dict:
    key = jax.random.key(seed)
    ks = jax.random.split(key, 8)
    x = jax.random.normal(ks[0], (N, D_IN), dtype=jnp.float32)
    edge_index = jax.random.randint(ks[1], (2, E), 0, N, dtype=jnp.int32)
    W1 = jax.random.normal(ks[2], (D_IN, D_HID), dtype=jnp.float32) * 0.05
    b1 = jnp.zeros((D_HID,), dtype=jnp.float32)
    W2 = jax.random.normal(ks[3], (D_HID, D_OUT), dtype=jnp.float32) * 0.05
    b2 = jnp.zeros((D_OUT,), dtype=jnp.float32)
    Wr = jax.random.normal(ks[4], (D_OUT, 1), dtype=jnp.float32) * 0.05
    br = jnp.zeros((1,), dtype=jnp.float32)
    return {"x": x, "edge_index": edge_index, "W1": W1, "b1": b1, "W2": W2, "b2": b2, "Wr": Wr, "br": br}


def _gcn_conv(x, src, dst, W, b):
    # DGL GraphConv with norm='both': h = D_in^{-1/2} A D_out^{-1/2} x W + b
    n = x.shape[0]
    deg_out = jnp.zeros((n,), jnp.float32).at[src].add(1.0)
    deg_in = jnp.zeros((n,), jnp.float32).at[dst].add(1.0)
    norm_s = jnp.where(deg_out > 0, jax.lax.rsqrt(jnp.maximum(deg_out, 1e-12)), 0.0)
    norm_d = jnp.where(deg_in > 0, jax.lax.rsqrt(jnp.maximum(deg_in, 1e-12)), 0.0)
    h = x * norm_s[:, None]
    msg = jnp.take(h, src, axis=0)
    agg = jnp.zeros((n, x.shape[1]), jnp.float32).at[dst].add(msg)
    agg = agg * norm_d[:, None]
    return agg @ W + b


def reference(x, edge_index, W1, b1, W2, b2, Wr, br):
    n = x.shape[0]
    # dgl.add_self_loop(g)
    loops = jnp.arange(n, dtype=edge_index.dtype)
    src = jnp.concatenate([edge_index[0], loops])
    dst = jnp.concatenate([edge_index[1], loops])
    # encode: dropout is identity in eval-mode reference
    h = jax.nn.relu(_gcn_conv(x, src, dst, W1, b1))
    h = _gcn_conv(h, src, dst, W2, b2)
    # regressor(h).squeeze(-1)
    out = (h @ Wr + br)[:, 0]
    return out

if __name__ == "__main__":
    import jax
    _d = setup_inputs()
    print(jax.jit(kernel)(*tuple(_d.values())))

</pallas_src>

<mosaic_0001>
#map = affine_map<(d0, d1) -> (0, 0, 0, 0)>
#map1 = affine_map<(d0, d1) -> (0)>
#map2 = affine_map<(d0, d1) -> (0, 0, 0)>
module attributes {stable_mosaic.version = 14 : i64} {
  func.func @_sc_degrees(%arg0: i32, %arg1: i32, %arg2: memref<2x32x125x80xi32, #tpu.memory_space<hbm>>, %arg3: memref<2xi32, #tpu.memory_space<hbm>>, %arg4: memref<2x2x10000xf32, #tpu.memory_space<hbm>>, %arg5: memref<125x80xi32, #tpu.memory_space<vmem>>, %arg6: memref<125x80xi32, #tpu.memory_space<vmem>>, %arg7: memref<2x10000xf32, #tpu.memory_space<vmem>>, %arg8: memref<2xi32, #tpu.memory_space<vmem>>, %arg9: memref<2x10000xf32, #tpu.memory_space<vmem_shared>>) attributes {dimension_semantics = [#tpu.dimension_semantics<core_parallel>, #tpu.dimension_semantics<subcore_parallel>], iteration_bounds = array<i64: 2, 16>, scalar_prefetch = 0 : i64, scratch_operands = 5 : i64, tpu.core_type = #tpu.core_type<sc_vector_subcore>, window_params = [{transform_indices = #map}, {transform_indices = #map1}, {transform_indices = #map2}]} {
    %mul3A = arith.constant 2 : i32
    %mul3A_0 = arith.muli %arg1, %mul3A : i32
    %add3A = arith.addi %mul3A_0, %arg0 : i32
    %run_scoped3A = arith.constant 0 : i32
    "tpu.region"() ({
      %run_scoped3A_94 = tpu.sem_alloc : memref<!tpu.dma_semaphore, #tpu.memory_space<semaphore_mem>>
      %dma_start3A = arith.constant 0 : i32
      %dma_start3A_95 = arith.constant 0 : i32
      %dma_start3A_96 = tpu.memref_slice %arg2[%run_scoped3A, %add3A, %dma_start3A, %dma_start3A_95] : memref<2x32x125x80xi32, #tpu.memory_space<hbm>> -> memref<1x1x125x80xi32, #tpu.memory_space<hbm>>
      %dma_start3A_97 = tpu.memref_squeeze %dma_start3A_96 : memref<1x1x125x80xi32, #tpu.memory_space<hbm>> -> memref<125x80xi32, #tpu.memory_space<hbm>>
      %dma_start3A_98 = arith.constant 0 : i32
      %dma_start3A_99 = arith.constant 0 : i32
      %dma_start3A_100 = tpu.memref_slice %arg2[%run_scoped3A, %add3A, %dma_start3A_98, %dma_start3A_99] : memref<2x32x125x80xi32, #tpu.memory_space<hbm>> -> memref<1x1x125x80xi32, #tpu.memory_space<hbm>>
      %dma_start3A_101 = tpu.memref_squeeze %dma_start3A_100 : memref<1x1x125x80xi32, #tpu.memory_space<hbm>> -> memref<125x80xi32, #tpu.memory_space<hbm>>
      tpu.enqueue_dma source(%dma_start3A_101 : memref<125x80xi32, #tpu.memory_space<hbm>>) target(%arg5 : memref<125x80xi32, #tpu.memory_space<vmem>>) target_semaphore(%run_scoped3A_94 : memref<!tpu.dma_semaphore, #tpu.memory_space<semaphore_mem>>)
      %dma_wait3A = arith.constant 0 : i32
      %dma_wait3A_102 = arith.constant 0 : i32
      %dma_wait3A_103 = tpu.memref_slice %arg2[%run_scoped3A, %add3A, %dma_wait3A, %dma_wait3A_102] : memref<2x32x125x80xi32, #tpu.memory_space<hbm>> -> memref<1x1x125x80xi32, #tpu.memory_space<hbm>>
      %dma_wait3A_104 = tpu.memref_squeeze %dma_wait3A_103 : memref<1x1x125x80xi32, #tpu.memory_space<hbm>> -> memref<125x80xi32, #tpu.memory_space<hbm>>
      %dma_wait3A_105 = arith.constant 0 : i32
      %dma_wait3A_106 = arith.constant 0 : i32
      %dma_wait3A_107 = tpu.memref_slice %arg2[%run_scoped3A, %add3A, %dma_wait3A_105, %dma_wait3A_106] : memref<2x32x125x80xi32, #tpu.memory_space<hbm>> -> memref<1x1x125x80xi32, #tpu.memory_space<hbm>>
      %dma_wait3A_108 = tpu.memref_squeeze %dma_wait3A_107 : memref<1x1x125x80xi32, #tpu.memory_space<hbm>> -> memref<125x80xi32, #tpu.memory_space<hbm>>
      tpu.wait_dma2 semaphore(%run_scoped3A_94 : memref<!tpu.dma_semaphore, #tpu.memory_space<semaphore_mem>>) src(%dma_wait3A_108 : memref<125x80xi32, #tpu.memory_space<hbm>>) dst(%arg5 : memref<125x80xi32, #tpu.memory_space<vmem>>)
      tpu.yield
    }) : () -> ()
    %run_scoped3A_1 = arith.constant 1 : i32
    "tpu.region"() ({
      %run_scoped3A_94 = tpu.sem_alloc : memref<!tpu.dma_semaphore, #tpu.memory_space<semaphore_mem>>
      %dma_start3A = arith.constant 0 : i32
      %dma_start3A_95 = arith.constant 0 : i32
      %dma_start3A_96 = tpu.memref_slice %arg2[%run_scoped3A_1, %add3A, %dma_start3A, %dma_start3A_95] : memref<2x32x125x80xi32, #tpu.memory_space<hbm>> -> memref<1x1x125x80xi32, #tpu.memory_space<hbm>>
      %dma_start3A_97 = tpu.memref_squeeze %dma_start3A_96 : memref<1x1x125x80xi32, #tpu.memory_space<hbm>> -> memref<125x80xi32, #tpu.memory_space<hbm>>
      %dma_start3A_98 = arith.constant 0 : i32
      %dma_start3A_99 = arith.constant 0 : i32
      %dma_start3A_100 = tpu.memref_slice %arg2[%run_scoped3A_1, %add3A, %dma_start3A_98, %dma_start3A_99] : memref<2x32x125x80xi32, #tpu.memory_space<hbm>> -> memref<1x1x125x80xi32, #tpu.memory_space<hbm>>
      %dma_start3A_101 = tpu.memref_squeeze %dma_start3A_100 : memref<1x1x125x80xi32, #tpu.memory_space<hbm>> -> memref<125x80xi32, #tpu.memory_space<hbm>>
      tpu.enqueue_dma source(%dma_start3A_101 : memref<125x80xi32, #tpu.memory_space<hbm>>) target(%arg6 : memref<125x80xi32, #tpu.memory_space<vmem>>) target_semaphore(%run_scoped3A_94 : memref<!tpu.dma_semaphore, #tpu.memory_space<semaphore_mem>>)
      %dma_wait3A = arith.constant 0 : i32
      %dma_wait3A_102 = arith.constant 0 : i32
      %dma_wait3A_103 = tpu.memref_slice %arg2[%run_scoped3A_1, %add3A, %dma_wait3A, %dma_wait3A_102] : memref<2x32x125x80xi32, #tpu.memory_space<hbm>> -> memref<1x1x125x80xi32, #tpu.memory_space<hbm>>
      %dma_wait3A_104 = tpu.memref_squeeze %dma_wait3A_103 : memref<1x1x125x80xi32, #tpu.memory_space<hbm>> -> memref<125x80xi32, #tpu.memory_space<hbm>>
      %dma_wait3A_105 = arith.constant 0 : i32
      %dma_wait3A_106 = arith.constant 0 : i32
      %dma_wait3A_107 = tpu.memref_slice %arg2[%run_scoped3A_1, %add3A, %dma_wait3A_105, %dma_wait3A_106] : memref<2x32x125x80xi32, #tpu.memory_space<hbm>> -> memref<1x1x125x80xi32, #tpu.memory_space<hbm>>
      %dma_wait3A_108 = tpu.memref_squeeze %dma_wait3A_107 : memref<1x1x125x80xi32, #tpu.memory_space<hbm>> -> memref<125x80xi32, #tpu.memory_space<hbm>>
      tpu.wait_dma2 semaphore(%run_scoped3A_94 : memref<!tpu.dma_semaphore, #tpu.memory_space<semaphore_mem>>) src(%dma_wait3A_108 : memref<125x80xi32, #tpu.memory_space<hbm>>) dst(%arg6 : memref<125x80xi32, #tpu.memory_space<vmem>>)
      tpu.yield
    }) : () -> ()
    "tpu.region"() ({
      %run_scoped3A_94 = tpu.sem_alloc : memref<!tpu.dma_semaphore, #tpu.memory_space<semaphore_mem>>
      tpu.enqueue_dma source(%arg3 : memref<2xi32, #tpu.memory_space<hbm>>) target(%arg8 : memref<2xi32, #tpu.memory_space<vmem>>) target_semaphore(%run_scoped3A_94 : memref<!tpu.dma_semaphore, #tpu.memory_space<semaphore_mem>>)
      tpu.wait_dma2 semaphore(%run_scoped3A_94 : memref<!tpu.dma_semaphore, #tpu.memory_space<semaphore_mem>>) src(%arg3 : memref<2xi32, #tpu.memory_space<hbm>>) dst(%arg8 : memref<2xi32, #tpu.memory_space<vmem>>)
      tpu.yield
    }) : () -> ()
    %broadcast_in_dim3A = arith.constant 0.000000e+00 : f32
    %broadcast_in_dim3A_2 = vector.broadcast %broadcast_in_dim3A : f32 to vector<16xf32>
    %scan3A = arith.constant 0 : i32
    %scan3A_3 = arith.constant 0 : i32
    %scan3A_4 = arith.constant 625 : i32
    %scan3A_5 = arith.addi %scan3A_3, %scan3A_4 : i32
    %scan3A_6 = arith.constant 1 : i32
    scf.for %scan3A_94 = %scan3A_3 to %scan3A_5 step %scan3A_6  : i32 {
      %mul3A_95 = arith.constant 16 : i32
      %mul3A_96 = arith.muli %scan3A_94, %mul3A_95 : i32
      %swap3A = arith.constant 0 : i32
      %swap3A_97 = arith.index_cast %swap3A : i32 to index
      %swap3A_98 = arith.index_cast %mul3A_96 : i32 to index
      %swap3A_99 = tpu.vector_load %arg7[%swap3A_97, %swap3A_98] {strides = array<i32>} : memref<2x10000xf32, #tpu.memory_space<vmem>>, vector<16xf32>,
      tpu.vector_store %arg7[%swap3A_97, %swap3A_98], %broadcast_in_dim3A_2 {strides = array<i32>} : memref<2x10000xf32, #tpu.memory_space<vmem>>, vector<16xf32>,
      %mul3A_100 = arith.constant 16 : i32
      %mul3A_101 = arith.muli %scan3A_94, %mul3A_100 : i32
      %swap3A_102 = arith.constant 1 : i32
      %swap3A_103 = arith.index_cast %swap3A_102 : i32 to index
      %swap3A_104 = arith.index_cast %mul3A_101 : i32 to index
      %swap3A_105 = tpu.vector_load %arg7[%swap3A_103, %swap3A_104] {strides = array<i32>} : memref<2x10000xf32, #tpu.memory_space<vmem>>, vector<16xf32>,
      tpu.vector_store %arg7[%swap3A_103, %swap3A_104], %broadcast_in_dim3A_2 {strides = array<i32>} : memref<2x10000xf32, #tpu.memory_space<vmem>>, vector<16xf32>,
    }
    %scan3A_7 = arith.constant 625 : i32
    %eq3A = arith.constant 0 : i32
    %eq3A_8 = arith.cmpi eq, %arg1, %eq3A : i32
    %convert_element_type3A = arith.extui %eq3A_8 : i1 to i32
    %cond3A = arith.constant 0 : i32
    %cond3A_9 = arith.cmpi ne, %convert_element_type3A, %cond3A : i32
    scf.if %cond3A_9 {
      "tpu.region"() ({
        %run_scoped3A_94 = tpu.sem_alloc : memref<!tpu.dma_semaphore, #tpu.memory_space<semaphore_mem>>
        tpu.enqueue_dma source(%arg7 : memref<2x10000xf32, #tpu.memory_space<vmem>>) target(%arg9 : memref<2x10000xf32, #tpu.memory_space<vmem_shared>>) target_semaphore(%run_scoped3A_94 : memref<!tpu.dma_semaphore, #tpu.memory_space<semaphore_mem>>)
        tpu.wait_dma2 semaphore(%run_scoped3A_94 : memref<!tpu.dma_semaphore, #tpu.memory_space<semaphore_mem>>) src(%arg7 : memref<2x10000xf32, #tpu.memory_space<vmem>>) dst(%arg9 : memref<2x10000xf32, #tpu.memory_space<vmem_shared>>)
        tpu.yield
      }) : () -> ()
    } else {
    }
    %broadcast_in_dim3A_10 = arith.constant 1.000000e+00 : f32
    %broadcast_in_dim3A_11 = vector.broadcast %broadcast_in_dim3A_10 : f32 to vector<16xf32>
    %scan3A_12 = arith.constant 0 : i32
    %scan3A_13 = arith.constant 0 : i32
    %scan3A_14 = arith.constant 124 : i32
    %scan3A_15 = arith.addi %scan3A_13, %scan3A_14 : i32
    %scan3A_16 = arith.constant 2 : i32
    scf.for %scan3A_94 = %scan3A_13 to %scan3A_15 step %scan3A_16  : i32 {
      %get3A_95 = arith.index_cast %scan3A_94 : i32 to index
      %get3A_96 = arith.constant 0 : index
      %get3A_97 = tpu.vector_load %arg5[%get3A_95, %get3A_96] {strides = array<i32>} : memref<125x80xi32, #tpu.memory_space<vmem>>, vector<16xi32>,
      %scatter3A_98 = arith.constant 0 : i32
      %scatter3A_99 = arith.constant 0 : i32
      %scatter3A_100 = tpu.memref_slice %arg7[%scatter3A_98, %scatter3A_99] : memref<2x10000xf32, #tpu.memory_space<vmem>> -> memref<1x10000xf32, #tpu.memory_space<vmem>>
      %scatter3A_101 = tpu.memref_squeeze %scatter3A_100 : memref<1x10000xf32, #tpu.memory_space<vmem>> -> memref<10000xf32, #tpu.memory_space<vmem>>
      tpu.vector_store_idx %scatter3A_101[%get3A_97], %broadcast_in_dim3A_11 {add = true} : memref<10000xf32, #tpu.memory_space<vmem>>[vector<16xi32>], vector<16xf32>,
      %get3A_102 = arith.index_cast %scan3A_94 : i32 to index
      %get3A_103 = arith.constant 0 : index
      %get3A_104 = tpu.vector_load %arg6[%get3A_102, %get3A_103] {strides = array<i32>} : memref<125x80xi32, #tpu.memory_space<vmem>>, vector<16xi32>,
      %scatter3A_105 = arith.constant 1 : i32
      %scatter3A_106 = arith.constant 0 : i32
      %scatter3A_107 = tpu.memref_slice %arg7[%scatter3A_105, %scatter3A_106] : memref<2x10000xf32, #tpu.memory_space<vmem>> -> memref<1x10000xf32, #tpu.memory_space<vmem>>
      %scatter3A_108 = tpu.memref_squeeze %scatter3A_107 : memref<1x10000xf32, #tpu.memory_space<vmem>> -> memref<10000xf32, #tpu.memory_space<vmem>>
      tpu.vector_store_idx %scatter3A_108[%get3A_104], %broadcast_in_dim3A_11 {add = true} : memref<10000xf32, #tpu.memory_space<vmem>>[vector<16xi32>], vector<16xf32>,
      %get3A_109 = arith.index_cast %scan3A_94 : i32 to index
      %get3A_110 = arith.constant 16 : index
      %get3A_111 = tpu.vector_load %arg5[%get3A_109, %get3A_110] {strides = array<i32>} : memref<125x80xi32, #tpu.memory_space<vmem>>, vector<16xi32>,
      %scatter3A_112 = arith.constant 0 : i32
      %scatter3A_113 = arith.constant 0 : i32
      %scatter3A_114 = tpu.memref_slice %arg7[%scatter3A_112, %scatter3A_113] : memref<2x10000xf32, #tpu.memory_space<vmem>> -> memref<1x10000xf32, #tpu.memory_space<vmem>>
      %scatter3A_115 = tpu.memref_squeeze %scatter3A_114 : memref<1x10000xf32, #tpu.memory_space<vmem>> -> memref<10000xf32, #tpu.memory_space<vmem>>
      tpu.vector_store_idx %scatter3A_115[%get3A_111], %broadcast_in_dim3A_11 {add = true} : memref<10000xf32, #tpu.memory_space<vmem>>[vector<16xi32>], vector<16xf32>,
      %get3A_116 = arith.index_cast %scan3A_94 : i32 to index
      %get3A_117 = arith.constant 16 : index
      %get3A_118 = tpu.vector_load %arg6[%get3A_116, %get3A_117] {strides = array<i32>} : memref<125x80xi32, #tpu.memory_space<vmem>>, vector<16xi32>,
      %scatter3A_119 = arith.constant 1 : i32
      %scatter3A_120 = arith.constant 0 : i32
      %scatter3A_121 = tpu.memref_slice %arg7[%scatter3A_119, %scatter3A_120] : memref<2x10000xf32, #tpu.memory_space<vmem>> -> memref<1x10000xf32, #tpu.memory_space<vmem>>
      %scatter3A_122 = tpu.memref_squeeze %scatter3A_121 : memref<1x10000xf32, #tpu.memory_space<vmem>> -> memref<10000xf32, #tpu.memory_space<vmem>>
      tpu.vector_store_idx %scatter3A_122[%get3A_118], %broadcast_in_dim3A_11 {add = true} : memref<10000xf32, #tpu.memory_space<vmem>>[vector<16xi32>], vector<16xf32>,
      %get3A_123 = arith.index_cast %scan3A_94 : i32 to index
      %get3A_124 = arith.constant 32 : index
      %get3A_125 = tpu.vector_load %arg5[%get3A_123, %get3A_124] {strides = array<i32>} : memref<125x80xi32, #tpu.memory_space<vmem>>, vector<16xi32>,
      %scatter3A_126 = arith.constant 0 : i32
      %scatter3A_127 = arith.constant 0 : i32
      %scatter3A_128 = tpu.memref_slice %arg7[%scatter3A_126, %scatter3A_127] : memref<2x10000xf32, #tpu.memory_space<vmem>> -> memref<1x10000xf32, #tpu.memory_space<vmem>>
      %scatter3A_129 = tpu.memref_squeeze %scatter3A_128 : memref<1x10000xf32, #tpu.memory_space<vmem>> -> memref<10000xf32, #tpu.memory_space<vmem>>
      tpu.vector_store_idx %scatter3A_129[%get3A_125], %broadcast_in_dim3A_11 {add = true} : memref<10000xf32, #tpu.memory_space<vmem>>[vector<16xi32>], vector<16xf32>,
      %get3A_130 = arith.index_cast %scan3A_94 : i32 to index
      %get3A_131 = arith.constant 32 : index
      %get3A_132 = tpu.vector_load %arg6[%get3A_130, %get3A_131] {strides = array<i32>} : memref<125x80xi32, #tpu.memory_space<vmem>>, vector<16xi32>,
      %scatter3A_133 = arith.constant 1 : i32
      %scatter3A_134 = arith.constant 0 : i32
      %scatter3A_135 = tpu.memref_slice %arg7[%scatter3A_133, %scatter3A_134] : memref<2x10000xf32, #tpu.memory_space<vmem>> -> memref<1x10000xf32, #tpu.memory_space<vmem>>
      %scatter3A_136 = tpu.memref_squeeze %scatter3A_135 : memref<1x10000xf32, #tpu.memory_space<vmem>> -> memref<10000xf32, #tpu.memory_space<vmem>>
      tpu.vector_store_idx %scatter3A_136[%get3A_132], %broadcast_in_dim3A_11 {add = true} : memref<10000xf32, #tpu.memory_space<vmem>>[vector<16xi32>], vector<16xf32>,
      %get3A_137 = arith.index_cast %scan3A_94 : i32 to index
      %get3A_138 = arith.constant 48 : index
      %get3A_139 = tpu.vector_load %arg5[%get3A_137, %get3A_138] {strides = array<i32>} : memref<125x80xi32, #tpu.memory_space<vmem>>, vector<16xi32>,
      %scatter3A_140 = arith.constant 0 : i32
      %scatter3A_141 = arith.constant 0 : i32
      %scatter3A_142 = tpu.memref_slice %arg7[%scatter3A_140, %scatter3A_141] : memref<2x10000xf32, #tpu.memory_space<vmem>> -> memref<1x10000xf32, #tpu.memory_space<vmem>>
      %scatter3A_143 = tpu.memref_squeeze %scatter3A_142 : memref<1x10000xf32, #tpu.memory_space<vmem>> -> memref<10000xf32, #tpu.memory_space<vmem>>
      tpu.vector_store_idx %scatter3A_143[%get3A_139], %broadcast_in_dim3A_11 {add = true} : memref<10000xf32, #tpu.memory_space<vmem>>[vector<16xi32>], vector<16xf32>,
      %get3A_144 = arith.index_cast %scan3A_94 : i32 to index
      %get3A_145 = arith.constant 48 : index
      %get3A_146 = tpu.vector_load %arg6[%get3A_144, %get3A_145] {strides = array<i32>} : memref<125x80xi32, #tpu.memory_space<vmem>>, vector<16xi32>,
      %scatter3A_147 = arith.constant 1 : i32
      %scatter3A_148 = arith.constant 0 : i32
      %scatter3A_149 = tpu.memref_slice %arg7[%scatter3A_147, %scatter3A_148] : memref<2x10000xf32, #tpu.memory_space<vmem>> -> memref<1x10000xf32, #tpu.memory_space<vmem>>
      %scatter3A_150 = tpu.memref_squeeze %scatter3A_149 : memref<1x10000xf32, #tpu.memory_space<vmem>> -> memref<10000xf32, #tpu.memory_space<vmem>>
      tpu.vector_store_idx %scatter3A_150[%get3A_146], %broadcast_in_dim3A_11 {add = true} : memref<10000xf32, #tpu.memory_space<vmem>>[vector<16xi32>], vector<16xf32>,
      %get3A_151 = arith.index_cast %scan3A_94 : i32 to index
      %get3A_152 = arith.constant 64 : index
      %get3A_153 = tpu.vector_load %arg5[%get3A_151, %get3A_152] {strides = array<i32>} : memref<125x80xi32, #tpu.memory_space<vmem>>, vector<16xi32>,
      %scatter3A_154 = arith.constant 0 : i32
      %scatter3A_155 = arith.constant 0 : i32
      %scatter3A_156 = tpu.memref_slice %arg7[%scatter3A_154, %scatter3A_155] : memref<2x10000xf32, #tpu.memory_space<vmem>> -> memref<1x10000xf32, #tpu.memory_space<vmem>>
      %scatter3A_157 = tpu.memref_squeeze %scatter3A_156 : memref<1x10000xf32, #tpu.memory_space<vmem>> -> memref<10000xf32, #tpu.memory_space<vmem>>
      tpu.vector_store_idx %scatter3A_157[%get3A_153], %broadcast_in_dim3A_11 {add = true} : memref<10000xf32, #tpu.memory_space<vmem>>[vector<16xi32>], vector<16xf32>,
      %get3A_158 = arith.index_cast %scan3A_94 : i32 to index
      %get3A_159 = arith.constant 64 : index
      %get3A_160 = tpu.vector_load %arg6[%get3A_158, %get3A_159] {strides = array<i32>} : memref<125x80xi32, #tpu.memory_space<vmem>>, vector<16xi32>,
      %scatter3A_161 = arith.constant 1 : i32
      %scatter3A_162 = arith.constant 0 : i32
      %scatter3A_163 = tpu.memref_slice %arg7[%scatter3A_161, %scatter3A_162] : memref<2x10000xf32, #tpu.memory_space<vmem>> -> memref<1x10000xf32, #tpu.memory_space<vmem>>
      %scatter3A_164 = tpu.memref_squeeze %scatter3A_163 : memref<1x10000xf32, #tpu.memory_space<vmem>> -> memref<10000xf32, #tpu.memory_space<vmem>>
      tpu.vector_store_idx %scatter3A_164[%get3A_160], %broadcast_in_dim3A_11 {add = true} : memref<10000xf32, #tpu.memory_space<vmem>>[vector<16xi32>], vector<16xf32>,
      %scan3A_165 = arith.constant 1 : i32
      %scan3A_166 = arith.addi %scan3A_94, %scan3A_165 : i32
      %get3A_167 = arith.index_cast %scan3A_166 : i32 to index
      %get3A_168 = arith.constant 0 : index
      %get3A_169 = tpu.vector_load %arg5[%get3A_167, %get3A_168] {strides = array<i32>} : memref<125x80xi32, #tpu.memory_space<vmem>>, vector<16xi32>,
      %scatter3A_170 = arith.constant 0 : i32
      %scatter3A_171 = arith.constant 0 : i32
      %scatter3A_172 = tpu.memref_slice %arg7[%scatter3A_170, %scatter3A_171] : memref<2x10000xf32, #tpu.memory_space<vmem>> -> memref<1x10000xf32, #tpu.memory_space<vmem>>
      %scatter3A_173 = tpu.memref_squeeze %scatter3A_172 : memref<1x10000xf32, #tpu.memory_space<vmem>> -> memref<10000xf32, #tpu.memory_space<vmem>>
      tpu.vector_store_idx %scatter3A_173[%get3A_169], %broadcast_in_dim3A_11 {add = true} : memref<10000xf32, #tpu.memory_space<vmem>>[vector<16xi32>], vector<16xf32>,
      %get3A_174 = arith.index_cast %scan3A_166 : i32 to index
      %get3A_175 = arith.constant 0 : index
      %get3A_176 = tpu.vector_load %arg6[%get3A_174, %get3A_175] {strides = array<i32>} : memref<125x80xi32, #tpu.memory_space<vmem>>, vector<16xi32>,
      %scatter3A_177 = arith.constant 1 : i32
      %scatter3A_178 = arith.constant 0 : i32
      %scatter3A_179 = tpu.memref_slice %arg7[%scatter3A_177, %scatter3A_178] : memref<2x10000xf32, #tpu.memory_space<vmem>> -> memref<1x10000xf32, #tpu.memory_space<vmem>>
      %scatter3A_180 = tpu.memref_squeeze %scatter3A_179 : memref<1x10000xf32, #tpu.memory_space<vmem>> -> memref<10000xf32, #tpu.memory_space<vmem>>
      tpu.vector_store_idx %scatter3A_180[%get3A_176], %broadcast_in_dim3A_11 {add = true} : memref<10000xf32, #tpu.memory_space<vmem>>[vector<16xi32>], vector<16xf32>,
      %get3A_181 = arith.index_cast %scan3A_166 : i32 to index
      %get3A_182 = arith.constant 16 : index
      %get3A_183 = tpu.vector_load %arg5[%get3A_181, %get3A_182] {strides = array<i32>} : memref<125x80xi32, #tpu.memory_space<vmem>>, vector<16xi32>,
      %scatter3A_184 = arith.constant 0 : i32
      %scatter3A_185 = arith.constant 0 : i32
      %scatter3A_186 = tpu.memref_slice %arg7[%scatter3A_184, %scatter3A_185] : memref<2x10000xf32, #tpu.memory_space<vmem>> -> memref<1x10000xf32, #tpu.memory_space<vmem>>
      %scatter3A_187 = tpu.memref_squeeze %scatter3A_186 : memref<1x10000xf32, #tpu.memory_space<vmem>> -> memref<10000xf32, #tpu.memory_space<vmem>>
      tpu.vector_store_idx %scatter3A_187[%get3A_183], %broadcast_in_dim3A_11 {add = true} : memref<10000xf32, #tpu.memory_space<vmem>>[vector<16xi32>], vector<16xf32>,
      %get3A_188 = arith.index_cast %scan3A_166 : i32 to index
      %get3A_189 = arith.constant 16 : index
      %get3A_190 = tpu.vector_load %arg6[%get3A_188, %get3A_189] {strides = array<i32>} : memref<125x80xi32, #tpu.memory_space<vmem>>, vector<16xi32>,
      %scatter3A_191 = arith.constant 1 : i32
      %scatter3A_192 = arith.constant 0 : i32
      %scatter3A_193 = tpu.memref_slice %arg7[%scatter3A_191, %scatter3A_192] : memref<2x10000xf32, #tpu.memory_space<vmem>> -> memref<1x10000xf32, #tpu.memory_space<vmem>>
      %scatter3A_194 = tpu.memref_squeeze %scatter3A_193 : memref<1x10000xf32, #tpu.memory_space<vmem>> -> memref<10000xf32, #tpu.memory_space<vmem>>
      tpu.vector_store_idx %scatter3A_194[%get3A_190], %broadcast_in_dim3A_11 {add = true} : memref<10000xf32, #tpu.memory_space<vmem>>[vector<16xi32>], vector<16xf32>,
      %get3A_195 = arith.index_cast %scan3A_166 : i32 to index
      %get3A_196 = arith.constant 32 : index
      %get3A_197 = tpu.vector_load %arg5[%get3A_195, %get3A_196] {strides = array<i32>} : memref<125x80xi32, #tpu.memory_space<vmem>>, vector<16xi32>,
      %scatter3A_198 = arith.constant 0 : i32
      %scatter3A_199 = arith.constant 0 : i32
      %scatter3A_200 = tpu.memref_slice %arg7[%scatter3A_198, %scatter3A_199] : memref<2x10000xf32, #tpu.memory_space<vmem>> -> memref<1x10000xf32, #tpu.memory_space<vmem>>
      %scatter3A_201 = tpu.memref_squeeze %scatter3A_200 : memref<1x10000xf32, #tpu.memory_space<vmem>> -> memref<10000xf32, #tpu.memory_space<vmem>>
      tpu.vector_store_idx %scatter3A_201[%get3A_197], %broadcast_in_dim3A_11 {add = true} : memref<10000xf32, #tpu.memory_space<vmem>>[vector<16xi32>], vector<16xf32>,
      %get3A_202 = arith.index_cast %scan3A_166 : i32 to index
      %get3A_203 = arith.constant 32 : index
      %get3A_204 = tpu.vector_load %arg6[%get3A_202, %get3A_203] {strides = array<i32>} : memref<125x80xi32, #tpu.memory_space<vmem>>, vector<16xi32>,
      %scatter3A_205 = arith.constant 1 : i32
      %scatter3A_206 = arith.constant 0 : i32
      %scatter3A_207 = tpu.memref_slice %arg7[%scatter3A_205, %scatter3A_206] : memref<2x10000xf32, #tpu.memory_space<vmem>> -> memref<1x10000xf32, #tpu.memory_space<vmem>>
      %scatter3A_208 = tpu.memref_squeeze %scatter3A_207 : memref<1x10000xf32, #tpu.memory_space<vmem>> -> memref<10000xf32, #tpu.memory_space<vmem>>
      tpu.vector_store_idx %scatter3A_208[%get3A_204], %broadcast_in_dim3A_11 {add = true} : memref<10000xf32, #tpu.memory_space<vmem>>[vector<16xi32>], vector<16xf32>,
      %get3A_209 = arith.index_cast %scan3A_166 : i32 to index
      %get3A_210 = arith.constant 48 : index
      %get3A_211 = tpu.vector_load %arg5[%get3A_209, %get3A_210] {strides = array<i32>} : memref<125x80xi32, #tpu.memory_space<vmem>>, vector<16xi32>,
      %scatter3A_212 = arith.constant 0 : i32
      %scatter3A_213 = arith.constant 0 : i32
      %scatter3A_214 = tpu.memref_slice %arg7[%scatter3A_212, %scatter3A_213] : memref<2x10000xf32, #tpu.memory_space<vmem>> -> memref<1x10000xf32, #tpu.memory_space<vmem>>
      %scatter3A_215 = tpu.memref_squeeze %scatter3A_214 : memref<1x10000xf32, #tpu.memory_space<vmem>> -> memref<10000xf32, #tpu.memory_space<vmem>>
      tpu.vector_store_idx %scatter3A_215[%get3A_211], %broadcast_in_dim3A_11 {add = true} : memref<10000xf32, #tpu.memory_space<vmem>>[vector<16xi32>], vector<16xf32>,
      %get3A_216 = arith.index_cast %scan3A_166 : i32 to index
      %get3A_217 = arith.constant 48 : index
      %get3A_218 = tpu.vector_load %arg6[%get3A_216, %get3A_217] {strides = array<i32>} : memref<125x80xi32, #tpu.memory_space<vmem>>, vector<16xi32>,
      %scatter3A_219 = arith.constant 1 : i32
      %scatter3A_220 = arith.constant 0 : i32
      %scatter3A_221 = tpu.memref_slice %arg7[%scatter3A_219, %scatter3A_220] : memref<2x10000xf32, #tpu.memory_space<vmem>> -> memref<1x10000xf32, #tpu.memory_space<vmem>>
      %scatter3A_222 = tpu.memref_squeeze %scatter3A_221 : memref<1x10000xf32, #tpu.memory_space<vmem>> -> memref<10000xf32, #tpu.memory_space<vmem>>
      tpu.vector_store_idx %scatter3A_222[%get3A_218], %broadcast_in_dim3A_11 {add = true} : memref<10000xf32, #tpu.memory_space<vmem>>[vector<16xi32>], vector<16xf32>,
      %get3A_223 = arith.index_cast %scan3A_166 : i32 to index
      %get3A_224 = arith.constant 64 : index
      %get3A_225 = tpu.vector_load %arg5[%get3A_223, %get3A_224] {strides = array<i32>} : memref<125x80xi32, #tpu.memory_space<vmem>>, vector<16xi32>,
      %scatter3A_226 = arith.constant 0 : i32
      %scatter3A_227 = arith.constant 0 : i32
      %scatter3A_228 = tpu.memref_slice %arg7[%scatter3A_226, %scatter3A_227] : memref<2x10000xf32, #tpu.memory_space<vmem>> -> memref<1x10000xf32, #tpu.memory_space<vmem>>
      %scatter3A_229 = tpu.memref_squeeze %scatter3A_228 : memref<1x10000xf32, #tpu.memory_space<vmem>> -> memref<10000xf32, #tpu.memory_space<vmem>>
      tpu.vector_store_idx %scatter3A_229[%get3A_225], %broadcast_in_dim3A_11 {add = true} : memref<10000xf32, #tpu.memory_space<vmem>>[vector<16xi32>], vector<16xf32>,
      %get3A_230 = arith.index_cast %scan3A_166 : i32 to index
      %get3A_231 = arith.constant 64 : index
      %get3A_232 = tpu.vector_load %arg6[%get3A_230, %get3A_231] {strides = array<i32>} : memref<125x80xi32, #tpu.memory_space<vmem>>, vector<16xi32>,
      %scatter3A_233 = arith.constant 1 : i32
      %scatter3A_234 = arith.constant 0 : i32
      %scatter3A_235 = tpu.memref_slice %arg7[%scatter3A_233, %scatter3A_234] : memref<2x10000xf32, #tpu.memory_space<vmem>> -> memref<1x10000xf32, #tpu.memory_space<vmem>>
      %scatter3A_236 = tpu.memref_squeeze %scatter3A_235 : memref<1x10000xf32, #tpu.memory_space<vmem>> -> memref<10000xf32, #tpu.memory_space<vmem>>
      tpu.vector_store_idx %scatter3A_236[%get3A_232], %broadcast_in_dim3A_11 {add = true} : memref<10000xf32, #tpu.memory_space<vmem>>[vector<16xi32>], vector<16xf32>,
    }
    %scan3A_17 = arith.constant 124 : i32
    %scan3A_18 = arith.addi %scan3A_13, %scan3A_17 : i32
    %get3A = arith.index_cast %scan3A_18 : i32 to index
    %get3A_19 = arith.constant 0 : index
    %get3A_20 = tpu.vector_load %arg5[%get3A, %get3A_19] {strides = array<i32>} : memref<125x80xi32, #tpu.memory_space<vmem>>, vector<16xi32>,
    %scatter3A = arith.constant 0 : i32
    %scatter3A_21 = arith.constant 0 : i32
    %scatter3A_22 = tpu.memref_slice %arg7[%scatter3A, %scatter3A_21] : memref<2x10000xf32, #tpu.memory_space<vmem>> -> memref<1x10000xf32, #tpu.memory_space<vmem>>
    %scatter3A_23 = tpu.memref_squeeze %scatter3A_22 : memref<1x10000xf32, #tpu.memory_space<vmem>> -> memref<10000xf32, #tpu.memory_space<vmem>>
    tpu.vector_store_idx %scatter3A_23[%get3A_20], %broadcast_in_dim3A_11 {add = true} : memref<10000xf32, #tpu.memory_space<vmem>>[vector<16xi32>], vector<16xf32>,
    %get3A_24 = arith.index_cast %scan3A_18 : i32 to index
    %get3A_25 = arith.constant 0 : index
    %get3A_26 = tpu.vector_load %arg6[%get3A_24, %get3A_25] {strides = array<i32>} : memref<125x80xi32, #tpu.memory_space<vmem>>, vector<16xi32>,
    %scatter3A_27 = arith.constant 1 : i32
    %scatter3A_28 = arith.constant 0 : i32
    %scatter3A_29 = tpu.memref_slice %arg7[%scatter3A_27, %scatter3A_28] : memref<2x10000xf32, #tpu.memory_space<vmem>> -> memref<1x10000xf32, #tpu.memory_space<vmem>>
    %scatter3A_30 = tpu.memref_squeeze %scatter3A_29 : memref<1x10000xf32, #tpu.memory_space<vmem>> -> memref<10000xf32, #tpu.memory_space<vmem>>
    tpu.vector_store_idx %scatter3A_30[%get3A_26], %broadcast_in_dim3A_11 {add = true} : memref<10000xf32, #tpu.memory_space<vmem>>[vector<16xi32>], vector<16xf32>,
    %get3A_31 = arith.index_cast %scan3A_18 : i32 to index
    %get3A_32 = arith.constant 16 : index
    %get3A_33 = tpu.vector_load %arg5[%get3A_31, %get3A_32] {strides = array<i32>} : memref<125x80xi32, #tpu.memory_space<vmem>>, vector<16xi32>,
    %scatter3A_34 = arith.constant 0 : i32
    %scatter3A_35 = arith.constant 0 : i32
    %scatter3A_36 = tpu.memref_slice %arg7[%scatter3A_34, %scatter3A_35] : memref<2x10000xf32, #tpu.memory_space<vmem>> -> memref<1x10000xf32, #tpu.memory_space<vmem>>
    %scatter3A_37 = tpu.memref_squeeze %scatter3A_36 : memref<1x10000xf32, #tpu.memory_space<vmem>> -> memref<10000xf32, #tpu.memory_space<vmem>>
    tpu.vector_store_idx %scatter3A_37[%get3A_33], %broadcast_in_dim3A_11 {add = true} : memref<10000xf32, #tpu.memory_space<vmem>>[vector<16xi32>], vector<16xf32>,
    %get3A_38 = arith.index_cast %scan3A_18 : i32 to index
    %get3A_39 = arith.constant 16 : index
    %get3A_40 = tpu.vector_load %arg6[%get3A_38, %get3A_39] {strides = array<i32>} : memref<125x80xi32, #tpu.memory_space<vmem>>, vector<16xi32>,
    %scatter3A_41 = arith.constant 1 : i32
    %scatter3A_42 = arith.constant 0 : i32
    %scatter3A_43 = tpu.memref_slice %arg7[%scatter3A_41, %scatter3A_42] : memref<2x10000xf32, #tpu.memory_space<vmem>> -> memref<1x10000xf32, #tpu.memory_space<vmem>>
    %scatter3A_44 = tpu.memref_squeeze %scatter3A_43 : memref<1x10000xf32, #tpu.memory_space<vmem>> -> memref<10000xf32, #tpu.memory_space<vmem>>
    tpu.vector_store_idx %scatter3A_44[%get3A_40], %broadcast_in_dim3A_11 {add = true} : memref<10000xf32, #tpu.memory_space<vmem>>[vector<16xi32>], vector<16xf32>,
    %get3A_45 = arith.index_cast %scan3A_18 : i32 to index
    %get3A_46 = arith.constant 32 : index
    %get3A_47 = tpu.vector_load %arg5[%get3A_45, %get3A_46] {strides = array<i32>} : memref<125x80xi32, #tpu.memory_space<vmem>>, vector<16xi32>,
    %scatter3A_48 = arith.constant 0 : i32
    %scatter3A_49 = arith.constant 0 : i32
    %scatter3A_50 = tpu.memref_slice %arg7[%scatter3A_48, %scatter3A_49] : memref<2x10000xf32, #tpu.memory_space<vmem>> -> memref<1x10000xf32, #tpu.memory_space<vmem>>
    %scatter3A_51 = tpu.memref_squeeze %scatter3A_50 : memref<1x10000xf32, #tpu.memory_space<vmem>> -> memref<10000xf32, #tpu.memory_space<vmem>>
    tpu.vector_store_idx %scatter3A_51[%get3A_47], %broadcast_in_dim3A_11 {add = true} : memref<10000xf32, #tpu.memory_space<vmem>>[vector<16xi32>], vector<16xf32>,
    %get3A_52 = arith.index_cast %scan3A_18 : i32 to index
    %get3A_53 = arith.constant 32 : index
    %get3A_54 = tpu.vector_load %arg6[%get3A_52, %get3A_53] {strides = array<i32>} : memref<125x80xi32, #tpu.memory_space<vmem>>, vector<16xi32>,
    %scatter3A_55 = arith.constant 1 : i32
    %scatter3A_56 = arith.constant 0 : i32
    %scatter3A_57 = tpu.memref_slice %arg7[%scatter3A_55, %scatter3A_56] : memref<2x10000xf32, #tpu.memory_space<vmem>> -> memref<1x10000xf32, #tpu.memory_space<vmem>>
    %scatter3A_58 = tpu.memref_squeeze %scatter3A_57 : memref<1x10000xf32, #tpu.memory_space<vmem>> -> memref<10000xf32, #tpu.memory_space<vmem>>
    tpu.vector_store_idx %scatter3A_58[%get3A_54], %broadcast_in_dim3A_11 {add = true} : memref<10000xf32, #tpu.memory_space<vmem>>[vector<16xi32>], vector<16xf32>,
    %get3A_59 = arith.index_cast %scan3A_18 : i32 to index
    %get3A_60 = arith.constant 48 : index
    %get3A_61 = tpu.vector_load %arg5[%get3A_59, %get3A_60] {strides = array<i32>} : memref<125x80xi32, #tpu.memory_space<vmem>>, vector<16xi32>,
    %scatter3A_62 = arith.constant 0 : i32
    %scatter3A_63 = arith.constant 0 : i32
    %scatter3A_64 = tpu.memref_slice %arg7[%scatter3A_62, %scatter3A_63] : memref<2x10000xf32, #tpu.memory_space<vmem>> -> memref<1x10000xf32, #tpu.memory_space<vmem>>
    %scatter3A_65 = tpu.memref_squeeze %scatter3A_64 : memref<1x10000xf32, #tpu.memory_space<vmem>> -> memref<10000xf32, #tpu.memory_space<vmem>>
    tpu.vector_store_idx %scatter3A_65[%get3A_61], %broadcast_in_dim3A_11 {add = true} : memref<10000xf32, #tpu.memory_space<vmem>>[vector<16xi32>], vector<16xf32>,
    %get3A_66 = arith.index_cast %scan3A_18 : i32 to index
    %get3A_67 = arith.constant 48 : index
    %get3A_68 = tpu.vector_load %arg6[%get3A_66, %get3A_67] {strides = array<i32>} : memref<125x80xi32, #tpu.memory_space<vmem>>, vector<16xi32>,
    %scatter3A_69 = arith.constant 1 : i32
    %scatter3A_70 = arith.constant 0 : i32
    %scatter3A_71 = tpu.memref_slice %arg7[%scatter3A_69, %scatter3A_70] : memref<2x10000xf32, #tpu.memory_space<vmem>> -> memref<1x10000xf32, #tpu.memory_space<vmem>>
    %scatter3A_72 = tpu.memref_squeeze %scatter3A_71 : memref<1x10000xf32, #tpu.memory_space<vmem>> -> memref<10000xf32, #tpu.memory_space<vmem>>
    tpu.vector_store_idx %scatter3A_72[%get3A_68], %broadcast_in_dim3A_11 {add = true} : memref<10000xf32, #tpu.memory_space<vmem>>[vector<16xi32>], vector<16xf32>,
    %get3A_73 = arith.index_cast %scan3A_18 : i32 to index
    %get3A_74 = arith.constant 64 : index
    %get3A_75 = tpu.vector_load %arg5[%get3A_73, %get3A_74] {strides = array<i32>} : memref<125x80xi32, #tpu.memory_space<vmem>>, vector<16xi32>,
    %scatter3A_76 = arith.constant 0 : i32
    %scatter3A_77 = arith.constant 0 : i32
    %scatter3A_78 = tpu.memref_slice %arg7[%scatter3A_76, %scatter3A_77] : memref<2x10000xf32, #tpu.memory_space<vmem>> -> memref<1x10000xf32, #tpu.memory_space<vmem>>
    %scatter3A_79 = tpu.memref_squeeze %scatter3A_78 : memref<1x10000xf32, #tpu.memory_space<vmem>> -> memref<10000xf32, #tpu.memory_space<vmem>>
    tpu.vector_store_idx %scatter3A_79[%get3A_75], %broadcast_in_dim3A_11 {add = true} : memref<10000xf32, #tpu.memory_space<vmem>>[vector<16xi32>], vector<16xf32>,
    %get3A_80 = arith.index_cast %scan3A_18 : i32 to index
    %get3A_81 = arith.constant 64 : index
    %get3A_82 = tpu.vector_load %arg6[%get3A_80, %get3A_81] {strides = array<i32>} : memref<125x80xi32, #tpu.memory_space<vmem>>, vector<16xi32>,
    %scatter3A_83 = arith.constant 1 : i32
    %scatter3A_84 = arith.constant 0 : i32
    %scatter3A_85 = tpu.memref_slice %arg7[%scatter3A_83, %scatter3A_84] : memref<2x10000xf32, #tpu.memory_space<vmem>> -> memref<1x10000xf32, #tpu.memory_space<vmem>>
    %scatter3A_86 = tpu.memref_squeeze %scatter3A_85 : memref<1x10000xf32, #tpu.memory_space<vmem>> -> memref<10000xf32, #tpu.memory_space<vmem>>
    tpu.vector_store_idx %scatter3A_86[%get3A_82], %broadcast_in_dim3A_11 {add = true} : memref<10000xf32, #tpu.memory_space<vmem>>[vector<16xi32>], vector<16xf32>,
    %scan3A_87 = arith.constant 125 : i32
    %barrier3A = arith.constant 0 : index
    tpu.barrier barrier_id(%barrier3A)
    "tpu.region"() ({
      %run_scoped3A_94 = tpu.sem_alloc : memref<!tpu.dma_semaphore, #tpu.memory_space<semaphore_mem>>
      %dma_start3A = arith.constant 0 : i32
      %dma_start3A_95 = arith.constant 0 : i32
      %dma_start3A_96 = tpu.memref_slice %arg9[%dma_start3A, %dma_start3A_95] : memref<2x10000xf32, #tpu.memory_space<vmem_shared>> -> memref<2x10000xf32, #tpu.memory_space<vmem_shared>>
      tpu.enqueue_indirect_dma source(%arg7 : memref<2x10000xf32, #tpu.memory_space<vmem>>) target(%dma_start3A_96 : memref<2x10000xf32, #tpu.memory_space<vmem_shared>>) offsets(%arg8 : memref<2xi32, #tpu.memory_space<vmem>>) semaphore(%run_scoped3A_94 : memref<!tpu.dma_semaphore, #tpu.memory_space<semaphore_mem>>) {add = true}
      %dma_wait3A = arith.constant 0 : i32
      %dma_wait3A_97 = arith.constant 0 : i32
      %dma_wait3A_98 = tpu.memref_slice %arg9[%dma_wait3A, %dma_wait3A_97] : memref<2x10000xf32, #tpu.memory_space<vmem_shared>> -> memref<2x10000xf32, #tpu.memory_space<vmem_shared>>
      tpu.wait_indirect_dma semaphore(%run_scoped3A_94 : memref<!tpu.dma_semaphore, #tpu.memory_space<semaphore_mem>>) src(%arg7 : memref<2x10000xf32, #tpu.memory_space<vmem>>) dst(%dma_wait3A_98 : memref<2x10000xf32, #tpu.memory_space<vmem_shared>>)
      tpu.yield
    }) : () -> ()
    %barrier3A_88 = arith.constant 0 : index
    tpu.barrier barrier_id(%barrier3A_88)
    %eq3A_89 = arith.constant 0 : i32
    %eq3A_90 = arith.cmpi eq, %arg1, %eq3A_89 : i32
    %convert_element_type3A_91 = arith.extui %eq3A_90 : i1 to i32
    %cond3A_92 = arith.constant 0 : i32
    %cond3A_93 = arith.cmpi ne, %convert_element_type3A_91, %cond3A_92 : i32
    scf.if %cond3A_93 {
      "tpu.region"() ({
        %run_scoped3A_94 = tpu.sem_alloc : memref<!tpu.dma_semaphore, #tpu.memory_space<semaphore_mem>>
        %dma_start3A = arith.constant 0 : i32
        %dma_start3A_95 = arith.constant 0 : i32
        %dma_start3A_96 = tpu.memref_slice %arg4[%arg0, %dma_start3A, %dma_start3A_95] : memref<2x2x10000xf32, #tpu.memory_space<hbm>> -> memref<1x2x10000xf32, #tpu.memory_space<hbm>>
        %dma_start3A_97 = tpu.memref_squeeze %dma_start3A_96 : memref<1x2x10000xf32, #tpu.memory_space<hbm>> -> memref<2x10000xf32, #tpu.memory_space<hbm>>
        tpu.enqueue_dma source(%arg9 : memref<2x10000xf32, #tpu.memory_space<vmem_shared>>) target(%dma_start3A_97 : memref<2x10000xf32, #tpu.memory_space<hbm>>) target_semaphore(%run_scoped3A_94 : memref<!tpu.dma_semaphore, #tpu.memory_space<semaphore_mem>>)
        %dma_wait3A = arith.constant 0 : i32
        %dma_wait3A_98 = arith.constant 0 : i32
        %dma_wait3A_99 = tpu.memref_slice %arg4[%arg0, %dma_wait3A, %dma_wait3A_98] : memref<2x2x10000xf32, #tpu.memory_space<hbm>> -> memref<1x2x10000xf32, #tpu.memory_space<hbm>>
        %dma_wait3A_100 = tpu.memref_squeeze %dma_wait3A_99 : memref<1x2x10000xf32, #tpu.memory_space<hbm>> -> memref<2x10000xf32, #tpu.memory_space<hbm>>
        tpu.wait_dma2 semaphore(%run_scoped3A_94 : memref<!tpu.dma_semaphore, #tpu.memory_space<semaphore_mem>>) src(%arg9 : memref<2x10000xf32, #tpu.memory_space<vmem_shared>>) dst(%dma_wait3A_100 : memref<2x10000xf32, #tpu.memory_space<hbm>>)
        tpu.yield
      }) : () -> ()
    } else {
    }
    return
  }
}

#map = affine_map<(d0, d1) -> (0, 0, 0, 0)>
#map1 = affine_map<(d0, d1) -> (0, 0)>
#map2 = affine_map<(d0, d1) -> (0, 0, 0)>
module attributes {stable_mosaic.version = 14 : i64} {
  func.func @_sc_gather_scatter(%arg0: i32, %arg1: i32, %arg2: memref<2x32x125x80xi32, #tpu.memory_space<hbm>>, %arg3: memref<10000x128xf32, #tpu.memory_space<hbm>>, %arg4: memref<2x10000x128xf32, #tpu.memory_space<hbm>>, %arg5: memref<125x80xi32, #tpu.memory_space<vmem>>, %arg6: memref<125x80xi32, #tpu.memory_space<vmem>>, %arg7: memref<80x128xf32, #tpu.memory_space<vmem>>, %arg8: memref<80x128xf32, #tpu.memory_space<vmem>>, %arg9: memref<80x128xf32, #tpu.memory_space<vmem>>, %arg10: memref<10000x128xf32, #tpu.memory_space<vmem_shared>>, %arg11: memref<!tpu.dma_semaphore, #tpu.memory_space<semaphore_mem>>, %arg12: memref<!tpu.dma_semaphore, #tpu.memory_space<semaphore_mem>>, %arg13: memref<!tpu.dma_semaphore, #tpu.memory_space<semaphore_mem>>, %arg14: memref<!tpu.dma_semaphore, #tpu.memory_space<semaphore_mem>>, %arg15: memref<!tpu.dma_semaphore, #tpu.memory_space<semaphore_mem>>, %arg16: memref<!tpu.dma_semaphore, #tpu.memory_space<semaphore_mem>>) attributes {dimension_semantics = [#tpu.dimension_semantics<core_parallel>, #tpu.dimension_semantics<subcore_parallel>], iteration_bounds = array<i64: 2, 16>, scalar_prefetch = 0 : i64, scratch_operands = 12 : i64, tpu.core_type = #tpu.core_type<sc_vector_subcore>, window_params = [{transform_indices = #map}, {transform_indices = #map1}, {transform_indices = #map2}]} {
    %mul3A = arith.constant 2 : i32
    %mul3A_0 = arith.muli %arg1, %mul3A : i32
    %add3A = arith.addi %mul3A_0, %arg0 : i32
    %run_scoped3A = arith.constant 0 : i32
    "tpu.region"() ({
      %run_scoped3A_156 = tpu.sem_alloc : memref<!tpu.dma_semaphore, #tpu.memory_space<semaphore_mem>>
      %dma_start3A_157 = arith.constant 0 : i32
      %dma_start3A_158 = arith.constant 0 : i32
      %dma_start3A_159 = tpu.memref_slice %arg2[%run_scoped3A, %add3A, %dma_start3A_157, %dma_start3A_158] : memref<2x32x125x80xi32, #tpu.memory_space<hbm>> -> memref<1x1x125x80xi32, #tpu.memory_space<hbm>>
      %dma_start3A_160 = tpu.memref_squeeze %dma_start3A_159 : memref<1x1x125x80xi32, #tpu.memory_space<hbm>> -> memref<125x80xi32, #tpu.memory_space<hbm>>
      %dma_start3A_161 = arith.constant 0 : i32
      %dma_start3A_162 = arith.constant 0 : i32
      %dma_start3A_163 = tpu.memref_slice %arg2[%run_scoped3A, %add3A, %dma_start3A_161, %dma_start3A_162] : memref<2x32x125x80xi32, #tpu.memory_space<hbm>> -> memref<1x1x125x80xi32, #tpu.memory_space<hbm>>
      %dma_start3A_164 = tpu.memref_squeeze %dma_start3A_163 : memref<1x1x125x80xi32, #tpu.memory_space<hbm>> -> memref<125x80xi32, #tpu.memory_space<hbm>>
      tpu.enqueue_dma source(%dma_start3A_164 : memref<125x80xi32, #tpu.memory_space<hbm>>) target(%arg5 : memref<125x80xi32, #tpu.memory_space<vmem>>) target_semaphore(%run_scoped3A_156 : memref<!tpu.dma_semaphore, #tpu.memory_space<semaphore_mem>>)
      %dma_wait3A_165 = arith.constant 0 : i32
      %dma_wait3A_166 = arith.constant 0 : i32
      %dma_wait3A_167 = tpu.memref_slice %arg2[%run_scoped3A, %add3A, %dma_wait3A_165, %dma_wait3A_166] : memref<2x32x125x80xi32, #tpu.memory_space<hbm>> -> memref<1x1x125x80xi32, #tpu.memory_space<hbm>>
      %dma_wait3A_168 = tpu.memref_squeeze %dma_wait3A_167 : memref<1x1x125x80xi32, #tpu.memory_space<hbm>> -> memref<125x80xi32, #tpu.memory_space<hbm>>
      %dma_wait3A_169 = arith.constant 0 : i32
      %dma_wait3A_170 = arith.constant 0 : i32
      %dma_wait3A_171 = tpu.memref_slice %arg2[%run_scoped3A, %add3A, %dma_wait3A_169, %dma_wait3A_170] : memref<2x32x125x80xi32, #tpu.memory_space<hbm>> -> memref<1x1x125x80xi32, #tpu.memory_space<hbm>>
      %dma_wait3A_172 = tpu.memref_squeeze %dma_wait3A_171 : memref<1x1x125x80xi32, #tpu.memory_space<hbm>> -> memref<125x80xi32, #tpu.memory_space<hbm>>
      tpu.wait_dma2 semaphore(%run_scoped3A_156 : memref<!tpu.dma_semaphore, #tpu.memory_space<semaphore_mem>>) src(%dma_wait3A_172 : memref<125x80xi32, #tpu.memory_space<hbm>>) dst(%arg5 : memref<125x80xi32, #tpu.memory_space<vmem>>)
      tpu.yield
    }) : () -> ()
    %run_scoped3A_1 = arith.constant 1 : i32
    "tpu.region"() ({
      %run_scoped3A_156 = tpu.sem_alloc : memref<!tpu.dma_semaphore, #tpu.memory_space<semaphore_mem>>
      %dma_start3A_157 = arith.constant 0 : i32
      %dma_start3A_158 = arith.constant 0 : i32
      %dma_start3A_159 = tpu.memref_slice %arg2[%run_scoped3A_1, %add3A, %dma_start3A_157, %dma_start3A_158] : memref<2x32x125x80xi32, #tpu.memory_space<hbm>> -> memref<1x1x125x80xi32, #tpu.memory_space<hbm>>
      %dma_start3A_160 = tpu.memref_squeeze %dma_start3A_159 : memref<1x1x125x80xi32, #tpu.memory_space<hbm>> -> memref<125x80xi32, #tpu.memory_space<hbm>>
      %dma_start3A_161 = arith.constant 0 : i32
      %dma_start3A_162 = arith.constant 0 : i32
      %dma_start3A_163 = tpu.memref_slice %arg2[%run_scoped3A_1, %add3A, %dma_start3A_161, %dma_start3A_162] : memref<2x32x125x80xi32, #tpu.memory_space<hbm>> -> memref<1x1x125x80xi32, #tpu.memory_space<hbm>>
      %dma_start3A_164 = tpu.memref_squeeze %dma_start3A_163 : memref<1x1x125x80xi32, #tpu.memory_space<hbm>> -> memref<125x80xi32, #tpu.memory_space<hbm>>
      tpu.enqueue_dma source(%dma_start3A_164 : memref<125x80xi32, #tpu.memory_space<hbm>>) target(%arg6 : memref<125x80xi32, #tpu.memory_space<vmem>>) target_semaphore(%run_scoped3A_156 : memref<!tpu.dma_semaphore, #tpu.memory_space<semaphore_mem>>)
      %dma_wait3A_165 = arith.constant 0 : i32
      %dma_wait3A_166 = arith.constant 0 : i32
      %dma_wait3A_167 = tpu.memref_slice %arg2[%run_scoped3A_1, %add3A, %dma_wait3A_165, %dma_wait3A_166] : memref<2x32x125x80xi32, #tpu.memory_space<hbm>> -> memref<1x1x125x80xi32, #tpu.memory_space<hbm>>
      %dma_wait3A_168 = tpu.memref_squeeze %dma_wait3A_167 : memref<1x1x125x80xi32, #tpu.memory_space<hbm>> -> memref<125x80xi32, #tpu.memory_space<hbm>>
      %dma_wait3A_169 = arith.constant 0 : i32
      %dma_wait3A_170 = arith.constant 0 : i32
      %dma_wait3A_171 = tpu.memref_slice %arg2[%run_scoped3A_1, %add3A, %dma_wait3A_169, %dma_wait3A_170] : memref<2x32x125x80xi32, #tpu.memory_space<hbm>> -> memref<1x1x125x80xi32, #tpu.memory_space<hbm>>
      %dma_wait3A_172 = tpu.memref_squeeze %dma_wait3A_171 : memref<1x1x125x80xi32, #tpu.memory_space<hbm>> -> memref<125x80xi32, #tpu.memory_space<hbm>>
      tpu.wait_dma2 semaphore(%run_scoped3A_156 : memref<!tpu.dma_semaphore, #tpu.memory_space<semaphore_mem>>) src(%dma_wait3A_172 : memref<125x80xi32, #tpu.memory_space<hbm>>) dst(%arg6 : memref<125x80xi32, #tpu.memory_space<vmem>>)
      tpu.yield
    }) : () -> ()
    %dma_start3A = arith.constant 0 : i32
    %dma_start3A_2 = arith.constant 0 : i32
    %dma_start3A_3 = tpu.memref_slice %arg5[%dma_start3A, %dma_start3A_2] : memref<125x80xi32, #tpu.memory_space<vmem>> -> memref<1x80xi32, #tpu.memory_space<vmem>>
    %dma_start3A_4 = tpu.memref_squeeze %dma_start3A_3 : memref<1x80xi32, #tpu.memory_space<vmem>> -> memref<80xi32, #tpu.memory_space<vmem>>
    %dma_start3A_5 = arith.constant 0 : i32
    %dma_start3A_6 = arith.constant 0 : i32
    %dma_start3A_7 = tpu.memref_slice %arg3[%dma_start3A_5, %dma_start3A_6] : memref<10000x128xf32, #tpu.memory_space<hbm>> -> memref<10000x128xf32, #tpu.memory_space<hbm>>
    tpu.enqueue_indirect_dma source(%dma_start3A_7 : memref<10000x128xf32, #tpu.memory_space<hbm>>) target(%arg7 : memref<80x128xf32, #tpu.memory_space<vmem>>) offsets(%dma_start3A_4 : memref<80xi32, #tpu.memory_space<vmem>>) semaphore(%arg11 : memref<!tpu.dma_semaphore, #tpu.memory_space<semaphore_mem>>)
    %dma_start3A_8 = arith.constant 1 : i32
    %dma_start3A_9 = arith.constant 0 : i32
    %dma_start3A_10 = tpu.memref_slice %arg5[%dma_start3A_8, %dma_start3A_9] : memref<125x80xi32, #tpu.memory_space<vmem>> -> memref<1x80xi32, #tpu.memory_space<vmem>>
    %dma_start3A_11 = tpu.memref_squeeze %dma_start3A_10 : memref<1x80xi32, #tpu.memory_space<vmem>> -> memref<80xi32, #tpu.memory_space<vmem>>
    %dma_start3A_12 = arith.constant 0 : i32
    %dma_start3A_13 = arith.constant 0 : i32
    %dma_start3A_14 = tpu.memref_slice %arg3[%dma_start3A_12, %dma_start3A_13] : memref<10000x128xf32, #tpu.memory_space<hbm>> -> memref<10000x128xf32, #tpu.memory_space<hbm>>
    tpu.enqueue_indirect_dma source(%dma_start3A_14 : memref<10000x128xf32, #tpu.memory_space<hbm>>) target(%arg8 : memref<80x128xf32, #tpu.memory_space<vmem>>) offsets(%dma_start3A_11 : memref<80xi32, #tpu.memory_space<vmem>>) semaphore(%arg12 : memref<!tpu.dma_semaphore, #tpu.memory_space<semaphore_mem>>)
    %eq3A = arith.constant 0 : i32
    %eq3A_15 = arith.cmpi eq, %arg0, %eq3A : i32
    %convert_element_type3A = arith.extui %eq3A_15 : i1 to i32
    %cond3A = arith.constant 0 : i32
    %cond3A_16 = arith.cmpi ne, %convert_element_type3A, %cond3A : i32
    scf.if %cond3A_16 {
      %mul3A_156 = arith.constant 625 : i32
      %mul3A_157 = arith.muli %arg1, %mul3A_156 : i32
      %mul3A_158 = arith.constant 625 : i32
      %mul3A_159 = arith.muli %arg1, %mul3A_158 : i32
      "tpu.region"() ({
        %run_scoped3A_160 = tpu.sem_alloc : memref<!tpu.dma_semaphore, #tpu.memory_space<semaphore_mem>>
        %dma_start3A_161 = arith.constant 0 : i32
        %dma_start3A_162 = tpu.memref_slice %arg10[%mul3A_159, %dma_start3A_161] : memref<10000x128xf32, #tpu.memory_space<vmem_shared>> -> memref<625x128xf32, #tpu.memory_space<vmem_shared>>
        %dma_start3A_163 = arith.constant 0 : i32
        %dma_start3A_164 = tpu.memref_slice %arg3[%mul3A_157, %dma_start3A_163] : memref<10000x128xf32, #tpu.memory_space<hbm>> -> memref<625x128xf32, #tpu.memory_space<hbm>>
        tpu.enqueue_dma source(%dma_start3A_164 : memref<625x128xf32, #tpu.memory_space<hbm>>) target(%dma_start3A_162 : memref<625x128xf32, #tpu.memory_space<vmem_shared>>) target_semaphore(%run_scoped3A_160 : memref<!tpu.dma_semaphore, #tpu.memory_space<semaphore_mem>>)
        %dma_wait3A_165 = arith.constant 0 : i32
        %dma_wait3A_166 = tpu.memref_slice %arg10[%mul3A_159, %dma_wait3A_165] : memref<10000x128xf32, #tpu.memory_space<vmem_shared>> -> memref<625x128xf32, #tpu.memory_space<vmem_shared>>
        %dma_wait3A_167 = arith.constant 0 : i32
        %dma_wait3A_168 = tpu.memref_slice %arg3[%mul3A_157, %dma_wait3A_167] : memref<10000x128xf32, #tpu.memory_space<hbm>> -> memref<625x128xf32, #tpu.memory_space<hbm>>
        tpu.wait_dma2 semaphore(%run_scoped3A_160 : memref<!tpu.dma_semaphore, #tpu.memory_space<semaphore_mem>>) src(%dma_wait3A_168 : memref<625x128xf32, #tpu.memory_space<hbm>>) dst(%dma_wait3A_166 : memref<625x128xf32, #tpu.memory_space<vmem_shared>>)
        tpu.yield
      }) : () -> ()
    } else {
    }
    %ne3A = arith.constant 0 : i32
    %ne3A_17 = arith.cmpi ne, %arg0, %ne3A : i32
    %convert_element_type3A_18 = arith.extui %ne3A_17 : i1 to i32
    %cond3A_19 = arith.constant 0 : i32
    %cond3A_20 = arith.cmpi ne, %convert_element_type3A_18, %cond3A_19 : i32
    scf.if %cond3A_20 {
      %broadcast_in_dim3A = arith.constant 0.000000e+00 : f32
      %broadcast_in_dim3A_156 = vector.broadcast %broadcast_in_dim3A : f32 to vector<16xf32>
      %scan3A_157 = arith.constant 0 : i32
      %scan3A_158 = arith.constant 0 : i32
      %scan3A_159 = arith.constant 80 : i32
      %scan3A_160 = arith.addi %scan3A_158, %scan3A_159 : i32
      %scan3A_161 = arith.constant 1 : i32
      scf.for %scan3A_195 = %scan3A_158 to %scan3A_160 step %scan3A_161  : i32 {
        %swap3A = arith.index_cast %scan3A_195 : i32 to index
        %swap3A_196 = arith.constant 0 : index
        %swap3A_197 = tpu.vector_load %arg9[%swap3A, %swap3A_196] {strides = array<i32>} : memref<80x128xf32, #tpu.memory_space<vmem>>, vector<16xf32>,
        tpu.vector_store %arg9[%swap3A, %swap3A_196], %broadcast_in_dim3A_156 {strides = array<i32>} : memref<80x128xf32, #tpu.memory_space<vmem>>, vector<16xf32>,
        %swap3A_198 = arith.index_cast %scan3A_195 : i32 to index
        %swap3A_199 = arith.constant 16 : index
        %swap3A_200 = tpu.vector_load %arg9[%swap3A_198, %swap3A_199] {strides = array<i32>} : memref<80x128xf32, #tpu.memory_space<vmem>>, vector<16xf32>,
        tpu.vector_store %arg9[%swap3A_198, %swap3A_199], %broadcast_in_dim3A_156 {strides = array<i32>} : memref<80x128xf32, #tpu.memory_space<vmem>>, vector<16xf32>,
        %swap3A_201 = arith.index_cast %scan3A_195 : i32 to index
        %swap3A_202 = arith.constant 32 : index
        %swap3A_203 = tpu.vector_load %arg9[%swap3A_201, %swap3A_202] {strides = array<i32>} : memref<80x128xf32, #tpu.memory_space<vmem>>, vector<16xf32>,
        tpu.vector_store %arg9[%swap3A_201, %swap3A_202], %broadcast_in_dim3A_156 {strides = array<i32>} : memref<80x128xf32, #tpu.memory_space<vmem>>, vector<16xf32>,
        %swap3A_204 = arith.index_cast %scan3A_195 : i32 to index
        %swap3A_205 = arith.constant 48 : index
        %swap3A_206 = tpu.vector_load %arg9[%swap3A_204, %swap3A_205] {strides = array<i32>} : memref<80x128xf32, #tpu.memory_space<vmem>>, vector<16xf32>,
        tpu.vector_store %arg9[%swap3A_204, %swap3A_205], %broadcast_in_dim3A_156 {strides = array<i32>} : memref<80x128xf32, #tpu.memory_space<vmem>>, vector<16xf32>,
        %swap3A_207 = arith.index_cast %scan3A_195 : i32 to index
        %swap3A_208 = arith.constant 64 : index
        %swap3A_209 = tpu.vector_load %arg9[%swap3A_207, %swap3A_208] {strides = array<i32>} : memref<80x128xf32, #tpu.memory_space<vmem>>, vector<16xf32>,
        tpu.vector_store %arg9[%swap3A_207, %swap3A_208], %broadcast_in_dim3A_156 {strides = array<i32>} : memref<80x128xf32, #tpu.memory_space<vmem>>, vector<16xf32>,
        %swap3A_210 = arith.index_cast %scan3A_195 : i32 to index
        %swap3A_211 = arith.constant 80 : index
        %swap3A_212 = tpu.vector_load %arg9[%swap3A_210, %swap3A_211] {strides = array<i32>} : memref<80x128xf32, #tpu.memory_space<vmem>>, vector<16xf32>,
        tpu.vector_store %arg9[%swap3A_210, %swap3A_211], %broadcast_in_dim3A_156 {strides = array<i32>} : memref<80x128xf32, #tpu.memory_space<vmem>>, vector<16xf32>,
        %swap3A_213 = arith.index_cast %scan3A_195 : i32 to index
        %swap3A_214 = arith.constant 96 : index
        %swap3A_215 = tpu.vector_load %arg9[%swap3A_213, %swap3A_214] {strides = array<i32>} : memref<80x128xf32, #tpu.memory_space<vmem>>, vector<16xf32>,
        tpu.vector_store %arg9[%swap3A_213, %swap3A_214], %broadcast_in_dim3A_156 {strides = array<i32>} : memref<80x128xf32, #tpu.memory_space<vmem>>, vector<16xf32>,
        %swap3A_216 = arith.index_cast %scan3A_195 : i32 to index
        %swap3A_217 = arith.constant 112 : index
        %swap3A_218 = tpu.vector_load %arg9[%swap3A_216, %swap3A_217] {strides = array<i32>} : memref<80x128xf32, #tpu.memory_space<vmem>>, vector<16xf32>,
        tpu.vector_store %arg9[%swap3A_216, %swap3A_217], %broadcast_in_dim3A_156 {strides = array<i32>} : memref<80x128xf32, #tpu.memory_space<vmem>>, vector<16xf32>,
      }
      %scan3A_162 = arith.constant 80 : i32
      %mul3A_163 = arith.constant 625 : i32
      %mul3A_164 = arith.muli %arg1, %mul3A_163 : i32
      %add3A_165 = arith.constant 0 : i32
      %add3A_166 = arith.addi %mul3A_164, %add3A_165 : i32
      "tpu.region"() ({
        %run_scoped3A_195 = tpu.sem_alloc : memref<!tpu.dma_semaphore, #tpu.memory_space<semaphore_mem>>
        %dma_start3A_196 = arith.constant 0 : i32
        %dma_start3A_197 = tpu.memref_slice %arg10[%add3A_166, %dma_start3A_196] : memref<10000x128xf32, #tpu.memory_space<vmem_shared>> -> memref<80x128xf32, #tpu.memory_space<vmem_shared>>
        %dma_start3A_198 = arith.constant 0 : i32
        %dma_start3A_199 = tpu.memref_slice %arg10[%add3A_166, %dma_start3A_198] : memref<10000x128xf32, #tpu.memory_space<vmem_shared>> -> memref<80x128xf32, #tpu.memory_space<vmem_shared>>
        tpu.enqueue_dma source(%arg9 : memref<80x128xf32, #tpu.memory_space<vmem>>) target(%dma_start3A_199 : memref<80x128xf32, #tpu.memory_space<vmem_shared>>) target_semaphore(%run_scoped3A_195 : memref<!tpu.dma_semaphore, #tpu.memory_space<semaphore_mem>>)
        %dma_wait3A_200 = arith.constant 0 : i32
        %dma_wait3A_201 = tpu.memref_slice %arg10[%add3A_166, %dma_wait3A_200] : memref<10000x128xf32, #tpu.memory_space<vmem_shared>> -> memref<80x128xf32, #tpu.memory_space<vmem_shared>>
        %dma_wait3A_202 = arith.constant 0 : i32
        %dma_wait3A_203 = tpu.memref_slice %arg10[%add3A_166, %dma_wait3A_202] : memref<10000x128xf32, #tpu.memory_space<vmem_shared>> -> memref<80x128xf32, #tpu.memory_space<vmem_shared>>
        tpu.wait_dma2 semaphore(%run_scoped3A_195 : memref<!tpu.dma_semaphore, #tpu.memory_space<semaphore_mem>>) src(%arg9 : memref<80x128xf32, #tpu.memory_space<vmem>>) dst(%dma_wait3A_203 : memref<80x128xf32, #tpu.memory_space<vmem_shared>>)
        tpu.yield
      }) : () -> ()
      %mul3A_167 = arith.constant 625 : i32
      %mul3A_168 = arith.muli %arg1, %mul3A_167 : i32
      %add3A_169 = arith.constant 80 : i32
      %add3A_170 = arith.addi %mul3A_168, %add3A_169 : i32
      "tpu.region"() ({
        %run_scoped3A_195 = tpu.sem_alloc : memref<!tpu.dma_semaphore, #tpu.memory_space<semaphore_mem>>
        %dma_start3A_196 = arith.constant 0 : i32
        %dma_start3A_197 = tpu.memref_slice %arg10[%add3A_170, %dma_start3A_196] : memref<10000x128xf32, #tpu.memory_space<vmem_shared>> -> memref<80x128xf32, #tpu.memory_space<vmem_shared>>
        %dma_start3A_198 = arith.constant 0 : i32
        %dma_start3A_199 = tpu.memref_slice %arg10[%add3A_170, %dma_start3A_198] : memref<10000x128xf32, #tpu.memory_space<vmem_shared>> -> memref<80x128xf32, #tpu.memory_space<vmem_shared>>
        tpu.enqueue_dma source(%arg9 : memref<80x128xf32, #tpu.memory_space<vmem>>) target(%dma_start3A_199 : memref<80x128xf32, #tpu.memory_space<vmem_shared>>) target_semaphore(%run_scoped3A_195 : memref<!tpu.dma_semaphore, #tpu.memory_space<semaphore_mem>>)
        %dma_wait3A_200 = arith.constant 0 : i32
        %dma_wait3A_201 = tpu.memref_slice %arg10[%add3A_170, %dma_wait3A_200] : memref<10000x128xf32, #tpu.memory_space<vmem_shared>> -> memref<80x128xf32, #tpu.memory_space<vmem_shared>>
        %dma_wait3A_202 = arith.constant 0 : i32
        %dma_wait3A_203 = tpu.memref_slice %arg10[%add3A_170, %dma_wait3A_202] : memref<10000x128xf32, #tpu.memory_space<vmem_shared>> -> memref<80x128xf32, #tpu.memory_space<vmem_shared>>
        tpu.wait_dma2 semaphore(%run_scoped3A_195 : memref<!tpu.dma_semaphore, #tpu.memory_space<semaphore_mem>>) src(%arg9 : memref<80x128xf32, #tpu.memory_space<vmem>>) dst(%dma_wait3A_203 : memref<80x128xf32, #tpu.memory_space<vmem_shared>>)
        tpu.yield
      }) : () -> ()
      %mul3A_171 = arith.constant 625 : i32
      %mul3A_172 = arith.muli %arg1, %mul3A_171 : i32
      %add3A_173 = arith.constant 160 : i32
      %add3A_174 = arith.addi %mul3A_172, %add3A_173 : i32
      "tpu.region"() ({
        %run_scoped3A_195 = tpu.sem_alloc : memref<!tpu.dma_semaphore, #tpu.memory_space<semaphore_mem>>
        %dma_start3A_196 = arith.constant 0 : i32
        %dma_start3A_197 = tpu.memref_slice %arg10[%add3A_174, %dma_start3A_196] : memref<10000x128xf32, #tpu.memory_space<vmem_shared>> -> memref<80x128xf32, #tpu.memory_space<vmem_shared>>
        %dma_start3A_198 = arith.constant 0 : i32
        %dma_start3A_199 = tpu.memref_slice %arg10[%add3A_174, %dma_start3A_198] : memref<10000x128xf32, #tpu.memory_space<vmem_shared>> -> memref<80x128xf32, #tpu.memory_space<vmem_shared>>
        tpu.enqueue_dma source(%arg9 : memref<80x128xf32, #tpu.memory_space<vmem>>) target(%dma_start3A_199 : memref<80x128xf32, #tpu.memory_space<vmem_shared>>) target_semaphore(%run_scoped3A_195 : memref<!tpu.dma_semaphore, #tpu.memory_space<semaphore_mem>>)
        %dma_wait3A_200 = arith.constant 0 : i32
        %dma_wait3A_201 = tpu.memref_slice %arg10[%add3A_174, %dma_wait3A_200] : memref<10000x128xf32, #tpu.memory_space<vmem_shared>> -> memref<80x128xf32, #tpu.memory_space<vmem_shared>>
        %dma_wait3A_202 = arith.constant 0 : i32
        %dma_wait3A_203 = tpu.memref_slice %arg10[%add3A_174, %dma_wait3A_202] : memref<10000x128xf32, #tpu.memory_space<vmem_shared>> -> memref<80x128xf32, #tpu.memory_space<vmem_shared>>
        tpu.wait_dma2 semaphore(%run_scoped3A_195 : memref<!tpu.dma_semaphore, #tpu.memory_space<semaphore_mem>>) src(%arg9 : memref<80x128xf32, #tpu.memory_space<vmem>>) dst(%dma_wait3A_203 : memref<80x128xf32, #tpu.memory_space<vmem_shared>>)
        tpu.yield
      }) : () -> ()
      %mul3A_175 = arith.constant 625 : i32
      %mul3A_176 = arith.muli %arg1, %mul3A_175 : i32
      %add3A_177 = arith.constant 240 : i32
      %add3A_178 = arith.addi %mul3A_176, %add3A_177 : i32
      "tpu.region"() ({
        %run_scoped3A_195 = tpu.sem_alloc : memref<!tpu.dma_semaphore, #tpu.memory_space<semaphore_mem>>
        %dma_start3A_196 = arith.constant 0 : i32
        %dma_start3A_197 = tpu.memref_slice %arg10[%add3A_178, %dma_start3A_196] : memref<10000x128xf32, #tpu.memory_space<vmem_shared>> -> memref<80x128xf32, #tpu.memory_space<vmem_shared>>
        %dma_start3A_198 = arith.constant 0 : i32
        %dma_start3A_199 = tpu.memref_slice %arg10[%add3A_178, %dma_start3A_198] : memref<10000x128xf32, #tpu.memory_space<vmem_shared>> -> memref<80x128xf32, #tpu.memory_space<vmem_shared>>
        tpu.enqueue_dma source(%arg9 : memref<80x128xf32, #tpu.memory_space<vmem>>) target(%dma_start3A_199 : memref<80x128xf32, #tpu.memory_space<vmem_shared>>) target_semaphore(%run_scoped3A_195 : memref<!tpu.dma_semaphore, #tpu.memory_space<semaphore_mem>>)
        %dma_wait3A_200 = arith.constant 0 : i32
        %dma_wait3A_201 = tpu.memref_slice %arg10[%add3A_178, %dma_wait3A_200] : memref<10000x128xf32, #tpu.memory_space<vmem_shared>> -> memref<80x128xf32, #tpu.memory_space<vmem_shared>>
        %dma_wait3A_202 = arith.constant 0 : i32
        %dma_wait3A_203 = tpu.memref_slice %arg10[%add3A_178, %dma_wait3A_202] : memref<10000x128xf32, #tpu.memory_space<vmem_shared>> -> memref<80x128xf32, #tpu.memory_space<vmem_shared>>
        tpu.wait_dma2 semaphore(%run_scoped3A_195 : memref<!tpu.dma_semaphore, #tpu.memory_space<semaphore_mem>>) src(%arg9 : memref<80x128xf32, #tpu.memory_space<vmem>>) dst(%dma_wait3A_203 : memref<80x128xf32, #tpu.memory_space<vmem_shared>>)
        tpu.yield
      }) : () -> ()
      %mul3A_179 = arith.constant 625 : i32
      %mul3A_180 = arith.muli %arg1, %mul3A_179 : i32
      %add3A_181 = arith.constant 320 : i32
      %add3A_182 = arith.addi %mul3A_180, %add3A_181 : i32
      "tpu.region"() ({
        %run_scoped3A_195 = tpu.sem_alloc : memref<!tpu.dma_semaphore, #tpu.memory_space<semaphore_mem>>
        %dma_start3A_196 = arith.constant 0 : i32
        %dma_start3A_197 = tpu.memref_slice %arg10[%add3A_182, %dma_start3A_196] : memref<10000x128xf32, #tpu.memory_space<vmem_shared>> -> memref<80x128xf32, #tpu.memory_space<vmem_shared>>
        %dma_start3A_198 = arith.constant 0 : i32
        %dma_start3A_199 = tpu.memref_slice %arg10[%add3A_182, %dma_start3A_198] : memref<10000x128xf32, #tpu.memory_space<vmem_shared>> -> memref<80x128xf32, #tpu.memory_space<vmem_shared>>
        tpu.enqueue_dma source(%arg9 : memref<80x128xf32, #tpu.memory_space<vmem>>) target(%dma_start3A_199 : memref<80x128xf32, #tpu.memory_space<vmem_shared>>) target_semaphore(%run_scoped3A_195 : memref<!tpu.dma_semaphore, #tpu.memory_space<semaphore_mem>>)
        %dma_wait3A_200 = arith.constant 0 : i32
        %dma_wait3A_201 = tpu.memref_slice %arg10[%add3A_182, %dma_wait3A_200] : memref<10000x128xf32, #tpu.memory_space<vmem_shared>> -> memref<80x128xf32, #tpu.memory_space<vmem_shared>>
        %dma_wait3A_202 = arith.constant 0 : i32
        %dma_wait3A_203 = tpu.memref_slice %arg10[%add3A_182, %dma_wait3A_202] : memref<10000x128xf32, #tpu.memory_space<vmem_shared>> -> memref<80x128xf32, #tpu.memory_space<vmem_shared>>
        tpu.wait_dma2 semaphore(%run_scoped3A_195 : memref<!tpu.dma_semaphore, #tpu.memory_space<semaphore_mem>>) src(%arg9 : memref<80x128xf32, #tpu.memory_space<vmem>>) dst(%dma_wait3A_203 : memref<80x128xf32, #tpu.memory_space<vmem_shared>>)
        tpu.yield
      }) : () -> ()
      %mul3A_183 = arith.constant 625 : i32
      %mul3A_184 = arith.muli %arg1, %mul3A_183 : i32
      %add3A_185 = arith.constant 400 : i32
      %add3A_186 = arith.addi %mul3A_184, %add3A_185 : i32
      "tpu.region"() ({
        %run_scoped3A_195 = tpu.sem_alloc : memref<!tpu.dma_semaphore, #tpu.memory_space<semaphore_mem>>
        %dma_start3A_196 = arith.constant 0 : i32
        %dma_start3A_197 = tpu.memref_slice %arg10[%add3A_186, %dma_start3A_196] : memref<10000x128xf32, #tpu.memory_space<vmem_shared>> -> memref<80x128xf32, #tpu.memory_space<vmem_shared>>
        %dma_start3A_198 = arith.constant 0 : i32
        %dma_start3A_199 = tpu.memref_slice %arg10[%add3A_186, %dma_start3A_198] : memref<10000x128xf32, #tpu.memory_space<vmem_shared>> -> memref<80x128xf32, #tpu.memory_space<vmem_shared>>
        tpu.enqueue_dma source(%arg9 : memref<80x128xf32, #tpu.memory_space<vmem>>) target(%dma_start3A_199 : memref<80x128xf32, #tpu.memory_space<vmem_shared>>) target_semaphore(%run_scoped3A_195 : memref<!tpu.dma_semaphore, #tpu.memory_space<semaphore_mem>>)
        %dma_wait3A_200 = arith.constant 0 : i32
        %dma_wait3A_201 = tpu.memref_slice %arg10[%add3A_186, %dma_wait3A_200] : memref<10000x128xf32, #tpu.memory_space<vmem_shared>> -> memref<80x128xf32, #tpu.memory_space<vmem_shared>>
        %dma_wait3A_202 = arith.constant 0 : i32
        %dma_wait3A_203 = tpu.memref_slice %arg10[%add3A_186, %dma_wait3A_202] : memref<10000x128xf32, #tpu.memory_space<vmem_shared>> -> memref<80x128xf32, #tpu.memory_space<vmem_shared>>
        tpu.wait_dma2 semaphore(%run_scoped3A_195 : memref<!tpu.dma_semaphore, #tpu.memory_space<semaphore_mem>>) src(%arg9 : memref<80x128xf32, #tpu.memory_space<vmem>>) dst(%dma_wait3A_203 : memref<80x128xf32, #tpu.memory_space<vmem_shared>>)
        tpu.yield
      }) : () -> ()
      %mul3A_187 = arith.constant 625 : i32
      %mul3A_188 = arith.muli %arg1, %mul3A_187 : i32
      %add3A_189 = arith.constant 480 : i32
      %add3A_190 = arith.addi %mul3A_188, %add3A_189 : i32
      "tpu.region"() ({
        %run_scoped3A_195 = tpu.sem_alloc : memref<!tpu.dma_semaphore, #tpu.memory_space<semaphore_mem>>
        %dma_start3A_196 = arith.constant 0 : i32
        %dma_start3A_197 = tpu.memref_slice %arg10[%add3A_190, %dma_start3A_196] : memref<10000x128xf32, #tpu.memory_space<vmem_shared>> -> memref<80x128xf32, #tpu.memory_space<vmem_shared>>
        %dma_start3A_198 = arith.constant 0 : i32
        %dma_start3A_199 = tpu.memref_slice %arg10[%add3A_190, %dma_start3A_198] : memref<10000x128xf32, #tpu.memory_space<vmem_shared>> -> memref<80x128xf32, #tpu.memory_space<vmem_shared>>
        tpu.enqueue_dma source(%arg9 : memref<80x128xf32, #tpu.memory_space<vmem>>) target(%dma_start3A_199 : memref<80x128xf32, #tpu.memory_space<vmem_shared>>) target_semaphore(%run_scoped3A_195 : memref<!tpu.dma_semaphore, #tpu.memory_space<semaphore_mem>>)
        %dma_wait3A_200 = arith.constant 0 : i32
        %dma_wait3A_201 = tpu.memref_slice %arg10[%add3A_190, %dma_wait3A_200] : memref<10000x128xf32, #tpu.memory_space<vmem_shared>> -> memref<80x128xf32, #tpu.memory_space<vmem_shared>>
        %dma_wait3A_202 = arith.constant 0 : i32
        %dma_wait3A_203 = tpu.memref_slice %arg10[%add3A_190, %dma_wait3A_202] : memref<10000x128xf32, #tpu.memory_space<vmem_shared>> -> memref<80x128xf32, #tpu.memory_space<vmem_shared>>
        tpu.wait_dma2 semaphore(%run_scoped3A_195 : memref<!tpu.dma_semaphore, #tpu.memory_space<semaphore_mem>>) src(%arg9 : memref<80x128xf32, #tpu.memory_space<vmem>>) dst(%dma_wait3A_203 : memref<80x128xf32, #tpu.memory_space<vmem_shared>>)
        tpu.yield
      }) : () -> ()
      %mul3A_191 = arith.constant 625 : i32
      %mul3A_192 = arith.muli %arg1, %mul3A_191 : i32
      %add3A_193 = arith.constant 560 : i32
      %add3A_194 = arith.addi %mul3A_192, %add3A_193 : i32
      "tpu.region"() ({
        %run_scoped3A_195 = tpu.sem_alloc : memref<!tpu.dma_semaphore, #tpu.memory_space<semaphore_mem>>
        %dma_start3A_196 = arith.constant 0 : i32
        %dma_start3A_197 = arith.constant 0 : i32
        %dma_start3A_198 = tpu.memref_slice %arg9[%dma_start3A_196, %dma_start3A_197] : memref<80x128xf32, #tpu.memory_space<vmem>> -> memref<65x128xf32, #tpu.memory_space<vmem>>
        %dma_start3A_199 = arith.constant 0 : i32
        %dma_start3A_200 = tpu.memref_slice %arg10[%add3A_194, %dma_start3A_199] : memref<10000x128xf32, #tpu.memory_space<vmem_shared>> -> memref<65x128xf32, #tpu.memory_space<vmem_shared>>
        %dma_start3A_201 = arith.constant 0 : i32
        %dma_start3A_202 = tpu.memref_slice %arg10[%add3A_194, %dma_start3A_201] : memref<10000x128xf32, #tpu.memory_space<vmem_shared>> -> memref<65x128xf32, #tpu.memory_space<vmem_shared>>
        %dma_start3A_203 = arith.constant 0 : i32
        %dma_start3A_204 = arith.constant 0 : i32
        %dma_start3A_205 = tpu.memref_slice %arg9[%dma_start3A_203, %dma_start3A_204] : memref<80x128xf32, #tpu.memory_space<vmem>> -> memref<65x128xf32, #tpu.memory_space<vmem>>
        tpu.enqueue_dma source(%dma_start3A_205 : memref<65x128xf32, #tpu.memory_space<vmem>>) target(%dma_start3A_202 : memref<65x128xf32, #tpu.memory_space<vmem_shared>>) target_semaphore(%run_scoped3A_195 : memref<!tpu.dma_semaphore, #tpu.memory_space<semaphore_mem>>)
        %dma_wait3A_206 = arith.constant 0 : i32
        %dma_wait3A_207 = arith.constant 0 : i32
        %dma_wait3A_208 = tpu.memref_slice %arg9[%dma_wait3A_206, %dma_wait3A_207] : memref<80x128xf32, #tpu.memory_space<vmem>> -> memref<65x128xf32, #tpu.memory_space<vmem>>
        %dma_wait3A_209 = arith.constant 0 : i32
        %dma_wait3A_210 = tpu.memref_slice %arg10[%add3A_194, %dma_wait3A_209] : memref<10000x128xf32, #tpu.memory_space<vmem_shared>> -> memref<65x128xf32, #tpu.memory_space<vmem_shared>>
        %dma_wait3A_211 = arith.constant 0 : i32
        %dma_wait3A_212 = tpu.memref_slice %arg10[%add3A_194, %dma_wait3A_211] : memref<10000x128xf32, #tpu.memory_space<vmem_shared>> -> memref<65x128xf32, #tpu.memory_space<vmem_shared>>
        %dma_wait3A_213 = arith.constant 0 : i32
        %dma_wait3A_214 = arith.constant 0 : i32
        %dma_wait3A_215 = tpu.memref_slice %arg9[%dma_wait3A_213, %dma_wait3A_214] : memref<80x128xf32, #tpu.memory_space<vmem>> -> memref<65x128xf32, #tpu.memory_space<vmem>>
        tpu.wait_dma2 semaphore(%run_scoped3A_195 : memref<!tpu.dma_semaphore, #tpu.memory_space<semaphore_mem>>) src(%dma_wait3A_215 : memref<65x128xf32, #tpu.memory_space<vmem>>) dst(%dma_wait3A_212 : memref<65x128xf32, #tpu.memory_space<vmem_shared>>)
        tpu.yield
      }) : () -> ()
    } else {
    }
    %barrier3A = arith.constant 0 : index
    tpu.barrier barrier_id(%barrier3A)
    %dma_wait3A = arith.constant 0 : i32
    %dma_wait3A_21 = arith.constant 0 : i32
    %dma_wait3A_22 = tpu.memref_slice %arg5[%dma_wait3A, %dma_wait3A_21] : memref<125x80xi32, #tpu.memory_space<vmem>> -> memref<1x80xi32, #tpu.memory_space<vmem>>
    %dma_wait3A_23 = tpu.memref_squeeze %dma_wait3A_22 : memref<1x80xi32, #tpu.memory_space<vmem>> -> memref<80xi32, #tpu.memory_space<vmem>>
    %dma_wait3A_24 = arith.constant 0 : i32
    %dma_wait3A_25 = arith.constant 0 : i32
    %dma_wait3A_26 = tpu.memref_slice %arg3[%dma_wait3A_24, %dma_wait3A_25] : memref<10000x128xf32, #tpu.memory_space<hbm>> -> memref<10000x128xf32, #tpu.memory_space<hbm>>
    tpu.wait_indirect_dma semaphore(%arg11 : memref<!tpu.dma_semaphore, #tpu.memory_space<semaphore_mem>>) src(%dma_wait3A_26 : memref<10000x128xf32, #tpu.memory_space<hbm>>) dst(%arg7 : memref<80x128xf32, #tpu.memory_space<vmem>>)
    %dma_start3A_27 = arith.constant 0 : i32
    %dma_start3A_28 = arith.constant 0 : i32
    %dma_start3A_29 = tpu.memref_slice %arg6[%dma_start3A_27, %dma_start3A_28] : memref<125x80xi32, #tpu.memory_space<vmem>> -> memref<1x80xi32, #tpu.memory_space<vmem>>
    %dma_start3A_30 = tpu.memref_squeeze %dma_start3A_29 : memref<1x80xi32, #tpu.memory_space<vmem>> -> memref<80xi32, #tpu.memory_space<vmem>>
    %dma_start3A_31 = arith.constant 0 : i32
    %dma_start3A_32 = arith.constant 0 : i32
    %dma_start3A_33 = tpu.memref_slice %arg10[%dma_start3A_31, %dma_start3A_32] : memref<10000x128xf32, #tpu.memory_space<vmem_shared>> -> memref<10000x128xf32, #tpu.memory_space<vmem_shared>>
    tpu.enqueue_indirect_dma source(%arg7 : memref<80x128xf32, #tpu.memory_space<vmem>>) target(%dma_start3A_33 : memref<10000x128xf32, #tpu.memory_space<vmem_shared>>) offsets(%dma_start3A_30 : memref<80xi32, #tpu.memory_space<vmem>>) semaphore(%arg14 : memref<!tpu.dma_semaphore, #tpu.memory_space<semaphore_mem>>) {add = true}
    %dma_start3A_34 = arith.constant 2 : i32
    %dma_start3A_35 = arith.constant 0 : i32
    %dma_start3A_36 = tpu.memref_slice %arg5[%dma_start3A_34, %dma_start3A_35] : memref<125x80xi32, #tpu.memory_space<vmem>> -> memref<1x80xi32, #tpu.memory_space<vmem>>
    %dma_start3A_37 = tpu.memref_squeeze %dma_start3A_36 : memref<1x80xi32, #tpu.memory_space<vmem>> -> memref<80xi32, #tpu.memory_space<vmem>>
    %dma_start3A_38 = arith.constant 0 : i32
    %dma_start3A_39 = arith.constant 0 : i32
    %dma_start3A_40 = tpu.memref_slice %arg3[%dma_start3A_38, %dma_start3A_39] : memref<10000x128xf32, #tpu.memory_space<hbm>> -> memref<10000x128xf32, #tpu.memory_space<hbm>>
    tpu.enqueue_indirect_dma source(%dma_start3A_40 : memref<10000x128xf32, #tpu.memory_space<hbm>>) target(%arg9 : memref<80x128xf32, #tpu.memory_space<vmem>>) offsets(%dma_start3A_37 : memref<80xi32, #tpu.memory_space<vmem>>) semaphore(%arg13 : memref<!tpu.dma_semaphore, #tpu.memory_space<semaphore_mem>>)
    %dma_wait3A_41 = arith.constant 0 : i32
    %dma_wait3A_42 = arith.constant 0 : i32
    %dma_wait3A_43 = tpu.memref_slice %arg5[%dma_wait3A_41, %dma_wait3A_42] : memref<125x80xi32, #tpu.memory_space<vmem>> -> memref<1x80xi32, #tpu.memory_space<vmem>>
    %dma_wait3A_44 = tpu.memref_squeeze %dma_wait3A_43 : memref<1x80xi32, #tpu.memory_space<vmem>> -> memref<80xi32, #tpu.memory_space<vmem>>
    %dma_wait3A_45 = arith.constant 0 : i32
    %dma_wait3A_46 = arith.constant 0 : i32
    %dma_wait3A_47 = tpu.memref_slice %arg3[%dma_wait3A_45, %dma_wait3A_46] : memref<10000x128xf32, #tpu.memory_space<hbm>> -> memref<10000x128xf32, #tpu.memory_space<hbm>>
    tpu.wait_indirect_dma semaphore(%arg12 : memref<!tpu.dma_semaphore, #tpu.memory_space<semaphore_mem>>) src(%dma_wait3A_47 : memref<10000x128xf32, #tpu.memory_space<hbm>>) dst(%arg8 : memref<80x128xf32, #tpu.memory_space<vmem>>)
    %dma_start3A_48 = arith.constant 1 : i32
    %dma_start3A_49 = arith.constant 0 : i32
    %dma_start3A_50 = tpu.memref_slice %arg6[%dma_start3A_48, %dma_start3A_49] : memref<125x80xi32, #tpu.memory_space<vmem>> -> memref<1x80xi32, #tpu.memory_space<vmem>>
    %dma_start3A_51 = tpu.memref_squeeze %dma_start3A_50 : memref<1x80xi32, #tpu.memory_space<vmem>> -> memref<80xi32, #tpu.memory_space<vmem>>
    %dma_start3A_52 = arith.constant 0 : i32
    %dma_start3A_53 = arith.constant 0 : i32
    %dma_start3A_54 = tpu.memref_slice %arg10[%dma_start3A_52, %dma_start3A_53] : memref<10000x128xf32, #tpu.memory_space<vmem_shared>> -> memref<10000x128xf32, #tpu.memory_space<vmem_shared>>
    tpu.enqueue_indirect_dma source(%arg8 : memref<80x128xf32, #tpu.memory_space<vmem>>) target(%dma_start3A_54 : memref<10000x128xf32, #tpu.memory_space<vmem_shared>>) offsets(%dma_start3A_51 : memref<80xi32, #tpu.memory_space<vmem>>) semaphore(%arg15 : memref<!tpu.dma_semaphore, #tpu.memory_space<semaphore_mem>>) {add = true}
    %dma_wait3A_55 = arith.constant 0 : i32
    %dma_wait3A_56 = arith.constant 0 : i32
    %dma_wait3A_57 = tpu.memref_slice %arg5[%dma_wait3A_55, %dma_wait3A_56] : memref<125x80xi32, #tpu.memory_space<vmem>> -> memref<1x80xi32, #tpu.memory_space<vmem>>
    %dma_wait3A_58 = tpu.memref_squeeze %dma_wait3A_57 : memref<1x80xi32, #tpu.memory_space<vmem>> -> memref<80xi32, #tpu.memory_space<vmem>>
    %dma_wait3A_59 = arith.constant 0 : i32
    %dma_wait3A_60 = arith.constant 0 : i32
    %dma_wait3A_61 = tpu.memref_slice %arg3[%dma_wait3A_59, %dma_wait3A_60] : memref<10000x128xf32, #tpu.memory_space<hbm>> -> memref<10000x128xf32, #tpu.memory_space<hbm>>
    tpu.wait_indirect_dma semaphore(%arg14 : memref<!tpu.dma_semaphore, #tpu.memory_space<semaphore_mem>>) src(%dma_wait3A_61 : memref<10000x128xf32, #tpu.memory_space<hbm>>) dst(%arg7 : memref<80x128xf32, #tpu.memory_space<vmem>>)
    %dma_start3A_62 = arith.constant 3 : i32
    %dma_start3A_63 = arith.constant 0 : i32
    %dma_start3A_64 = tpu.memref_slice %arg5[%dma_start3A_62, %dma_start3A_63] : memref<125x80xi32, #tpu.memory_space<vmem>> -> memref<1x80xi32, #tpu.memory_space<vmem>>
    %dma_start3A_65 = tpu.memref_squeeze %dma_start3A_64 : memref<1x80xi32, #tpu.memory_space<vmem>> -> memref<80xi32, #tpu.memory_space<vmem>>
    %dma_start3A_66 = arith.constant 0 : i32
    %dma_start3A_67 = arith.constant 0 : i32
    %dma_start3A_68 = tpu.memref_slice %arg3[%dma_start3A_66, %dma_start3A_67] : memref<10000x128xf32, #tpu.memory_space<hbm>> -> memref<10000x128xf32, #tpu.memory_space<hbm>>
    tpu.enqueue_indirect_dma source(%dma_start3A_68 : memref<10000x128xf32, #tpu.memory_space<hbm>>) target(%arg7 : memref<80x128xf32, #tpu.memory_space<vmem>>) offsets(%dma_start3A_65 : memref<80xi32, #tpu.memory_space<vmem>>) semaphore(%arg11 : memref<!tpu.dma_semaphore, #tpu.memory_space<semaphore_mem>>)
    %dma_wait3A_69 = arith.constant 0 : i32
    %dma_wait3A_70 = arith.constant 0 : i32
    %dma_wait3A_71 = tpu.memref_slice %arg5[%dma_wait3A_69, %dma_wait3A_70] : memref<125x80xi32, #tpu.memory_space<vmem>> -> memref<1x80xi32, #tpu.memory_space<vmem>>
    %dma_wait3A_72 = tpu.memref_squeeze %dma_wait3A_71 : memref<1x80xi32, #tpu.memory_space<vmem>> -> memref<80xi32, #tpu.memory_space<vmem>>
    %dma_wait3A_73 = arith.constant 0 : i32
    %dma_wait3A_74 = arith.constant 0 : i32
    %dma_wait3A_75 = tpu.memref_slice %arg3[%dma_wait3A_73, %dma_wait3A_74] : memref<10000x128xf32, #tpu.memory_space<hbm>> -> memref<10000x128xf32, #tpu.memory_space<hbm>>
    tpu.wait_indirect_dma semaphore(%arg13 : memref<!tpu.dma_semaphore, #tpu.memory_space<semaphore_mem>>) src(%dma_wait3A_75 : memref<10000x128xf32, #tpu.memory_space<hbm>>) dst(%arg9 : memref<80x128xf32, #tpu.memory_space<vmem>>)
    %dma_start3A_76 = arith.constant 2 : i32
    %dma_start3A_77 = arith.constant 0 : i32
    %dma_start3A_78 = tpu.memref_slice %arg6[%dma_start3A_76, %dma_start3A_77] : memref<125x80xi32, #tpu.memory_space<vmem>> -> memref<1x80xi32, #tpu.memory_space<vmem>>
    %dma_start3A_79 = tpu.memref_squeeze %dma_start3A_78 : memref<1x80xi32, #tpu.memory_space<vmem>> -> memref<80xi32, #tpu.memory_space<vmem>>
    %dma_start3A_80 = arith.constant 0 : i32
    %dma_start3A_81 = arith.constant 0 : i32
    %dma_start3A_82 = tpu.memref_slice %arg10[%dma_start3A_80, %dma_start3A_81] : memref<10000x128xf32, #tpu.memory_space<vmem_shared>> -> memref<10000x128xf32, #tpu.memory_space<vmem_shared>>
    tpu.enqueue_indirect_dma source(%arg9 : memref<80x128xf32, #tpu.memory_space<vmem>>) target(%dma_start3A_82 : memref<10000x128xf32, #tpu.memory_space<vmem_shared>>) offsets(%dma_start3A_79 : memref<80xi32, #tpu.memory_space<vmem>>) semaphore(%arg16 : memref<!tpu.dma_semaphore, #tpu.memory_space<semaphore_mem>>) {add = true}
    %dma_wait3A_83 = arith.constant 0 : i32
    %dma_wait3A_84 = arith.constant 0 : i32
    %dma_wait3A_85 = tpu.memref_slice %arg5[%dma_wait3A_83, %dma_wait3A_84] : memref<125x80xi32, #tpu.memory_space<vmem>> -> memref<1x80xi32, #tpu.memory_space<vmem>>
    %dma_wait3A_86 = tpu.memref_squeeze %dma_wait3A_85 : memref<1x80xi32, #tpu.memory_space<vmem>> -> memref<80xi32, #tpu.memory_space<vmem>>
    %dma_wait3A_87 = arith.constant 0 : i32
    %dma_wait3A_88 = arith.constant 0 : i32
    %dma_wait3A_89 = tpu.memref_slice %arg3[%dma_wait3A_87, %dma_wait3A_88] : memref<10000x128xf32, #tpu.memory_space<hbm>> -> memref<10000x128xf32, #tpu.memory_space<hbm>>
    tpu.wait_indirect_dma semaphore(%arg15 : memref<!tpu.dma_semaphore, #tpu.memory_space<semaphore_mem>>) src(%dma_wait3A_89 : memref<10000x128xf32, #tpu.memory_space<hbm>>) dst(%arg8 : memref<80x128xf32, #tpu.memory_space<vmem>>)
    %dma_start3A_90 = arith.constant 4 : i32
    %dma_start3A_91 = arith.constant 0 : i32
    %dma_start3A_92 = tpu.memref_slice %arg5[%dma_start3A_90, %dma_start3A_91] : memref<125x80xi32, #tpu.memory_space<vmem>> -> memref<1x80xi32, #tpu.memory_space<vmem>>
    %dma_start3A_93 = tpu.memref_squeeze %dma_start3A_92 : memref<1x80xi32, #tpu.memory_space<vmem>> -> memref<80xi32, #tpu.memory_space<vmem>>
    %dma_start3A_94 = arith.constant 0 : i32
    %dma_start3A_95 = arith.constant 0 : i32
    %dma_start3A_96 = tpu.memref_slice %arg3[%dma_start3A_94, %dma_start3A_95] : memref<10000x128xf32, #tpu.memory_space<hbm>> -> memref<10000x128xf32, #tpu.memory_space<hbm>>
    tpu.enqueue_indirect_dma source(%dma_start3A_96 : memref<10000x128xf32, #tpu.memory_space<hbm>>) target(%arg8 : memref<80x128xf32, #tpu.memory_space<vmem>>) offsets(%dma_start3A_93 : memref<80xi32, #tpu.memory_space<vmem>>) semaphore(%arg12 : memref<!tpu.dma_semaphore, #tpu.memory_space<semaphore_mem>>)
    %scan3A = arith.constant 0 : i32
    %scan3A_97 = arith.constant 1 : i32
    %scan3A_98 = arith.constant 40 : i32
    %scan3A_99 = arith.addi %scan3A_97, %scan3A_98 : i32
    %scan3A_100 = arith.constant 1 : i32
    scf.for %scan3A_156 = %scan3A_97 to %scan3A_99 step %scan3A_100  : i32 {
      %mul3A_157 = arith.constant 3 : i32
      %mul3A_158 = arith.muli %mul3A_157, %scan3A_156 : i32
      %add3A_159 = arith.constant 0 : i32
      %add3A_160 = arith.addi %mul3A_158, %add3A_159 : i32
      %dma_wait3A_161 = arith.constant 0 : i32
      %dma_wait3A_162 = arith.constant 0 : i32
      %dma_wait3A_163 = tpu.memref_slice %arg5[%dma_wait3A_161, %dma_wait3A_162] : memref<125x80xi32, #tpu.memory_space<vmem>> -> memref<1x80xi32, #tpu.memory_space<vmem>>
      %dma_wait3A_164 = tpu.memref_squeeze %dma_wait3A_163 : memref<1x80xi32, #tpu.memory_space<vmem>> -> memref<80xi32, #tpu.memory_space<vmem>>
      %dma_wait3A_165 = arith.constant 0 : i32
      %dma_wait3A_166 = arith.constant 0 : i32
      %dma_wait3A_167 = tpu.memref_slice %arg3[%dma_wait3A_165, %dma_wait3A_166] : memref<10000x128xf32, #tpu.memory_space<hbm>> -> memref<10000x128xf32, #tpu.memory_space<hbm>>
      tpu.wait_indirect_dma semaphore(%arg11 : memref<!tpu.dma_semaphore, #tpu.memory_space<semaphore_mem>>) src(%dma_wait3A_167 : memref<10000x128xf32, #tpu.memory_space<hbm>>) dst(%arg7 : memref<80x128xf32, #tpu.memory_space<vmem>>)
      %dma_start3A_168 = arith.constant 0 : i32
      %dma_start3A_169 = tpu.memref_slice %arg6[%add3A_160, %dma_start3A_168] : memref<125x80xi32, #tpu.memory_space<vmem>> -> memref<1x80xi32, #tpu.memory_space<vmem>>
      %dma_start3A_170 = tpu.memref_squeeze %dma_start3A_169 : memref<1x80xi32, #tpu.memory_space<vmem>> -> memref<80xi32, #tpu.memory_space<vmem>>
      %dma_start3A_171 = arith.constant 0 : i32
      %dma_start3A_172 = arith.constant 0 : i32
      %dma_start3A_173 = tpu.memref_slice %arg10[%dma_start3A_171, %dma_start3A_172] : memref<10000x128xf32, #tpu.memory_space<vmem_shared>> -> memref<10000x128xf32, #tpu.memory_space<vmem_shared>>
      tpu.enqueue_indirect_dma source(%arg7 : memref<80x128xf32, #tpu.memory_space<vmem>>) target(%dma_start3A_173 : memref<10000x128xf32, #tpu.memory_space<vmem_shared>>) offsets(%dma_start3A_170 : memref<80xi32, #tpu.memory_space<vmem>>) semaphore(%arg14 : memref<!tpu.dma_semaphore, #tpu.memory_space<semaphore_mem>>) {add = true}
      %dma_wait3A_174 = arith.constant 0 : i32
      %dma_wait3A_175 = arith.constant 0 : i32
      %dma_wait3A_176 = tpu.memref_slice %arg5[%dma_wait3A_174, %dma_wait3A_175] : memref<125x80xi32, #tpu.memory_space<vmem>> -> memref<1x80xi32, #tpu.memory_space<vmem>>
      %dma_wait3A_177 = tpu.memref_squeeze %dma_wait3A_176 : memref<1x80xi32, #tpu.memory_space<vmem>> -> memref<80xi32, #tpu.memory_space<vmem>>
      %dma_wait3A_178 = arith.constant 0 : i32
      %dma_wait3A_179 = arith.constant 0 : i32
      %dma_wait3A_180 = tpu.memref_slice %arg3[%dma_wait3A_178, %dma_wait3A_179] : memref<10000x128xf32, #tpu.memory_space<hbm>> -> memref<10000x128xf32, #tpu.memory_space<hbm>>
      tpu.wait_indirect_dma semaphore(%arg16 : memref<!tpu.dma_semaphore, #tpu.memory_space<semaphore_mem>>) src(%dma_wait3A_180 : memref<10000x128xf32, #tpu.memory_space<hbm>>) dst(%arg9 : memref<80x128xf32, #tpu.memory_space<vmem>>)
      %add3A_181 = arith.constant 0 : i32
      %add3A_182 = arith.addi %mul3A_158, %add3A_181 : i32
      %add3A_183 = arith.constant 2 : i32
      %add3A_184 = arith.addi %add3A_182, %add3A_183 : i32
      %dma_start3A_185 = arith.constant 0 : i32
      %dma_start3A_186 = tpu.memref_slice %arg5[%add3A_184, %dma_start3A_185] : memref<125x80xi32, #tpu.memory_space<vmem>> -> memref<1x80xi32, #tpu.memory_space<vmem>>
      %dma_start3A_187 = tpu.memref_squeeze %dma_start3A_186 : memref<1x80xi32, #tpu.memory_space<vmem>> -> memref<80xi32, #tpu.memory_space<vmem>>
      %dma_start3A_188 = arith.constant 0 : i32
      %dma_start3A_189 = arith.constant 0 : i32
      %dma_start3A_190 = tpu.memref_slice %arg3[%dma_start3A_188, %dma_start3A_189] : memref<10000x128xf32, #tpu.memory_space<hbm>> -> memref<10000x128xf32, #tpu.memory_space<hbm>>
      tpu.enqueue_indirect_dma source(%dma_start3A_190 : memref<10000x128xf32, #tpu.memory_space<hbm>>) target(%arg9 : memref<80x128xf32, #tpu.memory_space<vmem>>) offsets(%dma_start3A_187 : memref<80xi32, #tpu.memory_space<vmem>>) semaphore(%arg13 : memref<!tpu.dma_semaphore, #tpu.memory_space<semaphore_mem>>)
      %add3A_191 = arith.constant 1 : i32
      %add3A_192 = arith.addi %mul3A_158, %add3A_191 : i32
      %dma_wait3A_193 = arith.constant 0 : i32
      %dma_wait3A_194 = arith.constant 0 : i32
      %dma_wait3A_195 = tpu.memref_slice %arg5[%dma_wait3A_193, %dma_wait3A_194] : memref<125x80xi32, #tpu.memory_space<vmem>> -> memref<1x80xi32, #tpu.memory_space<vmem>>
      %dma_wait3A_196 = tpu.memref_squeeze %dma_wait3A_195 : memref<1x80xi32, #tpu.memory_space<vmem>> -> memref<80xi32, #tpu.memory_space<vmem>>
      %dma_wait3A_197 = arith.constant 0 : i32
      %dma_wait3A_198 = arith.constant 0 : i32
      %dma_wait3A_199 = tpu.memref_slice %arg3[%dma_wait3A_197, %dma_wait3A_198] : memref<10000x128xf32, #tpu.memory_space<hbm>> -> memref<10000x128xf32, #tpu.memory_space<hbm>>
      tpu.wait_indirect_dma semaphore(%arg12 : memref<!tpu.dma_semaphore, #tpu.memory_space<semaphore_mem>>) src(%dma_wait3A_199 : memref<10000x128xf32, #tpu.memory_space<hbm>>) dst(%arg8 : memref<80x128xf32, #tpu.memory_space<vmem>>)
      %dma_start3A_200 = arith.constant 0 : i32
      %dma_start3A_201 = tpu.memref_slice %arg6[%add3A_192, %dma_start3A_200] : memref<125x80xi32, #tpu.memory_space<vmem>> -> memref<1x80xi32, #tpu.memory_space<vmem>>
      %dma_start3A_202 = tpu.memref_squeeze %dma_start3A_201 : memref<1x80xi32, #tpu.memory_space<vmem>> -> memref<80xi32, #tpu.memory_space<vmem>>
      %dma_start3A_203 = arith.constant 0 : i32
      %dma_start3A_204 = arith.constant 0 : i32
      %dma_start3A_205 = tpu.memref_slice %arg10[%dma_start3A_203, %dma_start3A_204] : memref<10000x128xf32, #tpu.memory_space<vmem_shared>> -> memref<10000x128xf32, #tpu.memory_space<vmem_shared>>
      tpu.enqueue_indirect_dma source(%arg8 : memref<80x128xf32, #tpu.memory_space<vmem>>) target(%dma_start3A_205 : memref<10000x128xf32, #tpu.memory_space<vmem_shared>>) offsets(%dma_start3A_202 : memref<80xi32, #tpu.memory_space<vmem>>) semaphore(%arg15 : memref<!tpu.dma_semaphore, #tpu.memory_space<semaphore_mem>>) {add = true}
      %dma_wait3A_206 = arith.constant 0 : i32
      %dma_wait3A_207 = arith.constant 0 : i32
      %dma_wait3A_208 = tpu.memref_slice %arg5[%dma_wait3A_206, %dma_wait3A_207] : memref<125x80xi32, #tpu.memory_space<vmem>> -> memref<1x80xi32, #tpu.memory_space<vmem>>
      %dma_wait3A_209 = tpu.memref_squeeze %dma_wait3A_208 : memref<1x80xi32, #tpu.memory_space<vmem>> -> memref<80xi32, #tpu.memory_space<vmem>>
      %dma_wait3A_210 = arith.constant 0 : i32
      %dma_wait3A_211 = arith.constant 0 : i32
      %dma_wait3A_212 = tpu.memref_slice %arg3[%dma_wait3A_210, %dma_wait3A_211] : memref<10000x128xf32, #tpu.memory_space<hbm>> -> memref<10000x128xf32, #tpu.memory_space<hbm>>
      tpu.wait_indirect_dma semaphore(%arg14 : memref<!tpu.dma_semaphore, #tpu.memory_space<semaphore_mem>>) src(%dma_wait3A_212 : memref<10000x128xf32, #tpu.memory_space<hbm>>) dst(%arg7 : memref<80x128xf32, #tpu.memory_space<vmem>>)
      %add3A_213 = arith.constant 1 : i32
      %add3A_214 = arith.addi %mul3A_158, %add3A_213 : i32
      %add3A_215 = arith.constant 2 : i32
      %add3A_216 = arith.addi %add3A_214, %add3A_215 : i32
      %dma_start3A_217 = arith.constant 0 : i32
      %dma_start3A_218 = tpu.memref_slice %arg5[%add3A_216, %dma_start3A_217] : memref<125x80xi32, #tpu.memory_space<vmem>> -> memref<1x80xi32, #tpu.memory_space<vmem>>
      %dma_start3A_219 = tpu.memref_squeeze %dma_start3A_218 : memref<1x80xi32, #tpu.memory_space<vmem>> -> memref<80xi32, #tpu.memory_space<vmem>>
      %dma_start3A_220 = arith.constant 0 : i32
      %dma_start3A_221 = arith.constant 0 : i32
      %dma_start3A_222 = tpu.memref_slice %arg3[%dma_start3A_220, %dma_start3A_221] : memref<10000x128xf32, #tpu.memory_space<hbm>> -> memref<10000x128xf32, #tpu.memory_space<hbm>>
      tpu.enqueue_indirect_dma source(%dma_start3A_222 : memref<10000x128xf32, #tpu.memory_space<hbm>>) target(%arg7 : memref<80x128xf32, #tpu.memory_space<vmem>>) offsets(%dma_start3A_219 : memref<80xi32, #tpu.memory_space<vmem>>) semaphore(%arg11 : memref<!tpu.dma_semaphore, #tpu.memory_space<semaphore_mem>>)
      %add3A_223 = arith.constant 2 : i32
      %add3A_224 = arith.addi %mul3A_158, %add3A_223 : i32
      %dma_wait3A_225 = arith.constant 0 : i32
      %dma_wait3A_226 = arith.constant 0 : i32
      %dma_wait3A_227 = tpu.memref_slice %arg5[%dma_wait3A_225, %dma_wait3A_226] : memref<125x80xi32, #tpu.memory_space<vmem>> -> memref<1x80xi32, #tpu.memory_space<vmem>>
      %dma_wait3A_228 = tpu.memref_squeeze %dma_wait3A_227 : memref<1x80xi32, #tpu.memory_space<vmem>> -> memref<80xi32, #tpu.memory_space<vmem>>
      %dma_wait3A_229 = arith.constant 0 : i32
      %dma_wait3A_230 = arith.constant 0 : i32
      %dma_wait3A_231 = tpu.memref_slice %arg3[%dma_wait3A_229, %dma_wait3A_230] : memref<10000x128xf32, #tpu.memory_space<hbm>> -> memref<10000x128xf32, #tpu.memory_space<hbm>>
      tpu.wait_indirect_dma semaphore(%arg13 : memref<!tpu.dma_semaphore, #tpu.memory_space<semaphore_mem>>) src(%dma_wait3A_231 : memref<10000x128xf32, #tpu.memory_space<hbm>>) dst(%arg9 : memref<80x128xf32, #tpu.memory_space<vmem>>)
      %dma_start3A_232 = arith.constant 0 : i32
      %dma_start3A_233 = tpu.memref_slice %arg6[%add3A_224, %dma_start3A_232] : memref<125x80xi32, #tpu.memory_space<vmem>> -> memref<1x80xi32, #tpu.memory_space<vmem>>
      %dma_start3A_234 = tpu.memref_squeeze %dma_start3A_233 : memref<1x80xi32, #tpu.memory_space<vmem>> -> memref<80xi32, #tpu.memory_space<vmem>>
      %dma_start3A_235 = arith.constant 0 : i32
      %dma_start3A_236 = arith.constant 0 : i32
      %dma_start3A_237 = tpu.memref_slice %arg10[%dma_start3A_235, %dma_start3A_236] : memref<10000x128xf32, #tpu.memory_space<vmem_shared>> -> memref<10000x128xf32, #tpu.memory_space<vmem_shared>>
      tpu.enqueue_indirect_dma source(%arg9 : memref<80x128xf32, #tpu.memory_space<vmem>>) target(%dma_start3A_237 : memref<10000x128xf32, #tpu.memory_space<vmem_shared>>) offsets(%dma_start3A_234 : memref<80xi32, #tpu.memory_space<vmem>>) semaphore(%arg16 : memref<!tpu.dma_semaphore, #tpu.memory_space<semaphore_mem>>) {add = true}
      %dma_wait3A_238 = arith.constant 0 : i32
      %dma_wait3A_239 = arith.constant 0 : i32
      %dma_wait3A_240 = tpu.memref_slice %arg5[%dma_wait3A_238, %dma_wait3A_239] : memref<125x80xi32, #tpu.memory_space<vmem>> -> memref<1x80xi32, #tpu.memory_space<vmem>>
      %dma_wait3A_241 = tpu.memref_squeeze %dma_wait3A_240 : memref<1x80xi32, #tpu.memory_space<vmem>> -> memref<80xi32, #tpu.memory_space<vmem>>
      %dma_wait3A_242 = arith.constant 0 : i32
      %dma_wait3A_243 = arith.constant 0 : i32
      %dma_wait3A_244 = tpu.memref_slice %arg3[%dma_wait3A_242, %dma_wait3A_243] : memref<10000x128xf32, #tpu.memory_space<hbm>> -> memref<10000x128xf32, #tpu.memory_space<hbm>>
      tpu.wait_indirect_dma semaphore(%arg15 : memref<!tpu.dma_semaphore, #tpu.memory_space<semaphore_mem>>) src(%dma_wait3A_244 : memref<10000x128xf32, #tpu.memory_space<hbm>>) dst(%arg8 : memref<80x128xf32, #tpu.memory_space<vmem>>)
      %add3A_245 = arith.constant 2 : i32
      %add3A_246 = arith.addi %mul3A_158, %add3A_245 : i32
      %add3A_247 = arith.constant 2 : i32
      %add3A_248 = arith.addi %add3A_246, %add3A_247 : i32
      %dma_start3A_249 = arith.constant 0 : i32
      %dma_start3A_250 = tpu.memref_slice %arg5[%add3A_248, %dma_start3A_249] : memref<125x80xi32, #tpu.memory_space<vmem>> -> memref<1x80xi32, #tpu.memory_space<vmem>>
      %dma_start3A_251 = tpu.memref_squeeze %dma_start3A_250 : memref<1x80xi32, #tpu.memory_space<vmem>> -> memref<80xi32, #tpu.memory_space<vmem>>
      %dma_start3A_252 = arith.constant 0 : i32
      %dma_start3A_253 = arith.constant 0 : i32
      %dma_start3A_254 = tpu.memref_slice %arg3[%dma_start3A_252, %dma_start3A_253] : memref<10000x128xf32, #tpu.memory_space<hbm>> -> memref<10000x128xf32, #tpu.memory_space<hbm>>
      tpu.enqueue_indirect_dma source(%dma_start3A_254 : memref<10000x128xf32, #tpu.memory_space<hbm>>) target(%arg8 : memref<80x128xf32, #tpu.memory_space<vmem>>) offsets(%dma_start3A_251 : memref<80xi32, #tpu.memory_space<vmem>>) semaphore(%arg12 : memref<!tpu.dma_semaphore, #tpu.memory_space<semaphore_mem>>)
    }
    %scan3A_101 = arith.constant 40 : i32
    %dma_wait3A_102 = arith.constant 0 : i32
    %dma_wait3A_103 = arith.constant 0 : i32
    %dma_wait3A_104 = tpu.memref_slice %arg5[%dma_wait3A_102, %dma_wait3A_103] : memref<125x80xi32, #tpu.memory_space<vmem>> -> memref<1x80xi32, #tpu.memory_space<vmem>>
    %dma_wait3A_105 = tpu.memref_squeeze %dma_wait3A_104 : memref<1x80xi32, #tpu.memory_space<vmem>> -> memref<80xi32, #tpu.memory_space<vmem>>
    %dma_wait3A_106 = arith.constant 0 : i32
    %dma_wait3A_107 = arith.constant 0 : i32
    %dma_wait3A_108 = tpu.memref_slice %arg3[%dma_wait3A_106, %dma_wait3A_107] : memref<10000x128xf32, #tpu.memory_space<hbm>> -> memref<10000x128xf32, #tpu.memory_space<hbm>>
    tpu.wait_indirect_dma semaphore(%arg11 : memref<!tpu.dma_semaphore, #tpu.memory_space<semaphore_mem>>) src(%dma_wait3A_108 : memref<10000x128xf32, #tpu.memory_space<hbm>>) dst(%arg7 : memref<80x128xf32, #tpu.memory_space<vmem>>)
    %dma_start3A_109 = arith.constant 123 : i32
    %dma_start3A_110 = arith.constant 0 : i32
    %dma_start3A_111 = tpu.memref_slice %arg6[%dma_start3A_109, %dma_start3A_110] : memref<125x80xi32, #tpu.memory_space<vmem>> -> memref<1x80xi32, #tpu.memory_space<vmem>>
    %dma_start3A_112 = tpu.memref_squeeze %dma_start3A_111 : memref<1x80xi32, #tpu.memory_space<vmem>> -> memref<80xi32, #tpu.memory_space<vmem>>
    %dma_start3A_113 = arith.constant 0 : i32
    %dma_start3A_114 = arith.constant 0 : i32
    %dma_start3A_115 = tpu.memref_slice %arg10[%dma_start3A_113, %dma_start3A_114] : memref<10000x128xf32, #tpu.memory_space<vmem_shared>> -> memref<10000x128xf32, #tpu.memory_space<vmem_shared>>
    tpu.enqueue_indirect_dma source(%arg7 : memref<80x128xf32, #tpu.memory_space<vmem>>) target(%dma_start3A_115 : memref<10000x128xf32, #tpu.memory_space<vmem_shared>>) offsets(%dma_start3A_112 : memref<80xi32, #tpu.memory_space<vmem>>) semaphore(%arg14 : memref<!tpu.dma_semaphore, #tpu.memory_space<semaphore_mem>>) {add = true}
    %dma_wait3A_116 = arith.constant 0 : i32
    %dma_wait3A_117 = arith.constant 0 : i32
    %dma_wait3A_118 = tpu.memref_slice %arg5[%dma_wait3A_116, %dma_wait3A_117] : memref<125x80xi32, #tpu.memory_space<vmem>> -> memref<1x80xi32, #tpu.memory_space<vmem>>
    %dma_wait3A_119 = tpu.memref_squeeze %dma_wait3A_118 : memref<1x80xi32, #tpu.memory_space<vmem>> -> memref<80xi32, #tpu.memory_space<vmem>>
    %dma_wait3A_120 = arith.constant 0 : i32
    %dma_wait3A_121 = arith.constant 0 : i32
    %dma_wait3A_122 = tpu.memref_slice %arg3[%dma_wait3A_120, %dma_wait3A_121] : memref<10000x128xf32, #tpu.memory_space<hbm>> -> memref<10000x128xf32, #tpu.memory_space<hbm>>
    tpu.wait_indirect_dma semaphore(%arg16 : memref<!tpu.dma_semaphore, #tpu.memory_space<semaphore_mem>>) src(%dma_wait3A_122 : memref<10000x128xf32, #tpu.memory_space<hbm>>) dst(%arg9 : memref<80x128xf32, #tpu.memory_space<vmem>>)
    %dma_wait3A_123 = arith.constant 0 : i32
    %dma_wait3A_124 = arith.constant 0 : i32
    %dma_wait3A_125 = tpu.memref_slice %arg5[%dma_wait3A_123, %dma_wait3A_124] : memref<125x80xi32, #tpu.memory_space<vmem>> -> memref<1x80xi32, #tpu.memory_space<vmem>>
    %dma_wait3A_126 = tpu.memref_squeeze %dma_wait3A_125 : memref<1x80xi32, #tpu.memory_space<vmem>> -> memref<80xi32, #tpu.memory_space<vmem>>
    %dma_wait3A_127 = arith.constant 0 : i32
    %dma_wait3A_128 = arith.constant 0 : i32
    %dma_wait3A_129 = tpu.memref_slice %arg3[%dma_wait3A_127, %dma_wait3A_128] : memref<10000x128xf32, #tpu.memory_space<hbm>> -> memref<10000x128xf32, #tpu.memory_space<hbm>>
    tpu.wait_indirect_dma semaphore(%arg12 : memref<!tpu.dma_semaphore, #tpu.memory_space<semaphore_mem>>) src(%dma_wait3A_129 : memref<10000x128xf32, #tpu.memory_space<hbm>>) dst(%arg8 : memref<80x128xf32, #tpu.memory_space<vmem>>)
    %dma_start3A_130 = arith.constant 124 : i32
    %dma_start3A_131 = arith.constant 0 : i32
    %dma_start3A_132 = tpu.memref_slice %arg6[%dma_start3A_130, %dma_start3A_131] : memref<125x80xi32, #tpu.memory_space<vmem>> -> memref<1x80xi32, #tpu.memory_space<vmem>>
    %dma_start3A_133 = tpu.memref_squeeze %dma_start3A_132 : memref<1x80xi32, #tpu.memory_space<vmem>> -> memref<80xi32, #tpu.memory_space<vmem>>
    %dma_start3A_134 = arith.constant 0 : i32
    %dma_start3A_135 = arith.constant 0 : i32
    %dma_start3A_136 = tpu.memref_slice %arg10[%dma_start3A_134, %dma_start3A_135] : memref<10000x128xf32, #tpu.memory_space<vmem_shared>> -> memref<10000x128xf32, #tpu.memory_space<vmem_shared>>
    tpu.enqueue_indirect_dma source(%arg8 : memref<80x128xf32, #tpu.memory_space<vmem>>) target(%dma_start3A_136 : memref<10000x128xf32, #tpu.memory_space<vmem_shared>>) offsets(%dma_start3A_133 : memref<80xi32, #tpu.memory_space<vmem>>) semaphore(%arg15 : memref<!tpu.dma_semaphore, #tpu.memory_space<semaphore_mem>>) {add = true}
    %dma_wait3A_137 = arith.constant 0 : i32
    %dma_wait3A_138 = arith.constant 0 : i32
    %dma_wait3A_139 = tpu.memref_slice %arg5[%dma_wait3A_137, %dma_wait3A_138] : memref<125x80xi32, #tpu.memory_space<vmem>> -> memref<1x80xi32, #tpu.memory_space<vmem>>
    %dma_wait3A_140 = tpu.memref_squeeze %dma_wait3A_139 : memref<1x80xi32, #tpu.memory_space<vmem>> -> memref<80xi32, #tpu.memory_space<vmem>>
    %dma_wait3A_141 = arith.constant 0 : i32
    %dma_wait3A_142 = arith.constant 0 : i32
    %dma_wait3A_143 = tpu.memref_slice %arg3[%dma_wait3A_141, %dma_wait3A_142] : memref<10000x128xf32, #tpu.memory_space<hbm>> -> memref<10000x128xf32, #tpu.memory_space<hbm>>
    tpu.wait_indirect_dma semaphore(%arg14 : memref<!tpu.dma_semaphore, #tpu.memory_space<semaphore_mem>>) src(%dma_wait3A_143 : memref<10000x128xf32, #tpu.memory_space<hbm>>) dst(%arg7 : memref<80x128xf32, #tpu.memory_space<vmem>>)
    %dma_wait3A_144 = arith.constant 0 : i32
    %dma_wait3A_145 = arith.constant 0 : i32
    %dma_wait3A_146 = tpu.memref_slice %arg5[%dma_wait3A_144, %dma_wait3A_145] : memref<125x80xi32, #tpu.memory_space<vmem>> -> memref<1x80xi32, #tpu.memory_space<vmem>>
    %dma_wait3A_147 = tpu.memref_squeeze %dma_wait3A_146 : memref<1x80xi32, #tpu.memory_space<vmem>> -> memref<80xi32, #tpu.memory_space<vmem>>
    %dma_wait3A_148 = arith.constant 0 : i32
    %dma_wait3A_149 = arith.constant 0 : i32
    %dma_wait3A_150 = tpu.memref_slice %arg3[%dma_wait3A_148, %dma_wait3A_149] : memref<10000x128xf32, #tpu.memory_space<hbm>> -> memref<10000x128xf32, #tpu.memory_space<hbm>>
    tpu.wait_indirect_dma semaphore(%arg15 : memref<!tpu.dma_semaphore, #tpu.memory_space<semaphore_mem>>) src(%dma_wait3A_150 : memref<10000x128xf32, #tpu.memory_space<hbm>>) dst(%arg8 : memref<80x128xf32, #tpu.memory_space<vmem>>)
    %barrier3A_151 = arith.constant 0 : index
    tpu.barrier barrier_id(%barrier3A_151)
    %mul3A_152 = arith.constant 625 : i32
    %mul3A_153 = arith.muli %arg1, %mul3A_152 : i32
    %mul3A_154 = arith.constant 625 : i32
    %mul3A_155 = arith.muli %arg1, %mul3A_154 : i32
    "tpu.region"() ({
      %run_scoped3A_156 = tpu.sem_alloc : memref<!tpu.dma_semaphore, #tpu.memory_space<semaphore_mem>>
      %dma_start3A_157 = arith.constant 0 : i32
      %dma_start3A_158 = arith.constant 0 : i32
      %dma_start3A_159 = tpu.memref_slice %arg4[%arg0, %dma_start3A_157, %dma_start3A_158] : memref<2x10000x128xf32, #tpu.memory_space<hbm>> -> memref<1x10000x128xf32, #tpu.memory_space<hbm>>
      %dma_start3A_160 = tpu.memref_squeeze %dma_start3A_159 : memref<1x10000x128xf32, #tpu.memory_space<hbm>> -> memref<10000x128xf32, #tpu.memory_space<hbm>>
      %dma_start3A_161 = arith.constant 0 : i32
      %dma_start3A_162 = tpu.memref_slice %dma_start3A_160[%mul3A_155, %dma_start3A_161] : memref<10000x128xf32, #tpu.memory_space<hbm>> -> memref<625x128xf32, #tpu.memory_space<hbm>>
      %dma_start3A_163 = arith.constant 0 : i32
      %dma_start3A_164 = tpu.memref_slice %arg10[%mul3A_153, %dma_start3A_163] : memref<10000x128xf32, #tpu.memory_space<vmem_shared>> -> memref<625x128xf32, #tpu.memory_space<vmem_shared>>
      tpu.enqueue_dma source(%dma_start3A_164 : memref<625x128xf32, #tpu.memory_space<vmem_shared>>) target(%dma_start3A_162 : memref<625x128xf32, #tpu.memory_space<hbm>>) target_semaphore(%run_scoped3A_156 : memref<!tpu.dma_semaphore, #tpu.memory_space<semaphore_mem>>)
      %dma_wait3A_165 = arith.constant 0 : i32
      %dma_wait3A_166 = arith.constant 0 : i32
      %dma_wait3A_167 = tpu.memref_slice %arg4[%arg0, %dma_wait3A_165, %dma_wait3A_166] : memref<2x10000x128xf32, #tpu.memory_space<hbm>> -> memref<1x10000x128xf32, #tpu.memory_space<hbm>>
      %dma_wait3A_168 = tpu.memref_squeeze %dma_wait3A_167 : memref<1x10000x128xf32, #tpu.memory_space<hbm>> -> memref<10000x128xf32, #tpu.memory_space<hbm>>
      %dma_wait3A_169 = arith.constant 0 : i32
      %dma_wait3A_170 = tpu.memref_slice %dma_wait3A_168[%mul3A_155, %dma_wait3A_169] : memref<10000x128xf32, #tpu.memory_space<hbm>> -> memref<625x128xf32, #tpu.memory_space<hbm>>
      %dma_wait3A_171 = arith.constant 0 : i32
      %dma_wait3A_172 = tpu.memref_slice %arg10[%mul3A_153, %dma_wait3A_171] : memref<10000x128xf32, #tpu.memory_space<vmem_shared>> -> memref<625x128xf32, #tpu.memory_space<vmem_shared>>
      tpu.wait_dma2 semaphore(%run_scoped3A_156 : memref<!tpu.dma_semaphore, #tpu.memory_space<semaphore_mem>>) src(%dma_wait3A_172 : memref<625x128xf32, #tpu.memory_space<vmem_shared>>) dst(%dma_wait3A_170 : memref<625x128xf32, #tpu.memory_space<hbm>>)
      tpu.yield
    }) : () -> ()
    return
  }
}

#map = affine_map<(d0, d1) -> (0, 0, 0, 0)>
#map1 = affine_map<(d0, d1) -> (0)>
#map2 = affine_map<(d0, d1) -> (0, 0)>
module attributes {stable_mosaic.version = 14 : i64} {
  func.func @_sc_scalar(%arg0: i32, %arg1: i32, %arg2: memref<2x32x125x80xi32, #tpu.memory_space<hbm>>, %arg3: memref<10000xf32, #tpu.memory_space<hbm>>, %arg4: memref<1xi32, #tpu.memory_space<hbm>>, %arg5: memref<2x10000xf32, #tpu.memory_space<hbm>>, %arg6: memref<125x80xi32, #tpu.memory_space<vmem>>, %arg7: memref<125x80xi32, #tpu.memory_space<vmem>>, %arg8: memref<10000xf32, #tpu.memory_space<vmem>>, %arg9: memref<1x10000xf32, #tpu.memory_space<vmem>>, %arg10: memref<1xi32, #tpu.memory_space<vmem>>, %arg11: memref<1x10000xf32, #tpu.memory_space<vmem_shared>>) attributes {dimension_semantics = [#tpu.dimension_semantics<core_parallel>, #tpu.dimension_semantics<subcore_parallel>], iteration_bounds = array<i64: 2, 16>, scalar_prefetch = 0 : i64, scratch_operands = 6 : i64, tpu.core_type = #tpu.core_type<sc_vector_subcore>, window_params = [{transform_indices = #map}, {transform_indices = #map1}, {transform_indices = #map1}, {transform_indices = #map2}]} {
    %mul3A = arith.constant 2 : i32
    %mul3A_0 = arith.muli %arg1, %mul3A : i32
    %add3A = arith.addi %mul3A_0, %arg0 : i32
    %run_scoped3A = arith.constant 0 : i32
    "tpu.region"() ({
      %run_scoped3A_22 = tpu.sem_alloc : memref<!tpu.dma_semaphore, #tpu.memory_space<semaphore_mem>>
      %dma_start3A = arith.constant 0 : i32
      %dma_start3A_23 = arith.constant 0 : i32
      %dma_start3A_24 = tpu.memref_slice %arg2[%run_scoped3A, %add3A, %dma_start3A, %dma_start3A_23] : memref<2x32x125x80xi32, #tpu.memory_space<hbm>> -> memref<1x1x125x80xi32, #tpu.memory_space<hbm>>
      %dma_start3A_25 = tpu.memref_squeeze %dma_start3A_24 : memref<1x1x125x80xi32, #tpu.memory_space<hbm>> -> memref<125x80xi32, #tpu.memory_space<hbm>>
      %dma_start3A_26 = arith.constant 0 : i32
      %dma_start3A_27 = arith.constant 0 : i32
      %dma_start3A_28 = tpu.memref_slice %arg2[%run_scoped3A, %add3A, %dma_start3A_26, %dma_start3A_27] : memref<2x32x125x80xi32, #tpu.memory_space<hbm>> -> memref<1x1x125x80xi32, #tpu.memory_space<hbm>>
      %dma_start3A_29 = tpu.memref_squeeze %dma_start3A_28 : memref<1x1x125x80xi32, #tpu.memory_space<hbm>> -> memref<125x80xi32, #tpu.memory_space<hbm>>
      tpu.enqueue_dma source(%dma_start3A_29 : memref<125x80xi32, #tpu.memory_space<hbm>>) target(%arg6 : memref<125x80xi32, #tpu.memory_space<vmem>>) target_semaphore(%run_scoped3A_22 : memref<!tpu.dma_semaphore, #tpu.memory_space<semaphore_mem>>)
      %dma_wait3A = arith.constant 0 : i32
      %dma_wait3A_30 = arith.constant 0 : i32
      %dma_wait3A_31 = tpu.memref_slice %arg2[%run_scoped3A, %add3A, %dma_wait3A, %dma_wait3A_30] : memref<2x32x125x80xi32, #tpu.memory_space<hbm>> -> memref<1x1x125x80xi32, #tpu.memory_space<hbm>>
      %dma_wait3A_32 = tpu.memref_squeeze %dma_wait3A_31 : memref<1x1x125x80xi32, #tpu.memory_space<hbm>> -> memref<125x80xi32, #tpu.memory_space<hbm>>
      %dma_wait3A_33 = arith.constant 0 : i32
      %dma_wait3A_34 = arith.constant 0 : i32
      %dma_wait3A_35 = tpu.memref_slice %arg2[%run_scoped3A, %add3A, %dma_wait3A_33, %dma_wait3A_34] : memref<2x32x125x80xi32, #tpu.memory_space<hbm>> -> memref<1x1x125x80xi32, #tpu.memory_space<hbm>>
      %dma_wait3A_36 = tpu.memref_squeeze %dma_wait3A_35 : memref<1x1x125x80xi32, #tpu.memory_space<hbm>> -> memref<125x80xi32, #tpu.memory_space<hbm>>
      tpu.wait_dma2 semaphore(%run_scoped3A_22 : memref<!tpu.dma_semaphore, #tpu.memory_space<semaphore_mem>>) src(%dma_wait3A_36 : memref<125x80xi32, #tpu.memory_space<hbm>>) dst(%arg6 : memref<125x80xi32, #tpu.memory_space<vmem>>)
      tpu.yield
    }) : () -> ()
    %run_scoped3A_1 = arith.constant 1 : i32
    "tpu.region"() ({
      %run_scoped3A_22 = tpu.sem_alloc : memref<!tpu.dma_semaphore, #tpu.memory_space<semaphore_mem>>
      %dma_start3A = arith.constant 0 : i32
      %dma_start3A_23 = arith.constant 0 : i32
      %dma_start3A_24 = tpu.memref_slice %arg2[%run_scoped3A_1, %add3A, %dma_start3A, %dma_start3A_23] : memref<2x32x125x80xi32, #tpu.memory_space<hbm>> -> memref<1x1x125x80xi32, #tpu.memory_space<hbm>>
      %dma_start3A_25 = tpu.memref_squeeze %dma_start3A_24 : memref<1x1x125x80xi32, #tpu.memory_space<hbm>> -> memref<125x80xi32, #tpu.memory_space<hbm>>
      %dma_start3A_26 = arith.constant 0 : i32
      %dma_start3A_27 = arith.constant 0 : i32
      %dma_start3A_28 = tpu.memref_slice %arg2[%run_scoped3A_1, %add3A, %dma_start3A_26, %dma_start3A_27] : memref<2x32x125x80xi32, #tpu.memory_space<hbm>> -> memref<1x1x125x80xi32, #tpu.memory_space<hbm>>
      %dma_start3A_29 = tpu.memref_squeeze %dma_start3A_28 : memref<1x1x125x80xi32, #tpu.memory_space<hbm>> -> memref<125x80xi32, #tpu.memory_space<hbm>>
      tpu.enqueue_dma source(%dma_start3A_29 : memref<125x80xi32, #tpu.memory_space<hbm>>) target(%arg7 : memref<125x80xi32, #tpu.memory_space<vmem>>) target_semaphore(%run_scoped3A_22 : memref<!tpu.dma_semaphore, #tpu.memory_space<semaphore_mem>>)
      %dma_wait3A = arith.constant 0 : i32
      %dma_wait3A_30 = arith.constant 0 : i32
      %dma_wait3A_31 = tpu.memref_slice %arg2[%run_scoped3A_1, %add3A, %dma_wait3A, %dma_wait3A_30] : memref<2x32x125x80xi32, #tpu.memory_space<hbm>> -> memref<1x1x125x80xi32, #tpu.memory_space<hbm>>
      %dma_wait3A_32 = tpu.memref_squeeze %dma_wait3A_31 : memref<1x1x125x80xi32, #tpu.memory_space<hbm>> -> memref<125x80xi32, #tpu.memory_space<hbm>>
      %dma_wait3A_33 = arith.constant 0 : i32
      %dma_wait3A_34 = arith.constant 0 : i32
      %dma_wait3A_35 = tpu.memref_slice %arg2[%run_scoped3A_1, %add3A, %dma_wait3A_33, %dma_wait3A_34] : memref<2x32x125x80xi32, #tpu.memory_space<hbm>> -> memref<1x1x125x80xi32, #tpu.memory_space<hbm>>
      %dma_wait3A_36 = tpu.memref_squeeze %dma_wait3A_35 : memref<1x1x125x80xi32, #tpu.memory_space<hbm>> -> memref<125x80xi32, #tpu.memory_space<hbm>>
      tpu.wait_dma2 semaphore(%run_scoped3A_22 : memref<!tpu.dma_semaphore, #tpu.memory_space<semaphore_mem>>) src(%dma_wait3A_36 : memref<125x80xi32, #tpu.memory_space<hbm>>) dst(%arg7 : memref<125x80xi32, #tpu.memory_space<vmem>>)
      tpu.yield
    }) : () -> ()
    "tpu.region"() ({
      %run_scoped3A_22 = tpu.sem_alloc : memref<!tpu.dma_semaphore, #tpu.memory_space<semaphore_mem>>
      tpu.enqueue_dma source(%arg3 : memref<10000xf32, #tpu.memory_space<hbm>>) target(%arg8 : memref<10000xf32, #tpu.memory_space<vmem>>) target_semaphore(%run_scoped3A_22 : memref<!tpu.dma_semaphore, #tpu.memory_space<semaphore_mem>>)
      tpu.wait_dma2 semaphore(%run_scoped3A_22 : memref<!tpu.dma_semaphore, #tpu.memory_space<semaphore_mem>>) src(%arg3 : memref<10000xf32, #tpu.memory_space<hbm>>) dst(%arg8 : memref<10000xf32, #tpu.memory_space<vmem>>)
      tpu.yield
    }) : () -> ()
    "tpu.region"() ({
      %run_scoped3A_22 = tpu.sem_alloc : memref<!tpu.dma_semaphore, #tpu.memory_space<semaphore_mem>>
      tpu.enqueue_dma source(%arg4 : memref<1xi32, #tpu.memory_space<hbm>>) target(%arg10 : memref<1xi32, #tpu.memory_space<vmem>>) target_semaphore(%run_scoped3A_22 : memref<!tpu.dma_semaphore, #tpu.memory_space<semaphore_mem>>)
      tpu.wait_dma2 semaphore(%run_scoped3A_22 : memref<!tpu.dma_semaphore, #tpu.memory_space<semaphore_mem>>) src(%arg4 : memref<1xi32, #tpu.memory_space<hbm>>) dst(%arg10 : memref<1xi32, #tpu.memory_space<vmem>>)
      tpu.yield
    }) : () -> ()
    %broadcast_in_dim3A = arith.constant 0.000000e+00 : f32
    %broadcast_in_dim3A_2 = vector.broadcast %broadcast_in_dim3A : f32 to vector<16xf32>
    %scan3A = arith.constant 0 : i32
    %scan3A_3 = arith.constant 0 : i32
    %scan3A_4 = arith.constant 625 : i32
    %scan3A_5 = arith.addi %scan3A_3, %scan3A_4 : i32
    %scan3A_6 = arith.constant 1 : i32
    scf.for %scan3A_22 = %scan3A_3 to %scan3A_5 step %scan3A_6  : i32 {
      %mul3A_23 = arith.constant 16 : i32
      %mul3A_24 = arith.muli %scan3A_22, %mul3A_23 : i32
      %swap3A = arith.constant 0 : i32
      %swap3A_25 = arith.index_cast %swap3A : i32 to index
      %swap3A_26 = arith.index_cast %mul3A_24 : i32 to index
      %swap3A_27 = tpu.vector_load %arg9[%swap3A_25, %swap3A_26] {strides = array<i32>} : memref<1x10000xf32, #tpu.memory_space<vmem>>, vector<16xf32>,
      tpu.vector_store %arg9[%swap3A_25, %swap3A_26], %broadcast_in_dim3A_2 {strides = array<i32>} : memref<1x10000xf32, #tpu.memory_space<vmem>>, vector<16xf32>,
    }
    %scan3A_7 = arith.constant 625 : i32
    %eq3A = arith.constant 0 : i32
    %eq3A_8 = arith.cmpi eq, %arg1, %eq3A : i32
    %convert_element_type3A = arith.extui %eq3A_8 : i1 to i32
    %cond3A = arith.constant 0 : i32
    %cond3A_9 = arith.cmpi ne, %convert_element_type3A, %cond3A : i32
    scf.if %cond3A_9 {
      "tpu.region"() ({
        %run_scoped3A_22 = tpu.sem_alloc : memref<!tpu.dma_semaphore, #tpu.memory_space<semaphore_mem>>
        tpu.enqueue_dma source(%arg9 : memref<1x10000xf32, #tpu.memory_space<vmem>>) target(%arg11 : memref<1x10000xf32, #tpu.memory_space<vmem_shared>>) target_semaphore(%run_scoped3A_22 : memref<!tpu.dma_semaphore, #tpu.memory_space<semaphore_mem>>)
        tpu.wait_dma2 semaphore(%run_scoped3A_22 : memref<!tpu.dma_semaphore, #tpu.memory_space<semaphore_mem>>) src(%arg9 : memref<1x10000xf32, #tpu.memory_space<vmem>>) dst(%arg11 : memref<1x10000xf32, #tpu.memory_space<vmem_shared>>)
        tpu.yield
      }) : () -> ()
    } else {
    }
    %scan3A_10 = arith.constant 0 : i32
    %scan3A_11 = arith.constant 0 : i32
    %scan3A_12 = arith.constant 125 : i32
    %scan3A_13 = arith.addi %scan3A_11, %scan3A_12 : i32
    %scan3A_14 = arith.constant 1 : i32
    scf.for %scan3A_22 = %scan3A_11 to %scan3A_13 step %scan3A_14  : i32 {
      %get3A = arith.index_cast %scan3A_22 : i32 to index
      %get3A_23 = arith.constant 0 : index
      %get3A_24 = tpu.vector_load %arg6[%get3A, %get3A_23] {strides = array<i32>} : memref<125x80xi32, #tpu.memory_space<vmem>>, vector<16xi32>,
      %gather3A = tpu.vector_load_idx %arg8[%get3A_24] : memref<10000xf32, #tpu.memory_space<vmem>>[vector<16xi32>], vector<16xf32>,
      %get3A_25 = arith.index_cast %scan3A_22 : i32 to index
      %get3A_26 = arith.constant 0 : index
      %get3A_27 = tpu.vector_load %arg7[%get3A_25, %get3A_26] {strides = array<i32>} : memref<125x80xi32, #tpu.memory_space<vmem>>, vector<16xi32>,
      %scatter3A = arith.constant 0 : i32
      %scatter3A_28 = arith.constant 0 : i32
      %scatter3A_29 = tpu.memref_slice %arg9[%scatter3A, %scatter3A_28] : memref<1x10000xf32, #tpu.memory_space<vmem>> -> memref<1x10000xf32, #tpu.memory_space<vmem>>
      %scatter3A_30 = tpu.memref_squeeze %scatter3A_29 : memref<1x10000xf32, #tpu.memory_space<vmem>> -> memref<10000xf32, #tpu.memory_space<vmem>>
      tpu.vector_store_idx %scatter3A_30[%get3A_27], %gather3A {add = true} : memref<10000xf32, #tpu.memory_space<vmem>>[vector<16xi32>], vector<16xf32>,
      %get3A_31 = arith.index_cast %scan3A_22 : i32 to index
      %get3A_32 = arith.constant 16 : index
      %get3A_33 = tpu.vector_load %arg6[%get3A_31, %get3A_32] {strides = array<i32>} : memref<125x80xi32, #tpu.memory_space<vmem>>, vector<16xi32>,
      %gather3A_34 = tpu.vector_load_idx %arg8[%get3A_33] : memref<10000xf32, #tpu.memory_space<vmem>>[vector<16xi32>], vector<16xf32>,
      %get3A_35 = arith.index_cast %scan3A_22 : i32 to index
      %get3A_36 = arith.constant 16 : index
      %get3A_37 = tpu.vector_load %arg7[%get3A_35, %get3A_36] {strides = array<i32>} : memref<125x80xi32, #tpu.memory_space<vmem>>, vector<16xi32>,
      %scatter3A_38 = arith.constant 0 : i32
      %scatter3A_39 = arith.constant 0 : i32
      %scatter3A_40 = tpu.memref_slice %arg9[%scatter3A_38, %scatter3A_39] : memref<1x10000xf32, #tpu.memory_space<vmem>> -> memref<1x10000xf32, #tpu.memory_space<vmem>>
      %scatter3A_41 = tpu.memref_squeeze %scatter3A_40 : memref<1x10000xf32, #tpu.memory_space<vmem>> -> memref<10000xf32, #tpu.memory_space<vmem>>
      tpu.vector_store_idx %scatter3A_41[%get3A_37], %gather3A_34 {add = true} : memref<10000xf32, #tpu.memory_space<vmem>>[vector<16xi32>], vector<16xf32>,
      %get3A_42 = arith.index_cast %scan3A_22 : i32 to index
      %get3A_43 = arith.constant 32 : index
      %get3A_44 = tpu.vector_load %arg6[%get3A_42, %get3A_43] {strides = array<i32>} : memref<125x80xi32, #tpu.memory_space<vmem>>, vector<16xi32>,
      %gather3A_45 = tpu.vector_load_idx %arg8[%get3A_44] : memref<10000xf32, #tpu.memory_space<vmem>>[vector<16xi32>], vector<16xf32>,
      %get3A_46 = arith.index_cast %scan3A_22 : i32 to index
      %get3A_47 = arith.constant 32 : index
      %get3A_48 = tpu.vector_load %arg7[%get3A_46, %get3A_47] {strides = array<i32>} : memref<125x80xi32, #tpu.memory_space<vmem>>, vector<16xi32>,
      %scatter3A_49 = arith.constant 0 : i32
      %scatter3A_50 = arith.constant 0 : i32
      %scatter3A_51 = tpu.memref_slice %arg9[%scatter3A_49, %scatter3A_50] : memref<1x10000xf32, #tpu.memory_space<vmem>> -> memref<1x10000xf32, #tpu.memory_space<vmem>>
      %scatter3A_52 = tpu.memref_squeeze %scatter3A_51 : memref<1x10000xf32, #tpu.memory_space<vmem>> -> memref<10000xf32, #tpu.memory_space<vmem>>
      tpu.vector_store_idx %scatter3A_52[%get3A_48], %gather3A_45 {add = true} : memref<10000xf32, #tpu.memory_space<vmem>>[vector<16xi32>], vector<16xf32>,
      %get3A_53 = arith.index_cast %scan3A_22 : i32 to index
      %get3A_54 = arith.constant 48 : index
      %get3A_55 = tpu.vector_load %arg6[%get3A_53, %get3A_54] {strides = array<i32>} : memref<125x80xi32, #tpu.memory_space<vmem>>, vector<16xi32>,
      %gather3A_56 = tpu.vector_load_idx %arg8[%get3A_55] : memref<10000xf32, #tpu.memory_space<vmem>>[vector<16xi32>], vector<16xf32>,
      %get3A_57 = arith.index_cast %scan3A_22 : i32 to index
      %get3A_58 = arith.constant 48 : index
      %get3A_59 = tpu.vector_load %arg7[%get3A_57, %get3A_58] {strides = array<i32>} : memref<125x80xi32, #tpu.memory_space<vmem>>, vector<16xi32>,
      %scatter3A_60 = arith.constant 0 : i32
      %scatter3A_61 = arith.constant 0 : i32
      %scatter3A_62 = tpu.memref_slice %arg9[%scatter3A_60, %scatter3A_61] : memref<1x10000xf32, #tpu.memory_space<vmem>> -> memref<1x10000xf32, #tpu.memory_space<vmem>>
      %scatter3A_63 = tpu.memref_squeeze %scatter3A_62 : memref<1x10000xf32, #tpu.memory_space<vmem>> -> memref<10000xf32, #tpu.memory_space<vmem>>
      tpu.vector_store_idx %scatter3A_63[%get3A_59], %gather3A_56 {add = true} : memref<10000xf32, #tpu.memory_space<vmem>>[vector<16xi32>], vector<16xf32>,
      %get3A_64 = arith.index_cast %scan3A_22 : i32 to index
      %get3A_65 = arith.constant 64 : index
      %get3A_66 = tpu.vector_load %arg6[%get3A_64, %get3A_65] {strides = array<i32>} : memref<125x80xi32, #tpu.memory_space<vmem>>, vector<16xi32>,
      %gather3A_67 = tpu.vector_load_idx %arg8[%get3A_66] : memref<10000xf32, #tpu.memory_space<vmem>>[vector<16xi32>], vector<16xf32>,
      %get3A_68 = arith.index_cast %scan3A_22 : i32 to index
      %get3A_69 = arith.constant 64 : index
      %get3A_70 = tpu.vector_load %arg7[%get3A_68, %get3A_69] {strides = array<i32>} : memref<125x80xi32, #tpu.memory_space<vmem>>, vector<16xi32>,
      %scatter3A_71 = arith.constant 0 : i32
      %scatter3A_72 = arith.constant 0 : i32
      %scatter3A_73 = tpu.memref_slice %arg9[%scatter3A_71, %scatter3A_72] : memref<1x10000xf32, #tpu.memory_space<vmem>> -> memref<1x10000xf32, #tpu.memory_space<vmem>>
      %scatter3A_74 = tpu.memref_squeeze %scatter3A_73 : memref<1x10000xf32, #tpu.memory_space<vmem>> -> memref<10000xf32, #tpu.memory_space<vmem>>
      tpu.vector_store_idx %scatter3A_74[%get3A_70], %gather3A_67 {add = true} : memref<10000xf32, #tpu.memory_space<vmem>>[vector<16xi32>], vector<16xf32>,
    }
    %scan3A_15 = arith.constant 125 : i32
    %barrier3A = arith.constant 0 : index
    tpu.barrier barrier_id(%barrier3A)
    "tpu.region"() ({
      %run_scoped3A_22 = tpu.sem_alloc : memref<!tpu.dma_semaphore, #tpu.memory_space<semaphore_mem>>
      %dma_start3A = arith.constant 0 : i32
      %dma_start3A_23 = arith.constant 0 : i32
      %dma_start3A_24 = tpu.memref_slice %arg11[%dma_start3A, %dma_start3A_23] : memref<1x10000xf32, #tpu.memory_space<vmem_shared>> -> memref<1x10000xf32, #tpu.memory_space<vmem_shared>>
      tpu.enqueue_indirect_dma source(%arg9 : memref<1x10000xf32, #tpu.memory_space<vmem>>) target(%dma_start3A_24 : memref<1x10000xf32, #tpu.memory_space<vmem_shared>>) offsets(%arg10 : memref<1xi32, #tpu.memory_space<vmem>>) semaphore(%run_scoped3A_22 : memref<!tpu.dma_semaphore, #tpu.memory_space<semaphore_mem>>) {add = true}
      %dma_wait3A = arith.constant 0 : i32
      %dma_wait3A_25 = arith.constant 0 : i32
      %dma_wait3A_26 = tpu.memref_slice %arg11[%dma_wait3A, %dma_wait3A_25] : memref<1x10000xf32, #tpu.memory_space<vmem_shared>> -> memref<1x10000xf32, #tpu.memory_space<vmem_shared>>
      tpu.wait_indirect_dma semaphore(%run_scoped3A_22 : memref<!tpu.dma_semaphore, #tpu.memory_space<semaphore_mem>>) src(%arg9 : memref<1x10000xf32, #tpu.memory_space<vmem>>) dst(%dma_wait3A_26 : memref<1x10000xf32, #tpu.memory_space<vmem_shared>>)
      tpu.yield
    }) : () -> ()
    %barrier3A_16 = arith.constant 0 : index
    tpu.barrier barrier_id(%barrier3A_16)
    %eq3A_17 = arith.constant 0 : i32
    %eq3A_18 = arith.cmpi eq, %arg1, %eq3A_17 : i32
    %convert_element_type3A_19 = arith.extui %eq3A_18 : i1 to i32
    %cond3A_20 = arith.constant 0 : i32
    %cond3A_21 = arith.cmpi ne, %convert_element_type3A_19, %cond3A_20 : i32
    scf.if %cond3A_21 {
      %run_scoped3A_22 = arith.constant 0 : i32
      "tpu.region"() ({
        %run_scoped3A_23 = tpu.sem_alloc : memref<!tpu.dma_semaphore, #tpu.memory_space<semaphore_mem>>
        %dma_start3A = arith.constant 0 : i32
        %dma_start3A_24 = tpu.memref_slice %arg5[%arg0, %dma_start3A] : memref<2x10000xf32, #tpu.memory_space<hbm>> -> memref<1x10000xf32, #tpu.memory_space<hbm>>
        %dma_start3A_25 = tpu.memref_squeeze %dma_start3A_24 : memref<1x10000xf32, #tpu.memory_space<hbm>> -> memref<10000xf32, #tpu.memory_space<hbm>>
        %dma_start3A_26 = arith.constant 0 : i32
        %dma_start3A_27 = tpu.memref_slice %arg11[%run_scoped3A_22, %dma_start3A_26] : memref<1x10000xf32, #tpu.memory_space<vmem_shared>> -> memref<1x10000xf32, #tpu.memory_space<vmem_shared>>
        %dma_start3A_28 = tpu.memref_squeeze %dma_start3A_27 : memref<1x10000xf32, #tpu.memory_space<vmem_shared>> -> memref<10000xf32, #tpu.memory_space<vmem_shared>>
        tpu.enqueue_dma source(%dma_start3A_28 : memref<10000xf32, #tpu.memory_space<vmem_shared>>) target(%dma_start3A_25 : memref<10000xf32, #tpu.memory_space<hbm>>) target_semaphore(%run_scoped3A_23 : memref<!tpu.dma_semaphore, #tpu.memory_space<semaphore_mem>>)
        %dma_wait3A = arith.constant 0 : i32
        %dma_wait3A_29 = tpu.memref_slice %arg5[%arg0, %dma_wait3A] : memref<2x10000xf32, #tpu.memory_space<hbm>> -> memref<1x10000xf32, #tpu.memory_space<hbm>>
        %dma_wait3A_30 = tpu.memref_squeeze %dma_wait3A_29 : memref<1x10000xf32, #tpu.memory_space<hbm>> -> memref<10000xf32, #tpu.memory_space<hbm>>
        %dma_wait3A_31 = arith.constant 0 : i32
        %dma_wait3A_32 = tpu.memref_slice %arg11[%run_scoped3A_22, %dma_wait3A_31] : memref<1x10000xf32, #tpu.memory_space<vmem_shared>> -> memref<1x10000xf32, #tpu.memory_space<vmem_shared>>
        %dma_wait3A_33 = tpu.memref_squeeze %dma_wait3A_32 : memref<1x10000xf32, #tpu.memory_space<vmem_shared>> -> memref<10000xf32, #tpu.memory_space<vmem_shared>>
        tpu.wait_dma2 semaphore(%run_scoped3A_23 : memref<!tpu.dma_semaphore, #tpu.memory_space<semaphore_mem>>) src(%dma_wait3A_33 : memref<10000xf32, #tpu.memory_space<vmem_shared>>) dst(%dma_wait3A_30 : memref<10000xf32, #tpu.memory_space<hbm>>)
        tpu.yield
      }) : () -> ()
    } else {
    }
    return
  }
}

module attributes {stable_mosaic.version = 14 : i64} {
  func.func @_tc_norms_body(%arg0: memref<2x2x10000xf32, #tpu.memory_space<vmem>>, %arg1: memref<10000x1xf32, #tpu.memory_space<vmem>>, %arg2: memref<10000x1xf32, #tpu.memory_space<vmem>>) attributes {dimension_semantics = [], scalar_prefetch = 0 : i64, scratch_operands = 0 : i64, tpu.core_type = #tpu.core_type<tc>} {
    %get3A = arith.constant 0 : index
    %get3A_0 = arith.constant 0 : index
    %get3A_1 = arith.constant 0 : index
    %get3A_2 = vector.load %arg0[%get3A, %get3A_0, %get3A_1] : memref<2x2x10000xf32, #tpu.memory_space<vmem>>, vector<1x2x10000xf32>
    %get3A_3 = vector.shape_cast %get3A_2 : vector<1x2x10000xf32> to vector<2x10000xf32>
    %get3A_4 = arith.constant 1 : index
    %get3A_5 = arith.constant 0 : index
    %get3A_6 = arith.constant 0 : index
    %get3A_7 = vector.load %arg0[%get3A_4, %get3A_5, %get3A_6] : memref<2x2x10000xf32, #tpu.memory_space<vmem>>, vector<1x2x10000xf32>
    %get3A_8 = vector.shape_cast %get3A_7 : vector<1x2x10000xf32> to vector<2x10000xf32>
    %add3A = arith.addf %get3A_3, %get3A_8 : vector<2x10000xf32>
    %add3A_9 = arith.constant 1.000000e+00 : f32
    %add3A_10 = vector.broadcast %add3A_9 : f32 to vector<2x10000xf32>
    %add3A_11 = arith.addf %add3A, %add3A_10 : vector<2x10000xf32>
    %slice3A = vector.extract_strided_slice %add3A_11 {offsets = [0, 0], sizes = [1, 10000], strides = [1, 1]} : vector<2x10000xf32> to vector<1x10000xf32>
    %squeeze3A = vector.shape_cast %slice3A : vector<1x10000xf32> to vector<10000xf32>
    %rsqrt3A = math.rsqrt %squeeze3A : vector<10000xf32>
    %broadcast_in_dim3A = vector.shape_cast %rsqrt3A : vector<10000xf32> to vector<10000x1xf32>
    %swap3A = arith.constant 0 : index
    %swap3A_12 = arith.constant 0 : index
    %swap3A_13 = vector.load %arg1[%swap3A, %swap3A_12] : memref<10000x1xf32, #tpu.memory_space<vmem>>, vector<10000x1xf32>
    tpu.vector_store %arg1[%swap3A, %swap3A_12], %broadcast_in_dim3A {strides = array<i32>} : memref<10000x1xf32, #tpu.memory_space<vmem>>, vector<10000x1xf32>,
    %slice3A_14 = vector.extract_strided_slice %add3A_11 {offsets = [1, 0], sizes = [1, 10000], strides = [1, 1]} : vector<2x10000xf32> to vector<1x10000xf32>
    %squeeze3A_15 = vector.shape_cast %slice3A_14 : vector<1x10000xf32> to vector<10000xf32>
    %rsqrt3A_16 = math.rsqrt %squeeze3A_15 : vector<10000xf32>
    %broadcast_in_dim3A_17 = vector.shape_cast %rsqrt3A_16 : vector<10000xf32> to vector<10000x1xf32>
    %swap3A_18 = arith.constant 0 : index
    %swap3A_19 = arith.constant 0 : index
    %swap3A_20 = vector.load %arg2[%swap3A_18, %swap3A_19] : memref<10000x1xf32, #tpu.memory_space<vmem>>, vector<10000x1xf32>
    tpu.vector_store %arg2[%swap3A_18, %swap3A_19], %broadcast_in_dim3A_17 {strides = array<i32>} : memref<10000x1xf32, #tpu.memory_space<vmem>>, vector<10000x1xf32>,
    return
  }
}

module attributes {stable_mosaic.version = 14 : i64} {
  func.func @_tc_prep_body(%arg0: i32, %arg1: memref<2000x1xf32, #tpu.memory_space<vmem>>, %arg2: memref<2000x128xf32, #tpu.memory_space<vmem>>, %arg3: memref<128x128xf32, #tpu.memory_space<vmem>>, %arg4: memref<2000x128xf32, #tpu.memory_space<vmem>>) attributes {dimension_semantics = [#tpu.dimension_semantics<arbitrary>], iteration_bounds = array<i64: 5>, scalar_prefetch = 0 : i64, scratch_operands = 0 : i64, tpu.core_type = #tpu.core_type<tc>, window_params = [{transform_indices = @transform_0, window_bounds = array<i64: 2000, 1>}, {transform_indices = @transform_1, window_bounds = array<i64: 2000, 128>}, {pipeline_mode = #tpu.pipeline_mode<synchronous>, transform_indices = @transform_2, window_bounds = array<i64: 128, 128>}, {transform_indices = @transform_3, window_bounds = array<i64: 2000, 128>}]} {
    %get3A = arith.constant 0 : index
    %get3A_0 = arith.constant 0 : index
    %get3A_1 = vector.load %arg2[%get3A, %get3A_0] : memref<2000x128xf32, #tpu.memory_space<vmem>>, vector<2000x128xf32>
    %get3A_2 = arith.constant 0 : index
    %get3A_3 = arith.constant 0 : index
    %get3A_4 = vector.load %arg1[%get3A_2, %get3A_3] : memref<2000x1xf32, #tpu.memory_space<vmem>>, vector<2000x1xf32>
    %mul3A = vector.broadcast %get3A_4 : vector<2000x1xf32> to vector<2000x128xf32>
    %mul3A_5 = arith.mulf %get3A_1, %mul3A : vector<2000x128xf32>
    %get3A_6 = arith.constant 0 : index
    %get3A_7 = arith.constant 0 : index
    %get3A_8 = vector.load %arg3[%get3A_6, %get3A_7] : memref<128x128xf32, #tpu.memory_space<vmem>>, vector<128x128xf32>
    %dot_general3A = arith.constant dense<0.000000e+00> : vector<2000x128xf32>
    %dot_general3A_9 = tpu.matmul %mul3A_5, %get3A_8, %dot_general3A {dimension_numbers = #tpu.dot_dimension_numbers<[1], [0], [0], [1], [0, 0, 1, 1], [], []>, precision = #tpu.contract_precision<fp32>, transpose_lhs_hint = false} : vector<2000x128xf32>, vector<128x128xf32>, vector<2000x128xf32> -> vector<2000x128xf32>
    %swap3A = arith.constant 0 : index
    %swap3A_10 = arith.constant 0 : index
    %swap3A_11 = vector.load %arg4[%swap3A, %swap3A_10] : memref<2000x128xf32, #tpu.memory_space<vmem>>, vector<2000x128xf32>
    tpu.vector_store %arg4[%swap3A, %swap3A_10], %dot_general3A_9 {strides = array<i32>} : memref<2000x128xf32, #tpu.memory_space<vmem>>, vector<2000x128xf32>,
    return
  }
  func.func @transform_0(%arg0: i32) -> (i32, i32) {
    %c0_i32 = arith.constant 0 : i32
    %c0_i32_0 = arith.constant 0 : i32
    return %arg0, %c0_i32 : i32, i32
  }
  func.func @transform_1(%arg0: i32) -> (i32, i32) {
    %c0_i32 = arith.constant 0 : i32
    %c0_i32_0 = arith.constant 0 : i32
    return %arg0, %c0_i32 : i32, i32
  }
  func.func @transform_2(%arg0: i32) -> (i32, i32) {
    %c0_i32 = arith.constant 0 : i32
    %c0_i32_0 = arith.constant 0 : i32
    %c0_i32_1 = arith.constant 0 : i32
    return %c0_i32, %c0_i32_0 : i32, i32
  }
  func.func @transform_3(%arg0: i32) -> (i32, i32) {
    %c0_i32 = arith.constant 0 : i32
    %c0_i32_0 = arith.constant 0 : i32
    return %arg0, %c0_i32 : i32, i32
  }
}

module attributes {stable_mosaic.version = 14 : i64} {
  func.func @_tc_mid_body(%arg0: i32, %arg1: memref<2x2000x128xf32, #tpu.memory_space<vmem>>, %arg2: memref<2000x1xf32, #tpu.memory_space<vmem>>, %arg3: memref<2000x1xf32, #tpu.memory_space<vmem>>, %arg4: memref<128xf32, #tpu.memory_space<vmem>>, %arg5: memref<128x128xf32, #tpu.memory_space<vmem>>, %arg6: memref<128x1xf32, #tpu.memory_space<vmem>>, %arg7: memref<2000x1xf32, #tpu.memory_space<vmem>>) attributes {dimension_semantics = [#tpu.dimension_semantics<arbitrary>], iteration_bounds = array<i64: 5>, scalar_prefetch = 0 : i64, scratch_operands = 0 : i64, tpu.core_type = #tpu.core_type<tc>, window_params = [{transform_indices = @transform_0, window_bounds = array<i64: 2, 2000, 128>}, {transform_indices = @transform_1, window_bounds = array<i64: 2000, 1>}, {transform_indices = @transform_2, window_bounds = array<i64: 2000, 1>}, {pipeline_mode = #tpu.pipeline_mode<synchronous>, transform_indices = @transform_3, window_bounds = array<i64: 128>}, {pipeline_mode = #tpu.pipeline_mode<synchronous>, transform_indices = @transform_4, window_bounds = array<i64: 128, 128>}, {pipeline_mode = #tpu.pipeline_mode<synchronous>, transform_indices = @transform_5, window_bounds = array<i64: 128, 1>}, {transform_indices = @transform_6, window_bounds = array<i64: 2000, 1>}]} {
    %get3A = arith.constant 0 : index
    %get3A_0 = arith.constant 0 : index
    %get3A_1 = vector.load %arg5[%get3A, %get3A_0] : memref<128x128xf32, #tpu.memory_space<vmem>>, vector<128x128xf32>
    %get3A_2 = arith.constant 0 : index
    %get3A_3 = arith.constant 0 : index
    %get3A_4 = vector.load %arg6[%get3A_2, %get3A_3] : memref<128x1xf32, #tpu.memory_space<vmem>>, vector<128x1xf32>
    %dot_general3A = arith.constant dense<0.000000e+00> : vector<128x1xf32>
    %dot_general3A_5 = tpu.matmul %get3A_1, %get3A_4, %dot_general3A {dimension_numbers = #tpu.dot_dimension_numbers<[1], [0], [0], [1], [0, 0, 1, 1], [], []>, precision = #tpu.contract_precision<fp32>, transpose_lhs_hint = false} : vector<128x128xf32>, vector<128x1xf32>, vector<128x1xf32> -> vector<128x1xf32>
    %get3A_6 = arith.constant 0 : index
    %get3A_7 = arith.constant 0 : index
    %get3A_8 = arith.constant 0 : index
    %get3A_9 = vector.load %arg1[%get3A_6, %get3A_7, %get3A_8] : memref<2x2000x128xf32, #tpu.memory_space<vmem>>, vector<1x2000x128xf32>
    %get3A_10 = vector.shape_cast %get3A_9 : vector<1x2000x128xf32> to vector<2000x128xf32>
    %get3A_11 = arith.constant 1 : index
    %get3A_12 = arith.constant 0 : index
    %get3A_13 = arith.constant 0 : index
    %get3A_14 = vector.load %arg1[%get3A_11, %get3A_12, %get3A_13] : memref<2x2000x128xf32, #tpu.memory_space<vmem>>, vector<1x2000x128xf32>
    %get3A_15 = vector.shape_cast %get3A_14 : vector<1x2000x128xf32> to vector<2000x128xf32>
    %add3A = arith.addf %get3A_10, %get3A_15 : vector<2000x128xf32>
    %get3A_16 = arith.constant 0 : index
    %get3A_17 = arith.constant 0 : index
    %get3A_18 = vector.load %arg3[%get3A_16, %get3A_17] : memref<2000x1xf32, #tpu.memory_space<vmem>>, vector<2000x1xf32>
    %mul3A = vector.broadcast %get3A_18 : vector<2000x1xf32> to vector<2000x128xf32>
    %mul3A_19 = arith.mulf %mul3A, %add3A : vector<2000x128xf32>
    %get3A_20 = arith.constant 0 : index
    %get3A_21 = vector.load %arg4[%get3A_20] : memref<128xf32, #tpu.memory_space<vmem>>, vector<128xf32>
    %broadcast_in_dim3A = vector.shape_cast %get3A_21 : vector<128xf32> to vector<1x128xf32>
    %add3A_22 = vector.broadcast %broadcast_in_dim3A : vector<1x128xf32> to vector<2000x128xf32>
    %add3A_23 = arith.addf %mul3A_19, %add3A_22 : vector<2000x128xf32>
    %max3A = arith.constant 0.000000e+00 : f32
    %max3A_24 = vector.broadcast %max3A : f32 to vector<2000x128xf32>
    %max3A_25 = arith.maximumf %add3A_23, %max3A_24 : vector<2000x128xf32>
    %dot_general3A_26 = arith.constant dense<0.000000e+00> : vector<2000x1xf32>
    %dot_general3A_27 = tpu.matmul %max3A_25, %dot_general3A_5, %dot_general3A_26 {dimension_numbers = #tpu.dot_dimension_numbers<[1], [0], [0], [1], [0, 0, 1, 1], [], []>, precision = #tpu.contract_precision<fp32>, transpose_lhs_hint = false} : vector<2000x128xf32>, vector<128x1xf32>, vector<2000x1xf32> -> vector<2000x1xf32>
    %get3A_28 = arith.constant 0 : index
    %get3A_29 = arith.constant 0 : index
    %get3A_30 = vector.load %arg2[%get3A_28, %get3A_29] : memref<2000x1xf32, #tpu.memory_space<vmem>>, vector<2000x1xf32>
    %mul3A_31 = arith.mulf %dot_general3A_27, %get3A_30 : vector<2000x1xf32>
    %swap3A = arith.constant 0 : index
    %swap3A_32 = arith.constant 0 : index
    %swap3A_33 = vector.load %arg7[%swap3A, %swap3A_32] : memref<2000x1xf32, #tpu.memory_space<vmem>>, vector<2000x1xf32>
    tpu.vector_store %arg7[%swap3A, %swap3A_32], %mul3A_31 {strides = array<i32>} : memref<2000x1xf32, #tpu.memory_space<vmem>>, vector<2000x1xf32>,
    return
  }
  func.func @transform_0(%arg0: i32) -> (i32, i32, i32) {
    %c0_i32 = arith.constant 0 : i32
    %c0_i32_0 = arith.constant 0 : i32
    %c0_i32_1 = arith.constant 0 : i32
    return %c0_i32, %arg0, %c0_i32_0 : i32, i32, i32
  }
  func.func @transform_1(%arg0: i32) -> (i32, i32) {
    %c0_i32 = arith.constant 0 : i32
    %c0_i32_0 = arith.constant 0 : i32
    return %arg0, %c0_i32 : i32, i32
  }
  func.func @transform_2(%arg0: i32) -> (i32, i32) {
    %c0_i32 = arith.constant 0 : i32
    %c0_i32_0 = arith.constant 0 : i32
    return %arg0, %c0_i32 : i32, i32
  }
  func.func @transform_3(%arg0: i32) -> i32 {
    %c0_i32 = arith.constant 0 : i32
    %c0_i32_0 = arith.constant 0 : i32
    return %c0_i32 : i32
  }
  func.func @transform_4(%arg0: i32) -> (i32, i32) {
    %c0_i32 = arith.constant 0 : i32
    %c0_i32_0 = arith.constant 0 : i32
    %c0_i32_1 = arith.constant 0 : i32
    return %c0_i32, %c0_i32_0 : i32, i32
  }
  func.func @transform_5(%arg0: i32) -> (i32, i32) {
    %c0_i32 = arith.constant 0 : i32
    %c0_i32_0 = arith.constant 0 : i32
    %c0_i32_1 = arith.constant 0 : i32
    return %c0_i32, %c0_i32_0 : i32, i32
  }
  func.func @transform_6(%arg0: i32) -> (i32, i32) {
    %c0_i32 = arith.constant 0 : i32
    %c0_i32_0 = arith.constant 0 : i32
    return %arg0, %c0_i32 : i32, i32
  }
}

module attributes {stable_mosaic.version = 14 : i64} {
  func.func @_tc_final_body(%arg0: memref<2x10000xf32, #tpu.memory_space<vmem>>, %arg1: memref<10000x1xf32, #tpu.memory_space<vmem>>, %arg2: memref<10000x1xf32, #tpu.memory_space<vmem>>, %arg3: memref<128xf32, #tpu.memory_space<vmem>>, %arg4: memref<128x1xf32, #tpu.memory_space<vmem>>, %arg5: memref<1xf32, #tpu.memory_space<vmem>>, %arg6: memref<10000x1xf32, #tpu.memory_space<vmem>>) attributes {dimension_semantics = [], scalar_prefetch = 0 : i64, scratch_operands = 0 : i64, tpu.core_type = #tpu.core_type<tc>} {
    %get3A = arith.constant 0 : index
    %get3A_0 = arith.constant 0 : index
    %get3A_1 = vector.load %arg0[%get3A, %get3A_0] : memref<2x10000xf32, #tpu.memory_space<vmem>>, vector<1x10000xf32>
    %get3A_2 = vector.shape_cast %get3A_1 : vector<1x10000xf32> to vector<10000xf32>
    %get3A_3 = arith.constant 1 : index
    %get3A_4 = arith.constant 0 : index
    %get3A_5 = vector.load %arg0[%get3A_3, %get3A_4] : memref<2x10000xf32, #tpu.memory_space<vmem>>, vector<1x10000xf32>
    %get3A_6 = vector.shape_cast %get3A_5 : vector<1x10000xf32> to vector<10000xf32>
    %add3A = arith.addf %get3A_2, %get3A_6 : vector<10000xf32>
    %get3A_7 = arith.constant 0 : index
    %get3A_8 = vector.load %arg3[%get3A_7] : memref<128xf32, #tpu.memory_space<vmem>>, vector<128xf32>
    %get3A_9 = arith.constant 0 : index
    %get3A_10 = arith.constant 0 : index
    %get3A_11 = vector.load %arg4[%get3A_9, %get3A_10] : memref<128x1xf32, #tpu.memory_space<vmem>>, vector<128x1xf32>
    %squeeze3A = vector.shape_cast %get3A_11 : vector<128x1xf32> to vector<128xf32>
    %mul3A = arith.mulf %get3A_8, %squeeze3A : vector<128xf32>
    %reduce_sum3A = vector.shape_cast %mul3A : vector<128xf32> to vector<1x128xf32>
    %reduce_sum3A_12 = arith.constant dense<0.000000e+00> : vector<1xf32>
    %reduce_sum3A_13 = vector.multi_reduction <add>, %reduce_sum3A, %reduce_sum3A_12 [1] : vector<1x128xf32> to vector<1xf32>
    %reduce_sum3A_14 = vector.shape_cast %reduce_sum3A_13 : vector<1xf32> to vector<1x1xf32>
    %reduce_sum3A_15 = vector.extract %reduce_sum3A_14[0, 0] : f32 from vector<1x1xf32>
    %get3A_16 = arith.constant 0 : index
    %get3A_17 = vector.load %arg5[%get3A_16] : memref<1xf32, #tpu.memory_space<vmem>>, vector<1xf32>
    %get3A_18 = vector.extract %get3A_17[0] : f32 from vector<1xf32>
    %add3A_19 = arith.addf %reduce_sum3A_15, %get3A_18 : f32
    %get3A_20 = arith.constant 0 : index
    %get3A_21 = arith.constant 0 : index
    %get3A_22 = vector.load %arg2[%get3A_20, %get3A_21] : memref<10000x1xf32, #tpu.memory_space<vmem>>, vector<10000x1xf32>
    %broadcast_in_dim3A = vector.shape_cast %add3A : vector<10000xf32> to vector<10000x1xf32>
    %get3A_23 = arith.constant 0 : index
    %get3A_24 = arith.constant 0 : index
    %get3A_25 = vector.load %arg1[%get3A_23, %get3A_24] : memref<10000x1xf32, #tpu.memory_space<vmem>>, vector<10000x1xf32>
    %add3A_26 = arith.addf %broadcast_in_dim3A, %get3A_25 : vector<10000x1xf32>
    %mul3A_27 = arith.mulf %get3A_22, %add3A_26 : vector<10000x1xf32>
    %add3A_28 = vector.broadcast %add3A_19 : f32 to vector<10000x1xf32>
    %add3A_29 = arith.addf %mul3A_27, %add3A_28 : vector<10000x1xf32>
    %swap3A = arith.constant 0 : index
    %swap3A_30 = arith.constant 0 : index
    %swap3A_31 = vector.load %arg6[%swap3A, %swap3A_30] : memref<10000x1xf32, #tpu.memory_space<vmem>>, vector<10000x1xf32>
    tpu.vector_store %arg6[%swap3A, %swap3A_30], %add3A_29 {strides = array<i32>} : memref<10000x1xf32, #tpu.memory_space<vmem>>, vector<10000x1xf32>,
    return
  }
}

</mosaic_0001>

<sc_bundles>
// kernel: kernel.12.cloned.1.call-start
scs
__scs_entry_jumppad:
0x0: {  	(pc) =	sbr.rel $0x88, $3  }
0x1: {  	(tag) =	ssettag $0x0;
	lr =	simm.s32 $0x1  }
0x2: {  	[smem:$0x3F99] =	sst lr;
	_ =	strace $0xD0000000  }
0x3: {  	_ = 	snop  }
0x4: {  	_ = 	snop  }
0x5: {  	_ = 	snop  }
0x6: {  	_ = 	snop  }
0x7: {  	_ = 	snop  }
__scs_overlays_trampoline_lowered:
0x8: {  	[smem:$0x3FA8] =	sst s0  }
0x9: {  	[smem:$0x3FA9] =	sst s1  }
0xa: {  	[smem:$0x3FAA] =	sst s2  }
0xb: {  	[smem:$0x3FAB] =	sst s3  }
0xc: {  	[smem:$0x3FAC] =	sst s4  }
0xd: {  	[smem:$0x3FAD] =	sst s5  }
0xe: {  	[smem:$0x3FAE] =	sst s6  }
0xf: {  	[smem:$0x3FAF] =	sst s7  }
0x10: {  	[smem:$0x3FB0] =	sst s8  }
0x11: {  	[smem:$0x3FB1] =	sst s9;
	s0 =	simm.s32 @!p0 $0x0  }
0x12: {  	s1 =	sld [smem:$0x3F97];
	s0 =	simm.s32 @p0 $0x1  }
0x13: {  	[smem:$0x3FB2] =	sst s0;
	s0 =	simm.s32 @!p1 $0x0  }
0x14: {  	s2 =	sld [smem:$0x3F96];
	s0 =	simm.s32 @p1 $0x1  }
0x15: {  	[smem:$0x3FB3] =	sst s0;
	s0 =	simm.s32 @!p2 $0x0  }
0x16: {  	s3 =	sld [smem:$0x3FDB];
	s0 =	simm.s32 @p2 $0x1  }
0x17: {  	s4 =	simm.s32 $0x1BF5;
	[smem:$0x3FB5] =	sst s0  }
0x18: {  	s0 =	sld [smem:$0x3F98];
	_ =	swait.ge [sflag:s4], $0x0  }
0x19: {  	s7 =	sld [smem:$0x3F99]  }
0x1a: {  	s8 =	sadd.s32 $0xFFFFE003, lr  }
0x1b: {  	s9 =	sadd.s32 $0xFFFFFEF7, lr;
	s5 =	simm.s32 $0xFFFFFFFF;
	p2 =	slt.u32 s8, $0xFFFFF086  }
0x1c: {  	p1 =	slt.u32 s9, $0xF7A;
	s5 =	simm.s32 @!p2 $0x0  }
0x1d: {  	s5 =	simm.s32 @p1 $0x1;
	p0 =	seq.s32 s7, s2  }
0x1e: {  	s7 =	smul.u32 @!p0 $0xF7A, s2;
	p2 =	seq.s32 @!p0 s5, $0x0  }
0x1f: {  	s9 =	smul.u32 $0xF7A, s1;
	s8 =	simm.s32 @!p0 $0x1BF5;
	p2 =	por !p2, p0  }
0x20: {  	[sflag:s8] =	ssyncset.s32 @!p0 $0xFFFFF086;
	s6 =	sadd.s32 @!p0 s3, s7;
	s7 =	simm.s32 @!p0 $0x108  }
0x21: {  	s3 =	sadd.s32 s3, s9;
	s6 =	sadd.s32 @!p0 $0x88, s6;
	s7 =	simm.s32 @p2 $0x1082  }
0x22: {  	[simem:s7], [sflag:s8] =	dma.local @!p0 [hbm:s6], $0xF7A  }
0x23: {  	s9 =	sor.u32 $0xD0000000, s2;
	s6 =	simm.s32 $0x108;
	_ =	swait.ge @!p0 [sflag:s8], $0x0  }
0x24: {  	s3 =	sadd.s32 $0x88, s3;
	s6 =	simm.s32 @!p1 $0x1082;
	[sflag:s4] =	ssyncset.s32 $0xFFFFF086  }
0x25: {  	[simem:s6], [sflag:s4] =	dma.local [hbm:s3], $0xF7A  }
0x26: {  	[smem:$0x3F99] =	sst s1;
	(tag) =	ssettag s2;
	_ =	strace s9  }
0x27: {  	s1 =	sld [smem:$0x3FA9]  }
0x28: {  	s2 =	sld [smem:$0x3FAA]  }
0x29: {  	s4 =	sld [smem:$0x3FAC]  }
0x2a: {  	p0 =	seq.s32 s5, $0x0;
	s5 =	sld [smem:$0x3FAD]  }
0x2b: {  	s6 =	sld [smem:$0x3FAE]  }
0x2c: {  	s7 =	sld [smem:$0x3FAF]  }
0x2d: {  	s3 =	simm.s32 $0x108;
	s8 =	sld [smem:$0x3FB0]  }
0x2e: {  	s3 =	simm.s32 @!p0 $0x1082;
	s9 =	sld [smem:$0x3FB1]  }
0x2f: {  	lr =	sadd.s32 s0, s3;
	s0 =	sld [smem:$0x3FA8]  }
0x30: {  	s3 =	sld [smem:$0x3FAB]  }
0x31: {  	[smem:$0x3FB4] =	sst s10  }
0x32: {  	s10 =	sld [smem:$0x3FB2];
	_ =	sdelay $0x3  }
0x33: {  	p0 =	seq.s32 s10, $0x1;
	s10 =	sld [smem:$0x3FB4];
	_ =	sdelay $0x3  }
0x34: {  	[smem:$0x3FB4] =	sst s10  }
0x35: {  	s10 =	sld [smem:$0x3FB3];
	_ =	sdelay $0x3  }
0x36: {  	p1 =	seq.s32 s10, $0x1;
	s10 =	sld [smem:$0x3FB4];
	_ =	sdelay $0x3  }
0x37: {  	[smem:$0x3FB4] =	sst s10  }
0x38: {  	s10 =	sld [smem:$0x3FB5]  }
0x39: {  	_ = 	snop;
	(pc) =	sbr.ind lr, $3  }
0x3a: {  	_ = 	snop  }
0x3b: {  	_ = 	snop  }
0x3c: {  	p2 =	seq.s32 s10, $0x1;
	s10 =	sld [smem:$0x3FB4]  }
0x3d: {  	_ =	shalt  }
0x3e: {  	_ =	shalt  }
0x3f: {  	_ =	shalt  }
0x40: {  	_ =	shalt  }
0x41: {  	_ =	shalt  }
0x42: {  	_ =	shalt  }
0x43: {  	_ =	shalt  }
0x44: {  	_ =	shalt  }
0x45: {  	_ =	shalt  }
0x46: {  	_ =	shalt  }
0x47: {  	_ =	shalt  }
0x48: {  	_ =	shalt  }
0x49: {  	_ =	shalt  }
0x4a: {  	_ =	shalt  }
0x4b: {  	_ =	shalt  }
0x4c: {  	_ =	shalt  }
0x4d: {  	_ =	shalt  }
0x4e: {  	_ =	shalt  }
0x4f: {  	_ =	shalt  }
0x50: {  	_ =	shalt  }
0x51: {  	_ =	shalt  }
0x52: {  	_ =	shalt  }
0x53: {  	_ =	shalt  }
0x54: {  	_ =	shalt  }
0x55: {  	_ =	shalt  }
0x56: {  	_ =	shalt  }
0x57: {  	_ =	shalt  }
0x58: {  	_ =	shalt  }
0x59: {  	_ =	shalt  }
0x5a: {  	_ =	shalt  }
0x5b: {  	_ =	shalt  }
0x5c: {  	_ =	shalt  }
0x5d: {  	_ =	shalt  }
0x5e: {  	_ =	shalt  }
0x5f: {  	_ =	shalt  }
0x60: {  	_ =	shalt  }
0x61: {  	_ =	shalt  }
0x62: {  	_ =	shalt  }
0x63: {  	_ =	shalt  }
0x64: {  	_ =	shalt  }
0x65: {  	_ =	shalt  }
0x66: {  	_ =	shalt  }
0x67: {  	_ =	shalt  }
0x68: {  	_ =	shalt  }
0x69: {  	_ =	shalt  }
0x6a: {  	_ =	shalt  }
0x6b: {  	_ =	shalt  }
0x6c: {  	_ =	shalt  }
0x6d: {  	_ =	shalt  }
0x6e: {  	_ =	shalt  }
0x6f: {  	_ =	shalt  }
0x70: {  	_ =	shalt  }
0x71: {  	_ =	shalt  }
0x72: {  	_ =	shalt  }
0x73: {  	_ =	shalt  }
0x74: {  	_ =	shalt  }
0x75: {  	_ =	shalt  }
0x76: {  	_ =	shalt  }
0x77: {  	_ =	shalt  }
0x78: {  	_ =	shalt  }
0x79: {  	_ =	shalt  }
0x7a: {  	_ =	shalt  }
0x7b: {  	_ =	shalt  }
0x7c: {  	_ =	shalt  }
0x7d: {  	_ =	shalt  }
0x7e: {  	_ =	shalt  }
0x7f: {  	_ =	shalt  }
0x80: {  	_ =	shalt  }
0x81: {  	_ =	shalt  }
0x82: {  	_ =	shalt  }
0x83: {  	_ =	shalt  }
0x84: {  	_ =	shalt  }
0x85: {  	_ =	shalt  }
0x86: {  	_ =	shalt  }
0x87: {  	_ =	shalt  }
.Lfunc_end0:
.L_simem_size_0:
called_computation.1_lowered:
.L_overlay_start_0:
0x88: {  	s2 =	sld [smem:$0x3FD9]  }
0x89: {  	s3 =	sld [smem:$0x3FFE];
	_ =	sdelay $0x1  }
0x8a: {  	s1 =	srdreg.scid  }
0x8b: {  	s0 =	sand.u32 $0x1, s1  }
0x8c: {  	s16 =	sshll.u32 s0, $0xA;
	s2 =	sadd.s32 s3, s2  }
0x8d: {  	s2 =	sadd.s32 s2, s16  }
0x8e: {  	[smem:$0x3FC0] =	sst s2  }
0x8f: {  	_ = 	snop  }
0x90: {  	(tm) =	ssettm $0x1  }
0x91: {  	s17 =	sld [smem:$0x3FFB];
	_ =	sdelay $0x3  }
0x92: {  	_ =	strace s17  }
0x93: {  	s2 =	sld [smem:$0x3FFC];
	_ =	sdelay $0x3  }
0x94: {  	_ =	strace s2  }
0x95: {  	s2 =	sld [smem:$0x3FFD];
	_ =	sdelay $0x3  }
0x96: {  	_ =	strace s2  }
0x97: {  	_ =	strace $0x8FFFFFFF  }
0x98: {  	s18 =	sld [smem:$0x3FDB];
	_ =	sdelay $0x1  }
0x99: {  	s19 =	simm.s32 $_scs_section_size  }
0x9a: {  	s4 =	simm.s32 $_size__tile_overlayer_lowered;
	s5 =	simm.s32 $_tile_overlayer_lowered  }
0x9b: {  	s22 =	simm.s32 $0x1BFF;
	s21 =	sshll.u32 s5, $0x1;
	s2 =	sadd.s32 s19, s18  }
0x9c: {  	s6 =	simm.s32 $0x0;
	s20 =	sshll.u32 s4, $0x1;
	s4 =	sadd.s32 s21, s2  }
0x9d: {  	[timem:s6], [sflag:s22] =	dma.local [hbm:s4], s20  }
0x9e: {  	_ =	swait.ge [sflag:s22], s20  }
0x9f: {  	s3 =	ssub.s32 $0x0, s20;
	[sflag:s22] =	ssyncset.done $0x0  }
0xa0: {  	[sflag:s22] =	ssyncadd.s32 s3;
	_ =	sdelay $0x1  }
0xa1: {  	s23 =	simm.s32 $0x1B8B  }
0xa2: {  	_ =	swait.ge [sflag:s23], $0x1  }
0xa3: {  	[sflag:s23] =	ssyncset.done $0x0  }
0xa4: {  	s25 =	simm.s32 $0x1B8E;
	s24 =	sld [smem:$0x3FFE];
	[sflag:s23] =	ssyncadd.s32 $0xFFFFFFFF  }
0xa5: {  	s26 =	simm.s32 $execute0_lowered;
	[smem:$0x3FD2] =	sst s25  }
0xa6: {  	s4 =	sshll.u32 s26, $0x1;
	_ =	strace $0x80000049;
	[dreg:$0x1] =	wrdreg $0xFFFFFFFF  }
0xa7: {  	s28 =	simm.s32 $_size_execute0_lowered;
	s2 =	sadd.s32 s2, s4;
	[dreg:$0x0] =	wrdreg $0x0  }
0xa8: {  	s4 =	sshll.u32 s28, $0x1;
	[dreg:$0x2] =	wrdreg s2  }
0xa9: {  	[dreg:$0x3] =	wrdreg s4  }
0xaa: {  	[dreg:$0x4] =	wrdreg $0xC0  }
0xab: {  	_ =	task [dreg:s6], $0x5FFFF  }
0xac: {  	[dreg:$0x1] =	wrdreg $0xFFFFFFFF  }
0xad: {  	[dreg:$0x0] =	wrdreg $0x60  }
0xae: {  	[dreg:$0x2] =	wrdreg s24  }
0xaf: {  	[dreg:$0x3] =	wrdreg $0xC6200  }
0xb0: {  	[dreg:$0x4] =	wrdreg $0x9  }
0xb1: {  	_ =	task.clear_ibuf [dreg:s6], $0x5FFFF;
	_ =	strace $0x90000049  }
0xb2: {  	s29 =	simm.s32 $0x9;
	_ =	strace $0x8000004B  }
0xb3: {  	_ =	swait.ge [sflag:s29], $0x1  }
0xb4: {  	[sflag:s29] =	ssyncadd.s32 $0xFFFFFFFF  }
0xb5: {  	_ =	strace $0x9000004B  }
0xb6: {  	_ =	sfence  }
0xb7: {  	s30 =	sld [smem:$0x0];
	_ =	sdelay $0x2  }
0xb8: {  	s31 =	sshll.u32 s1, $0xD;
	s1 =	sshrl.u32 s1, $0x2  }
0xb9: {  	s3 =	sand.u32 $0x4000, s31;
	s1 =	sadd.s32 s1, s30  }
0xba: {  	s0 =	sor.u32 s3, s0;
	s1 =	sshll.u32 s1, $0x11  }
0xbb: {  	s0 =	sor.u32 s1, s0  }
0xbc: {  	s0 =	sadd.s32 $0x8F2B, s0  }
0xbd: {  	[sflag:s0] =	ssyncadd.remote.s32 $0x1  }
0xbe: {  	_ =	sfence.sel $0xFFFF  }
0xbf: {  	[dreg:$0x0] =	wrdreg $0xFFFFFFFF;
	(pc) =	sbr.abs _section_cstart, $3  }
0xc0: {  	[dreg:$0x1] =	wrdreg $0xFFFFFFFF  }
0xc1: {  	_ =	task.clear_ibuf [dreg:s6], $0x2FFFF;
	_ =	strace $0x9FFFFFFF  }
0xc2: {  	(tm) =	ssettm $0x7FFFFFFF  }
0xc3: {  	_ =	shalt  }
tec
execute0_lowered:
.L_overlay_start_1:
0x0: {  	(tag) =	ssettag $0x1  }
0x1: {  	s0 =	srdreg.scid  }
0x2: {  	s10 =	stileid.u32;
	s1 =	rddreg [dreg:$0x0]  }
0x3: {  	s2 =	rddreg [dreg:$0x1];
	s18 =	simm.s32 $0x7;
	s28 =	simm.s32 $0x9E20  }
0x4: {  	s29 =	simm.s32 $0x2;
	s31 =	simm.s32 $0x4;
	s12 =	simm.s32 $0x4D80  }
0x5: {  	s13 =	simm.s32 $0x4DD0;
	s14 =	simm.s32 $0x0;
	s5 =	smul.u32 $0x4E200, s10  }
0x6: {  	s0 =	sand.u32 $0x1, s0;
	s3 =	sshll.u32 s10, $0x1;
	s22 =	smul.u32 $0x13880, s10  }
0x7: {  	s30 =	sshll.u32 s10, $0x6;
	s10 =	simm.s32 $0x140;
	s4 =	sor.u32 s0, s3  }
0x8: {  	s3 =	simm.s32 $0x0;
	s6 =	smul.u32 $0x27100, s0;
	s8 =	ssub.s32 $0x2, s0  }
0x9: {  	p0 =	sne.s32 s0, $0x0;
	s0 =	simm.s32 $0x3;
	s4 =	smul.u32 $0x2710, s4  }
0xa: {  	[smem:$0x7FF] =	sst s3;
	s9 =	sshrl.u32 s8, $0x1;
	s5 =	sshrl.u32 s5, $0x2  }
0xb: {  	s15 =	sadd.s32 s22, s2;
	_ =	strace $0x8000004A;
	s5 =	sadd.s32 s5, s2  }
0xc: {  	s8 =	ssub.s32 s8, s9;
	s9 =	sshrl.u32 s22, $0x3;
	s19 =	sadd.s32 $0x2800, s5  }
0xd: {  	s22 =	simm.s32 $0x7620;
	s20 =	sadd.s32 $0x5000, s5;
	[dreg:$0x3] =	wrdreg s19  }
0xe: {  	s4 =	sshrl.u32 s4, $0x3;
	s21 =	sadd.s32 $0x7800, s5;
	[dreg:$0x4] =	wrdreg s20  }
0xf: {  	s11 =	sadd.s32 $0xA000, s5;
	s23 =	sadd.s32 $0xC800, s5;
	[dreg:$0x5] =	wrdreg s21  }
0x10: {  	s24 =	sadd.s32 $0xF000, s5;
	s25 =	sadd.s32 $0x11800, s5;
	[dreg:$0x6] =	wrdreg s11  }
0x11: {  	s17 =	smax.u32 s8, $0x1;
	s8 =	simm.s32 $0x27B0;
	[dreg:$0x7] =	wrdreg s23  }
0x12: {  	s7 =	sadd.s32 s4, s1;
	s4 =	sadd.s32 $0x15200, s1;
	[dreg:$0x8] =	wrdreg s24  }
0x13: {  	s1 =	sadd.s32 s6, s1;
	[dreg:$0x9] =	wrdreg s25;
	s19 =	simm.s32 $0x2710  }
0x14: {  	s20 =	simm.s32 $0x50;
	s21 =	simm.s32 $0x4E20;
	s23 =	sor.u32 $0x1C07, s30  }
0x15: {  	s25 =	simm.s32 $0x1;
	s11 =	simm.s32 $0x6;
	s6 =	sadd.s32 $0x1800, s7  }
0x16: {  	s7 =	sadd.s32 $0xB440, s7;
	s26 =	sadd.s32 s4, s9;
	s1 =	sadd.s32 $0x3C400, s1  }
0x17: {  	v0 =	vimm.f32 $0.0e+00;
	[dreg:$0xa] =	wrdreg s26;
	s24 =	sadd.s32 s9, s1;
	s9 =	simm.s32 $0x5  }
.LBB2_1:
0x18: {  	[tilespmem:s3], [sflag:$0x7] =	stream.linear.gather [hbm4b:s6+s3], $0x2710, $0x38;
	[tilespmem:$0x1FEA0] =	vst v63  }
0x19: {  	_ =	swait.ge [sflag:s18], $0x2710  }
0x1a: {  	[sflag:s18] =	ssyncset.done $0x0  }
0x1b: {  	[sflag:s18] =	ssyncadd.s32 $0xFFFFD8F0  }
0x1c: {  	[tilespmem:s19], [sflag:$0x7] =	stream.linear.gather [hbm4b:s7+s3], $0x2710, $0x38;
	[tilespmem:$0x1FEA0] =	vst v63  }
0x1d: {  	_ =	swait.ge [sflag:s18], $0x2710  }
.Ltmp0:
0x1e: {  	[sflag:s18] =	ssyncset.done $0x0;
	(pc) =	sbr.rel @p0 .LBB2_3-.Ltmp0, $4  }
0x1f: {  	[sflag:s18] =	ssyncadd.s32 $0xFFFFD8F0  }
0x20: {  	[tilespmem:s21], [sflag:$0x1] =	stream.indirect.gather [hbm4b:s4+s20], $0x80, s3, s20, $0xb8;
	[tilespmem:$0x1FEA0] =	vst v63  }
0x21: {  	s16 =	sshrl.u32 s15, $0x3  }
0x22: {  	[tilespmem:s22], [sflag:$0x2] =	stream.indirect.gather [hbm4b:s4+s20], $0x80, s20, s20, $0xb8;
	[tilespmem:$0x1FEA0] =	vst v63  }
.Ltmp1:
0x23: {  	s1 =	rddreg [dreg:$0xa];
	(pc) =	sbr.rel .LBB2_6-.Ltmp1, $4  }
0x24: {  	[spmem:s16], [sflag:s23] =	dma.local [hbm:s1], $0x2710  }
0x25: {  	_ =	swait.ge [sflag:s18], $0x2710  }
0x26: {  	[sflag:s18] =	ssyncset.done $0x0  }
0x27: {  	[sflag:s18] =	ssyncadd.s32 $0xFFFFD8F0  }
.LBB2_3:
0x28: {  	s26 =	sshra.s32 s3, $0x2;
	s30 =	sadd.s32 $0x200, s3  }
.LBB2_4:
0x29: {  	p1 =	sne.s32 s30, $0x9E00;
	[tilespmem:s26+$0x9E90] =	vst v0  }
0x2a: {  	[tilespmem:s26+$0x9E20] =	vst v0  }
0x2b: {  	[tilespmem:s26+$0x9E30] =	vst v0  }
.Ltmp2:
0x2c: {  	[tilespmem:s26+$0x9E40] =	vst v0;
	(pc) =	sbr.rel @p1 .LBB2_4-.Ltmp2, $4  }
0x2d: {  	[tilespmem:s26+$0x9E50] =	vst v0  }
0x2e: {  	[tilespmem:s26+$0x9E60] =	vst v0  }
0x2f: {  	[tilespmem:s26+$0x9E70] =	vst v0  }
0x30: {  	[tilespmem:s26+$0x9E80] =	vst v0;
	s26 =	sshra.s32 s30, $0x2;
	s30 =	sadd.s32 $0x200, s30  }
0x31: {  	[tilespmem:s26+$0x9E90] =	vst v0  }
0x32: {  	[tilespmem:s26+$0x9E20] =	vst v0  }
0x33: {  	[tilespmem:s26+$0x9E30] =	vst v0  }
0x34: {  	[tilespmem:s26+$0x9E40] =	vst v0  }
0x35: {  	[tilespmem:s26+$0x9E50] =	vst v0  }
0x36: {  	[tilespmem:s26+$0x9E60] =	vst v0  }
0x37: {  	[tilespmem:s26+$0x9E70] =	vst v0  }
0x38: {  	[tilespmem:s26+$0x9E80] =	vst v0  }
0x39: {  	[spmem:s5] =	stream.linear.scatter [tilespmem:s28], [sflag:$0x7], $0x2800, $0x38;
	[tilespmem:$0x1FEA0] =	vst v63  }
0x3a: {  	_ =	swait.ge [sflag:s18], $0x2800  }
0x3b: {  	[sflag:s18] =	ssyncset.done $0x0  }
0x3c: {  	s1 =	rddreg [dreg:$0x3];
	[sflag:s18] =	ssyncadd.s32 $0xFFFFD800  }
0x3d: {  	[spmem:s1] =	stream.linear.scatter [tilespmem:s28], [sflag:$0x7], $0x2800, $0x38;
	[tilespmem:$0x1FEA0] =	vst v63  }
0x3e: {  	_ =	swait.ge [sflag:s18], $0x2800  }
0x3f: {  	[sflag:s18] =	ssyncset.done $0x0  }
0x40: {  	s26 =	rddreg [dreg:$0x4];
	[sflag:s18] =	ssyncadd.s32 $0xFFFFD800  }
0x41: {  	[spmem:s26] =	stream.linear.scatter [tilespmem:s28], [sflag:$0x7], $0x2800, $0x38;
	[tilespmem:$0x1FEA0] =	vst v63  }
0x42: {  	_ =	swait.ge [sflag:s18], $0x2800  }
0x43: {  	[sflag:s18] =	ssyncset.done $0x0  }
0x44: {  	s30 =	rddreg [dreg:$0x5];
	[sflag:s18] =	ssyncadd.s32 $0xFFFFD800  }
0x45: {  	[spmem:s30] =	stream.linear.scatter [tilespmem:s28], [sflag:$0x7], $0x2800, $0x38;
	[tilespmem:$0x1FEA0] =	vst v63  }
0x46: {  	_ =	swait.ge [sflag:s18], $0x2800  }
0x47: {  	[sflag:s18] =	ssyncset.done $0x0  }
0x48: {  	s26 =	rddreg [dreg:$0x6];
	[sflag:s18] =	ssyncadd.s32 $0xFFFFD800  }
0x49: {  	[spmem:s26] =	stream.linear.scatter [tilespmem:s28], [sflag:$0x7], $0x2800, $0x38;
	[tilespmem:$0x1FEA0] =	vst v63  }
0x4a: {  	_ =	swait.ge [sflag:s18], $0x2800  }
0x4b: {  	[sflag:s18] =	ssyncset.done $0x0  }
0x4c: {  	s30 =	rddreg [dreg:$0x7];
	[sflag:s18] =	ssyncadd.s32 $0xFFFFD800  }
0x4d: {  	[spmem:s30] =	stream.linear.scatter [tilespmem:s28], [sflag:$0x7], $0x2800, $0x38;
	[tilespmem:$0x1FEA0] =	vst v63  }
0x4e: {  	_ =	swait.ge [sflag:s18], $0x2800  }
0x4f: {  	[sflag:s18] =	ssyncset.done $0x0  }
0x50: {  	s26 =	rddreg [dreg:$0x8];
	[sflag:s18] =	ssyncadd.s32 $0xFFFFD800  }
0x51: {  	[spmem:s26] =	stream.linear.scatter [tilespmem:s28], [sflag:$0x7], $0x2800, $0x38;
	[tilespmem:$0x1FEA0] =	vst v63  }
0x52: {  	_ =	swait.ge [sflag:s18], $0x2800  }
0x53: {  	[sflag:s18] =	ssyncset.done $0x0  }
0x54: {  	s30 =	rddreg [dreg:$0x9];
	[sflag:s18] =	ssyncadd.s32 $0xFFFFD800  }
0x55: {  	[spmem:s30] =	stream.linear.scatter [tilespmem:s28], [sflag:$0x7], $0x2080, $0x38;
	[tilespmem:$0x1FEA0] =	vst v63  }
0x56: {  	_ =	swait.ge [sflag:s18], $0x2080  }
0x57: {  	[sflag:s18] =	ssyncset.done $0x0  }
0x58: {  	[sflag:s18] =	ssyncadd.s32 $0xFFFFDF80  }
.LBB2_6:
0x59: {  	[bflag:$0x0] =	sbarrier.arrive $0xFFFF  }
0x5a: {  	_ =	swait.ge [sflag:s25], $0x2800  }
0x5b: {  	[sflag:s25] =	ssyncset.done $0x0  }
0x5c: {  	[sflag:s25] =	ssyncadd.s32 $0xFFFFD800  }
0x5d: {  	[spmem:s2] =	stream.indirect.scatter.add.f32 [tilespmem:s21], [sflag:$0x4], $0x80, s19, s20, $0xb8;
	[tilespmem:$0x1FEA0] =	vst v63  }
0x5e: {  	s1 =	simm.s32 $0xA0  }
0x5f: {  	[tilespmem:s28], [sflag:$0x3] =	stream.indirect.gather [hbm4b:s4+s20], $0x80, s1, s20, $0xb8;
	[tilespmem:$0x1FEA0] =	vst v63  }
0x60: {  	_ =	swait.ge [sflag:s29], $0x2800  }
0x61: {  	[sflag:s29] =	ssyncset.done $0x0  }
0x62: {  	s26 =	simm.s32 $0x2760;
	[sflag:s29] =	ssyncadd.s32 $0xFFFFD800  }
0x63: {  	[spmem:s2] =	stream.indirect.scatter.add.f32 [tilespmem:s22], [sflag:$0x5], $0x80, s26, s20, $0xb8;
	[tilespmem:$0x1FEA0] =	vst v63  }
0x64: {  	_ =	swait.ge [sflag:s31], $0x2800  }
0x65: {  	[sflag:s31] =	ssyncset.done $0x0  }
0x66: {  	s26 =	simm.s32 $0xF0;
	[sflag:s31] =	ssyncadd.s32 $0xFFFFD800  }
0x67: {  	[tilespmem:s21], [sflag:$0x1] =	stream.indirect.gather [hbm4b:s4+s20], $0x80, s26, s20, $0xb8;
	[tilespmem:$0x1FEA0] =	vst v63  }
0x68: {  	_ =	swait.ge [sflag:s0], $0x2800  }
0x69: {  	[sflag:s0] =	ssyncset.done $0x0  }
0x6a: {  	[sflag:s0] =	ssyncadd.s32 $0xFFFFD800  }
0x6b: {  	[spmem:s2] =	stream.indirect.scatter.add.f32 [tilespmem:s28], [sflag:$0x6], $0x80, s8, s20, $0xb8;
	[tilespmem:$0x1FEA0] =	vst v63  }
0x6c: {  	_ =	swait.ge [sflag:s9], $0x2800  }
0x6d: {  	[sflag:s9] =	ssyncset.done $0x0  }
0x6e: {  	[sflag:s9] =	ssyncadd.s32 $0xFFFFD800  }
0x6f: {  	[tilespmem:s22], [sflag:$0x2] =	stream.indirect.gather [hbm4b:s4+s20], $0x80, s10, s20, $0xb8;
	[tilespmem:$0x1FEA0] =	vst v63  }
0x70: {  	_ =	swait.ge [sflag:s25], $0x2800  }
0x71: {  	[sflag:s25] =	ssyncset.done $0x0  }
0x72: {  	s26 =	simm.s32 $0x2800;
	[sflag:s25] =	ssyncadd.s32 $0xFFFFD800  }
0x73: {  	[spmem:s2] =	stream.indirect.scatter.add.f32 [tilespmem:s21], [sflag:$0x4], $0x80, s26, s20, $0xb8;
	[tilespmem:$0x1FEA0] =	vst v63  }
0x74: {  	_ =	swait.ge [sflag:s11], $0x2800  }
0x75: {  	[sflag:s11] =	ssyncset.done $0x0  }
0x76: {  	s1 =	simm.s32 $0x190;
	[sflag:s11] =	ssyncadd.s32 $0xFFFFD800  }
0x77: {  	[tilespmem:s28], [sflag:$0x3] =	stream.indirect.gather [hbm4b:s4+s20], $0x80, s1, s20, $0xb8;
	[tilespmem:$0x1FEA0] =	vst v63  }
0x78: {  	_ =	swait.ge [sflag:s29], $0x2800  }
0x79: {  	[sflag:s29] =	ssyncset.done $0x0  }
0x7a: {  	s1 =	simm.s32 $0x2850;
	[sflag:s29] =	ssyncadd.s32 $0xFFFFD800  }
0x7b: {  	[spmem:s2] =	stream.indirect.scatter.add.f32 [tilespmem:s22], [sflag:$0x5], $0x80, s1, s20, $0xb8;
	[tilespmem:$0x1FEA0] =	vst v63  }
0x7c: {  	_ =	swait.ge [sflag:s31], $0x2800  }
0x7d: {  	[sflag:s31] =	ssyncset.done $0x0  }
0x7e: {  	s1 =	simm.s32 $0x1E0;
	[sflag:s31] =	ssyncadd.s32 $0xFFFFD800  }
0x7f: {  	[tilespmem:s21], [sflag:$0x1] =	stream.indirect.gather [hbm4b:s4+s20], $0x80, s1, s20, $0xb8;
	[tilespmem:$0x1FEA0] =	vst v63  }
0x80: {  	_ =	swait.ge [sflag:s0], $0x2800  }
0x81: {  	[sflag:s0] =	ssyncset.done $0x0  }
0x82: {  	s1 =	simm.s32 $0x28A0;
	[sflag:s0] =	ssyncadd.s32 $0xFFFFD800  }
0x83: {  	[spmem:s2] =	stream.indirect.scatter.add.f32 [tilespmem:s28], [sflag:$0x6], $0x80, s1, s20, $0xb8;
	[tilespmem:$0x1FEA0] =	vst v63  }
0x84: {  	_ =	swait.ge [sflag:s9], $0x2800  }
0x85: {  	[sflag:s9] =	ssyncset.done $0x0  }
0x86: {  	s30 =	simm.s32 $0x230;
	s26 =	simm.s32 $0x3C0;
	[sflag:s9] =	ssyncadd.s32 $0xFFFFD800  }
.LBB2_7:
0x87: {  	[tilespmem:s22], [sflag:$0x2] =	stream.indirect.gather [hbm4b:s4+s20], $0x80, s30, s20, $0xb8;
	[tilespmem:$0x1FEA0] =	vst v63  }
0x88: {  	s30 =	smov.u32 s26  }
0x89: {  	p1 =	sne.s32 s26, $0x9240;
	s26 =	sadd.s32 $0x3C0, s26;
	_ =	swait.ge [sflag:s25], $0x2800  }
0x8a: {  	s30 =	sshra.s32 s30, $0x2;
	[sflag:s25] =	ssyncset.done $0x0  }
0x8b: {  	s1 =	sadd.s32 $0x2800, s30;
	[sflag:s25] =	ssyncadd.s32 $0xFFFFD800  }
0x8c: {  	[spmem:s2] =	stream.indirect.scatter.add.f32 [tilespmem:s21], [sflag:$0x4], $0x80, s1, s20, $0xb8;
	[tilespmem:$0x1FEA0] =	vst v63  }
0x8d: {  	_ =	swait.ge [sflag:s11], $0x2800  }
0x8e: {  	[sflag:s11] =	ssyncset.done $0x0  }
0x8f: {  	s1 =	sadd.s32 $0x190, s30;
	[sflag:s11] =	ssyncadd.s32 $0xFFFFD800  }
0x90: {  	[tilespmem:s28], [sflag:$0x3] =	stream.indirect.gather [hbm4b:s4+s20], $0x80, s1, s20, $0xb8;
	[tilespmem:$0x1FEA0] =	vst v63  }
0x91: {  	_ =	swait.ge [sflag:s29], $0x2800  }
0x92: {  	[sflag:s29] =	ssyncset.done $0x0  }
0x93: {  	s1 =	sadd.s32 $0x2850, s30;
	[sflag:s29] =	ssyncadd.s32 $0xFFFFD800  }
0x94: {  	[spmem:s2] =	stream.indirect.scatter.add.f32 [tilespmem:s22], [sflag:$0x5], $0x80, s1, s20, $0xb8;
	[tilespmem:$0x1FEA0] =	vst v63  }
0x95: {  	_ =	swait.ge [sflag:s31], $0x2800  }
0x96: {  	[sflag:s31] =	ssyncset.done $0x0  }
0x97: {  	s1 =	sadd.s32 $0x1E0, s30;
	[sflag:s31] =	ssyncadd.s32 $0xFFFFD800  }
0x98: {  	[tilespmem:s21], [sflag:$0x1] =	stream.indirect.gather [hbm4b:s4+s20], $0x80, s1, s20, $0xb8;
	[tilespmem:$0x1FEA0] =	vst v63  }
0x99: {  	_ =	swait.ge [sflag:s0], $0x2800  }
0x9a: {  	[sflag:s0] =	ssyncset.done $0x0  }
.Ltmp3:
0x9b: {  	s1 =	sadd.s32 $0x28A0, s30;
	[sflag:s0] =	ssyncadd.s32 $0xFFFFD800;
	(pc) =	sbr.rel @p1 .LBB2_7-.Ltmp3, $4  }
0x9c: {  	[spmem:s2] =	stream.indirect.scatter.add.f32 [tilespmem:s28], [sflag:$0x6], $0x80, s1, s20, $0xb8;
	[tilespmem:$0x1FEA0] =	vst v63  }
0x9d: {  	_ =	swait.ge [sflag:s9], $0x2800  }
0x9e: {  	[sflag:s9] =	ssyncset.done $0x0  }
0x9f: {  	s30 =	sadd.s32 $0x230, s30;
	[sflag:s9] =	ssyncadd.s32 $0xFFFFD800  }
0xa0: {  	[tilespmem:s22], [sflag:$0x2] =	stream.indirect.gather [hbm4b:s4+s20], $0x80, s30, s20, $0xb8;
	[tilespmem:$0x1FEA0] =	vst v63  }
0xa1: {  	_ =	swait.ge [sflag:s25], $0x2800  }
0xa2: {  	[sflag:s25] =	ssyncset.done $0x0  }
0xa3: {  	[sflag:s25] =	ssyncadd.s32 $0xFFFFD800  }
0xa4: {  	[spmem:s2] =	stream.indirect.scatter.add.f32 [tilespmem:s21], [sflag:$0x4], $0x80, s12, s20, $0xb8;
	[tilespmem:$0x1FEA0] =	vst v63  }
0xa5: {  	_ =	swait.ge [sflag:s11], $0x2800  }
0xa6: {  	[sflag:s11] =	ssyncset.done $0x0  }
0xa7: {  	[sflag:s11] =	ssyncadd.s32 $0xFFFFD800  }
0xa8: {  	_ =	swait.ge [sflag:s29], $0x2800  }
0xa9: {  	[sflag:s29] =	ssyncset.done $0x0  }
0xaa: {  	[sflag:s29] =	ssyncadd.s32 $0xFFFFD800  }
0xab: {  	[spmem:s2] =	stream.indirect.scatter.add.f32 [tilespmem:s22], [sflag:$0x5], $0x80, s13, s20, $0xb8;
	[tilespmem:$0x1FEA0] =	vst v63  }
0xac: {  	_ =	swait.ge [sflag:s31], $0x2800  }
0xad: {  	[sflag:s31] =	ssyncset.done $0x0  }
0xae: {  	[sflag:s31] =	ssyncadd.s32 $0xFFFFD800  }
0xaf: {  	_ =	swait.ge [sflag:s9], $0x2800  }
0xb0: {  	s14 =	sadd.s32 $0x1, s14;
	[sflag:s9] =	ssyncset.done $0x0  }
0xb1: {  	p1 =	sne.s32 s14, s17;
	[sflag:s9] =	ssyncadd.s32 $0xFFFFD800  }
.Ltmp4:
0xb2: {  	[bflag:$0x0] =	sbarrier.arrive $0xFFFF;
	(pc) =	sbr.rel @p1 .LBB2_1-.Ltmp4, $4  }
0xb3: {  	[hbm:s24], [sflag:s23] =	dma.local [spmem:s16], $0x2710  }
0xb4: {  	_ =	swait.ge [sflag:s18], $0x2710  }
0xb5: {  	[sflag:s18] =	ssyncset.done $0x0  }
0xb6: {  	[sflag:s18] =	ssyncadd.s32 $0xFFFFD8F0  }
0xb7: {  	_ =	sfence.sel $0x180000  }
0xb8: {  	[bflag:$0x0] =	sbarrier.arrive $0xFFFF  }
0xb9: {  	_ =	strace $0x9000004A  }
0xba: {  	s0 =	stileid.u32;
	[bflag:$0x2] =	sbarrier.arrive $0xFFFF  }
0xbb: {  	p0 =	sne.s32 s0, $0x0;
	s0 =	rddreg [dreg:$0x2]  }
0xbc: {  	s0 =	sadd.s32 @!p0 $0x100000, s0  }
0xbd: {  	[sflag:s0] =	ssyncadd.tile.s32 @!p0 $0x1;
	_ =	shalt  }
.Lfunc_end2:
_tile_overlayer_lowered:
.L_overlay_start_2:
0xbe: {  	(tag) =	ssettag $0x2  }
0xbf: {  	s0 =	rddreg [dreg:$0x0];
	s2 =	stileid.u32  }
0xc0: {  	s1 =	rddreg [dreg:$0x1];
	p0 =	sne.s32 s2, $0x0  }
0xc1: {  	s3 =	rddreg [dreg:$0x2];
	[bflag:$0x3] =	sbarrier.arrive $0xFFFF;
	s2 =	simm.s32 @!p0 $0x1C07  }
0xc2: {  	[timem:s3], [sflag:s2] =	dma.local @!p0 [hbm:s0], s1  }
0xc3: {  	s0 =	simm.s32 @!p0 $0x7  }
0xc4: {  	_ =	swait.ge @!p0 [sflag:s0], s1  }
0xc5: {  	s1 =	ssub.s32 @!p0 $0x0, s1;
	[sflag:s0] =	ssyncset.done @!p0 $0x0  }
0xc6: {  	[sflag:s0] =	ssyncadd.s32 @!p0 s1  }
0xc7: {  	[bflag:$0x3] =	sbarrier.arrive $0xFFFF  }
0xc8: {  	_ =	shalt  }

// kernel: kernel.15.cloned.1.call-start
scs
__scs_entry_jumppad:
0x0: {  	(pc) =	sbr.rel $0x88, $3  }
0x1: {  	(tag) =	ssettag $0x0;
	lr =	simm.s32 $0x1  }
0x2: {  	[smem:$0x3F99] =	sst lr;
	_ =	strace $0xD0000000  }
0x3: {  	_ = 	snop  }
0x4: {  	_ = 	snop  }
0x5: {  	_ = 	snop  }
0x6: {  	_ = 	snop  }
0x7: {  	_ = 	snop  }
__scs_overlays_trampoline_lowered:
0x8: {  	[smem:$0x3FA8] =	sst s0  }
0x9: {  	[smem:$0x3FA9] =	sst s1  }
0xa: {  	[smem:$0x3FAA] =	sst s2  }
0xb: {  	[smem:$0x3FAB] =	sst s3  }
0xc: {  	[smem:$0x3FAC] =	sst s4  }
0xd: {  	[smem:$0x3FAD] =	sst s5  }
0xe: {  	[smem:$0x3FAE] =	sst s6  }
0xf: {  	[smem:$0x3FAF] =	sst s7  }
0x10: {  	[smem:$0x3FB0] =	sst s8  }
0x11: {  	[smem:$0x3FB1] =	sst s9;
	s0 =	simm.s32 @!p0 $0x0  }
0x12: {  	s1 =	sld [smem:$0x3F97];
	s0 =	simm.s32 @p0 $0x1  }
0x13: {  	[smem:$0x3FB2] =	sst s0;
	s0 =	simm.s32 @!p1 $0x0  }
0x14: {  	s2 =	sld [smem:$0x3F96];
	s0 =	simm.s32 @p1 $0x1  }
0x15: {  	[smem:$0x3FB3] =	sst s0;
	s0 =	simm.s32 @!p2 $0x0  }
0x16: {  	s3 =	sld [smem:$0x3FDB];
	s0 =	simm.s32 @p2 $0x1  }
0x17: {  	s4 =	simm.s32 $0x1BF5;
	[smem:$0x3FB5] =	sst s0  }
0x18: {  	s0 =	sld [smem:$0x3F98];
	_ =	swait.ge [sflag:s4], $0x0  }
0x19: {  	s7 =	sld [smem:$0x3F99]  }
0x1a: {  	s8 =	sadd.s32 $0xFFFFE003, lr  }
0x1b: {  	s9 =	sadd.s32 $0xFFFFFEF7, lr;
	s5 =	simm.s32 $0xFFFFFFFF;
	p2 =	slt.u32 s8, $0xFFFFF086  }
0x1c: {  	p1 =	slt.u32 s9, $0xF7A;
	s5 =	simm.s32 @!p2 $0x0  }
0x1d: {  	s5 =	simm.s32 @p1 $0x1;
	p0 =	seq.s32 s7, s2  }
0x1e: {  	s7 =	smul.u32 @!p0 $0xF7A, s2;
	p2 =	seq.s32 @!p0 s5, $0x0  }
0x1f: {  	s9 =	smul.u32 $0xF7A, s1;
	s8 =	simm.s32 @!p0 $0x1BF5;
	p2 =	por !p2, p0  }
0x20: {  	[sflag:s8] =	ssyncset.s32 @!p0 $0xFFFFF086;
	s6 =	sadd.s32 @!p0 s3, s7;
	s7 =	simm.s32 @!p0 $0x108  }
0x21: {  	s3 =	sadd.s32 s3, s9;
	s6 =	sadd.s32 @!p0 $0x88, s6;
	s7 =	simm.s32 @p2 $0x1082  }
0x22: {  	[simem:s7], [sflag:s8] =	dma.local @!p0 [hbm:s6], $0xF7A  }
0x23: {  	s9 =	sor.u32 $0xD0000000, s2;
	s6 =	simm.s32 $0x108;
	_ =	swait.ge @!p0 [sflag:s8], $0x0  }
0x24: {  	s3 =	sadd.s32 $0x88, s3;
	s6 =	simm.s32 @!p1 $0x1082;
	[sflag:s4] =	ssyncset.s32 $0xFFFFF086  }
0x25: {  	[simem:s6], [sflag:s4] =	dma.local [hbm:s3], $0xF7A  }
0x26: {  	[smem:$0x3F99] =	sst s1;
	(tag) =	ssettag s2;
	_ =	strace s9  }
0x27: {  	s1 =	sld [smem:$0x3FA9]  }
0x28: {  	s2 =	sld [smem:$0x3FAA]  }
0x29: {  	s4 =	sld [smem:$0x3FAC]  }
0x2a: {  	p0 =	seq.s32 s5, $0x0;
	s5 =	sld [smem:$0x3FAD]  }
0x2b: {  	s6 =	sld [smem:$0x3FAE]  }
0x2c: {  	s7 =	sld [smem:$0x3FAF]  }
0x2d: {  	s3 =	simm.s32 $0x108;
	s8 =	sld [smem:$0x3FB0]  }
0x2e: {  	s3 =	simm.s32 @!p0 $0x1082;
	s9 =	sld [smem:$0x3FB1]  }
0x2f: {  	lr =	sadd.s32 s0, s3;
	s0 =	sld [smem:$0x3FA8]  }
0x30: {  	s3 =	sld [smem:$0x3FAB]  }
0x31: {  	[smem:$0x3FB4] =	sst s10  }
0x32: {  	s10 =	sld [smem:$0x3FB2];
	_ =	sdelay $0x3  }
0x33: {  	p0 =	seq.s32 s10, $0x1;
	s10 =	sld [smem:$0x3FB4];
	_ =	sdelay $0x3  }
0x34: {  	[smem:$0x3FB4] =	sst s10  }
0x35: {  	s10 =	sld [smem:$0x3FB3];
	_ =	sdelay $0x3  }
0x36: {  	p1 =	seq.s32 s10, $0x1;
	s10 =	sld [smem:$0x3FB4];
	_ =	sdelay $0x3  }
0x37: {  	[smem:$0x3FB4] =	sst s10  }
0x38: {  	s10 =	sld [smem:$0x3FB5]  }
0x39: {  	_ = 	snop;
	(pc) =	sbr.ind lr, $3  }
0x3a: {  	_ = 	snop  }
0x3b: {  	_ = 	snop  }
0x3c: {  	p2 =	seq.s32 s10, $0x1;
	s10 =	sld [smem:$0x3FB4]  }
0x3d: {  	_ =	shalt  }
0x3e: {  	_ =	shalt  }
0x3f: {  	_ =	shalt  }
0x40: {  	_ =	shalt  }
0x41: {  	_ =	shalt  }
0x42: {  	_ =	shalt  }
0x43: {  	_ =	shalt  }
0x44: {  	_ =	shalt  }
0x45: {  	_ =	shalt  }
0x46: {  	_ =	shalt  }
0x47: {  	_ =	shalt  }
0x48: {  	_ =	shalt  }
0x49: {  	_ =	shalt  }
0x4a: {  	_ =	shalt  }
0x4b: {  	_ =	shalt  }
0x4c: {  	_ =	shalt  }
0x4d: {  	_ =	shalt  }
0x4e: {  	_ =	shalt  }
0x4f: {  	_ =	shalt  }
0x50: {  	_ =	shalt  }
0x51: {  	_ =	shalt  }
0x52: {  	_ =	shalt  }
0x53: {  	_ =	shalt  }
0x54: {  	_ =	shalt  }
0x55: {  	_ =	shalt  }
0x56: {  	_ =	shalt  }
0x57: {  	_ =	shalt  }
0x58: {  	_ =	shalt  }
0x59: {  	_ =	shalt  }
0x5a: {  	_ =	shalt  }
0x5b: {  	_ =	shalt  }
0x5c: {  	_ =	shalt  }
0x5d: {  	_ =	shalt  }
0x5e: {  	_ =	shalt  }
0x5f: {  	_ =	shalt  }
0x60: {  	_ =	shalt  }
0x61: {  	_ =	shalt  }
0x62: {  	_ =	shalt  }
0x63: {  	_ =	shalt  }
0x64: {  	_ =	shalt  }
0x65: {  	_ =	shalt  }
0x66: {  	_ =	shalt  }
0x67: {  	_ =	shalt  }
0x68: {  	_ =	shalt  }
0x69: {  	_ =	shalt  }
0x6a: {  	_ =	shalt  }
0x6b: {  	_ =	shalt  }
0x6c: {  	_ =	shalt  }
0x6d: {  	_ =	shalt  }
0x6e: {  	_ =	shalt  }
0x6f: {  	_ =	shalt  }
0x70: {  	_ =	shalt  }
0x71: {  	_ =	shalt  }
0x72: {  	_ =	shalt  }
0x73: {  	_ =	shalt  }
0x74: {  	_ =	shalt  }
0x75: {  	_ =	shalt  }
0x76: {  	_ =	shalt  }
0x77: {  	_ =	shalt  }
0x78: {  	_ =	shalt  }
0x79: {  	_ =	shalt  }
0x7a: {  	_ =	shalt  }
0x7b: {  	_ =	shalt  }
0x7c: {  	_ =	shalt  }
0x7d: {  	_ =	shalt  }
0x7e: {  	_ =	shalt  }
0x7f: {  	_ =	shalt  }
0x80: {  	_ =	shalt  }
0x81: {  	_ =	shalt  }
0x82: {  	_ =	shalt  }
0x83: {  	_ =	shalt  }
0x84: {  	_ =	shalt  }
0x85: {  	_ =	shalt  }
0x86: {  	_ =	shalt  }
0x87: {  	_ =	shalt  }
.Lfunc_end0:
.L_simem_size_0:
called_computation.2_lowered:
.L_overlay_start_0:
0x88: {  	s2 =	sld [smem:$0x3FD9]  }
0x89: {  	s3 =	sld [smem:$0x3FFE];
	_ =	sdelay $0x1  }
0x8a: {  	s1 =	srdreg.scid  }
0x8b: {  	s0 =	sand.u32 $0x1, s1  }
0x8c: {  	s17 =	sshll.u32 s0, $0xA;
	s2 =	sadd.s32 s3, s2  }
0x8d: {  	s2 =	sadd.s32 s2, s17  }
0x8e: {  	[smem:$0x3FC0] =	sst s2  }
0x8f: {  	_ = 	snop  }
0x90: {  	s2 =	sld [smem:$0x3FD0];
	(tm) =	ssettm $0x1  }
0x91: {  	s18 =	sld [smem:$0x3FFB];
	_ =	sdelay $0x3  }
0x92: {  	_ =	strace s18  }
0x93: {  	s3 =	sld [smem:$0x3FFC];
	_ =	sdelay $0x3  }
0x94: {  	_ =	strace s3  }
0x95: {  	s3 =	sld [smem:$0x3FFD];
	_ =	sdelay $0x3  }
0x96: {  	_ =	strace s3  }
0x97: {  	_ =	strace $0x8FFFFFFF  }
0x98: {  	s19 =	sld [smem:$0x3FDB];
	_ =	sdelay $0x1  }
0x99: {  	s4 =	simm.s32 $_scs_section_size  }
0x9a: {  	s5 =	simm.s32 $_size__tile_overlayer_lowered;
	s6 =	simm.s32 $_tile_overlayer_lowered  }
0x9b: {  	s22 =	simm.s32 $0x1BFF;
	s21 =	sshll.u32 s6, $0x1;
	s3 =	sadd.s32 s4, s19  }
0x9c: {  	s7 =	simm.s32 $0x0;
	s20 =	sshll.u32 s5, $0x1;
	s5 =	sadd.s32 s21, s3  }
0x9d: {  	[timem:s7], [sflag:s22] =	dma.local [hbm:s5], s20  }
0x9e: {  	_ =	swait.ge [sflag:s22], s20  }
0x9f: {  	s4 =	ssub.s32 $0x0, s20;
	[sflag:s22] =	ssyncset.done $0x0  }
0xa0: {  	[sflag:s22] =	ssyncadd.s32 s4;
	_ =	sdelay $0x1  }
0xa1: {  	s23 =	simm.s32 $0x1B8B  }
0xa2: {  	_ =	swait.ge [sflag:s23], $0x1  }
0xa3: {  	[sflag:s23] =	ssyncset.done $0x0  }
0xa4: {  	s25 =	simm.s32 $0x1B8E;
	s24 =	sld [smem:$0x3FFE];
	[sflag:s23] =	ssyncadd.s32 $0xFFFFFFFF  }
0xa5: {  	s26 =	simm.s32 $execute0_lowered;
	[smem:$0x3FD2] =	sst s25  }
0xa6: {  	s5 =	sshll.u32 s26, $0x1;
	_ =	strace $0x8000004C;
	[dreg:$0x1] =	wrdreg $0xFFFFFFFF  }
0xa7: {  	s28 =	simm.s32 $_size_execute0_lowered;
	s3 =	sadd.s32 s3, s5;
	[dreg:$0x0] =	wrdreg $0x0  }
0xa8: {  	s5 =	sshll.u32 s28, $0x1;
	[dreg:$0x2] =	wrdreg s3  }
0xa9: {  	[dreg:$0x3] =	wrdreg s5  }
0xaa: {  	[dreg:$0x4] =	wrdreg $0xC0  }
0xab: {  	_ =	task [dreg:s7], $0x5FFFF  }
0xac: {  	[dreg:$0x1] =	wrdreg $0xFFFFFFFF  }
0xad: {  	[dreg:$0x0] =	wrdreg $0x60  }
0xae: {  	[dreg:$0x2] =	wrdreg s24  }
0xaf: {  	[dreg:$0x3] =	wrdreg s2  }
0xb0: {  	[dreg:$0x4] =	wrdreg $0x9C480  }
0xb1: {  	[dreg:$0x5] =	wrdreg $0x9  }
0xb2: {  	_ =	task.clear_ibuf [dreg:s7], $0x6FFFF;
	_ =	strace $0x9000004C  }
0xb3: {  	s29 =	simm.s32 $0x9;
	_ =	strace $0x8000004E  }
0xb4: {  	_ =	swait.ge [sflag:s29], $0x1  }
0xb5: {  	[sflag:s29] =	ssyncadd.s32 $0xFFFFFFFF  }
0xb6: {  	_ =	strace $0x9000004E  }
0xb7: {  	_ =	sfence  }
0xb8: {  	s30 =	sld [smem:$0x0];
	_ =	sdelay $0x2  }
0xb9: {  	s31 =	sshll.u32 s1, $0xD;
	s1 =	sshrl.u32 s1, $0x2  }
0xba: {  	s3 =	sand.u32 $0x4000, s31;
	s1 =	sadd.s32 s1, s30  }
0xbb: {  	s0 =	sor.u32 s3, s0;
	s1 =	sshll.u32 s1, $0x11  }
0xbc: {  	s0 =	sor.u32 s1, s0  }
0xbd: {  	s0 =	sadd.s32 $0x8F2B, s0  }
0xbe: {  	[sflag:s0] =	ssyncadd.remote.s32 $0x1  }
0xbf: {  	_ =	sfence.sel $0xFFFF  }
0xc0: {  	[dreg:$0x0] =	wrdreg $0xFFFFFFFF;
	(pc) =	sbr.abs _section_cstart, $3  }
0xc1: {  	[dreg:$0x1] =	wrdreg $0xFFFFFFFF  }
0xc2: {  	_ =	task.clear_ibuf [dreg:s7], $0x2FFFF;
	_ =	strace $0x9FFFFFFF  }
0xc3: {  	(tm) =	ssettm $0x7FFFFFFF  }
tec
execute0_lowered:
.L_overlay_start_1:
0x0: {  	(tag) =	ssettag $0x1  }
0x1: {  	s5 =	rddreg [dreg:$0x0]  }
0x2: {  	s0 =	srdreg.scid;
	s1 =	rddreg [dreg:$0x1]  }
0x3: {  	s13 =	stileid.u32;
	s2 =	rddreg [dreg:$0x2];
	s3 =	simm.s32 $0x0  }
0x4: {  	s10 =	simm.s32 $0x2710;
	s11 =	simm.s32 $0x4E20;
	s12 =	simm.s32 $0x9C40  }
0x5: {  	s15 =	simm.s32 $0x0;
	s4 =	sand.u32 $0x1, s0;
	s0 =	rddreg [dreg:$0x3]  }
0x6: {  	s31 =	sshll.u32 s13, $0x1;
	[smem:$0x7FF] =	sst s3;
	p0 =	sne.s32 s13, $0x0  }
0x7: {  	s13 =	simm.s32 $0x7530;
	s6 =	sor.u32 s4, s31;
	s7 =	smul.u32 $0x4E2, s4  }
0x8: {  	s8 =	ssub.s32 $0x2, s4;
	_ =	strace $0x8000004D;
	s6 =	smul.u32 $0x2710, s6  }
0x9: {  	s4 =	sadd.s32 $0x15200, s5;
	s14 =	sshrl.u32 @!p0 s2, $0x3;
	s9 =	sshrl.u32 s8, $0x1  }
0xa: {  	s7 =	sadd.s32 s7, s5;
	s8 =	ssub.s32 s8, s9;
	s6 =	sshrl.u32 s6, $0x3  }
0xb: {  	s9 =	simm.s32 $0x1;
	s7 =	sadd.s32 $0x15400, s7;
	s6 =	sadd.s32 s6, s5  }
0xc: {  	v0 =	vimm.f32 $0.0e+00;
	s8 =	smax.u32 s8, $0x1;
	s5 =	sadd.s32 $0x1800, s6;
	s6 =	sadd.s32 $0xB440, s6  }
.LBB2_1:
0xd: {  	[tilespmem:s3], [sflag:$0x1] =	stream.linear.gather [hbm4b:s5+s3], $0x2710, $0x38;
	[tilespmem:$0x9EC0] =	vst v63  }
0xe: {  	_ =	swait.ge [sflag:s9], $0x2710  }
0xf: {  	[sflag:s9] =	ssyncset.done $0x0  }
0x10: {  	[sflag:s9] =	ssyncadd.s32 $0xFFFFD8F0  }
0x11: {  	[tilespmem:s10], [sflag:$0x1] =	stream.linear.gather [hbm4b:s6+s3], $0x2710, $0x38;
	[tilespmem:$0x9EC0] =	vst v63  }
0x12: {  	_ =	swait.ge [sflag:s9], $0x2710  }
0x13: {  	[sflag:s9] =	ssyncset.done $0x0  }
0x14: {  	[sflag:s9] =	ssyncadd.s32 $0xFFFFD8F0  }
0x15: {  	[tilespmem:s11], [sflag:$0x1] =	stream.linear.gather [hbm4b:s1+s3], $0x2710, $0x38;
	[tilespmem:$0x9EC0] =	vst v63  }
0x16: {  	_ =	swait.ge [sflag:s9], $0x2710  }
0x17: {  	[sflag:s9] =	ssyncset.done $0x0  }
0x18: {  	[sflag:s9] =	ssyncadd.s32 $0xFFFFD8F0  }
0x19: {  	[tilespmem:s12], [sflag:$0x1] =	stream.linear.gather [hbm4b:s4+s3], $0x8, $0x38;
	[tilespmem:$0x9EC0] =	vst v63  }
0x1a: {  	_ =	swait.ge [sflag:s9], $0x8  }
0x1b: {  	[sflag:s9] =	ssyncset.done $0x0  }
0x1c: {  	s16 =	simm.s32 $0x40;
	s17 =	simm.s32 $0x0;
	[sflag:s9] =	ssyncadd.s32 $0xFFFFFFF8  }
.LBB2_2:
0x1d: {  	p1 =	sne.s32 s16, $0x9C00;
	[tilespmem:s17+$0x7530] =	vst v0;
	s17 =	smov.u32 s16;
	s16 =	sadd.s32 $0x40, s16  }
.Ltmp0:
0x1e: {  	(pc) =	sbr.rel @p1 .LBB2_2-.Ltmp0, $2  }
0x1f: {  	_ =	sdelay $0x2  }
0x20: {  	s17 =	sshra.s32 s17, $0x2  }
0x21: {  	[tilespmem:s17+$0x7530] =	vst v0;
	s16 =	simm.s32 @!p0 $0x7530  }
0x22: {  	[spmem:s2] =	stream.linear.scatter @!p0 [tilespmem:s16], [sflag:$0x1], $0x2710, $0x38;
	[tilespmem:$0x9EC0] =	vst v63  }
0x23: {  	s16 =	simm.s32 @!p0 $0x1  }
0x24: {  	_ =	swait.ge @!p0 [sflag:s16], $0x2710  }
0x25: {  	[sflag:s16] =	ssyncset.done @!p0 $0x0  }
0x26: {  	[sflag:s16] =	ssyncadd.s32 @!p0 $0xFFFFD8F0;
	s16 =	simm.s32 $0x0  }
.LBB2_4:
0x27: {  	s17 =	sshra.s32 s16, $0x2  }
0x28: {  	v1 =	vld [tilespmem:s17+$0x0];
	_ =	sdelay $0x4  }
0x29: {  	v2 =	vld [tilespmem:s17+$0x2710];
	_ =	sdelay $0x2  }
0x2a: {  	v1 =	vld.idx.msk [tilespmem:v1+s11+$0x0], $0xffff;
	_ =	sdelay $0x4  }
0x2b: {  	[tilespmem:v2+s13+$0x0] =	vst.idx.add.f32.msk $0xffff, v1  }
0x2c: {  	v1 =	vld [tilespmem:s17+$0x10];
	_ =	sdelay $0x4  }
0x2d: {  	v2 =	vld [tilespmem:s17+$0x2720];
	_ =	sdelay $0x2  }
0x2e: {  	v1 =	vld.idx.msk [tilespmem:v1+s11+$0x0], $0xffff;
	_ =	sdelay $0x4  }
0x2f: {  	[tilespmem:v2+s13+$0x0] =	vst.idx.add.f32.msk $0xffff, v1  }
0x30: {  	v1 =	vld [tilespmem:s17+$0x20];
	_ =	sdelay $0x4  }
0x31: {  	v2 =	vld [tilespmem:s17+$0x2730];
	_ =	sdelay $0x2  }
0x32: {  	v1 =	vld.idx.msk [tilespmem:v1+s11+$0x0], $0xffff;
	_ =	sdelay $0x4  }
0x33: {  	[tilespmem:v2+s13+$0x0] =	vst.idx.add.f32.msk $0xffff, v1  }
0x34: {  	v1 =	vld [tilespmem:s17+$0x30];
	_ =	sdelay $0x4  }
0x35: {  	v2 =	vld [tilespmem:s17+$0x2740];
	_ =	sdelay $0x2  }
0x36: {  	v1 =	vld.idx.msk [tilespmem:v1+s11+$0x0], $0xffff;
	_ =	sdelay $0x4  }
0x37: {  	[tilespmem:v2+s13+$0x0] =	vst.idx.add.f32.msk $0xffff, v1  }
0x38: {  	v1 =	vld [tilespmem:s17+$0x40];
	_ =	sdelay $0x4  }
0x39: {  	v2 =	vld [tilespmem:s17+$0x2750];
	_ =	sdelay $0x2  }
0x3a: {  	p1 =	sne.s32 s16, $0x9B00;
	v1 =	vld.idx.msk [tilespmem:v1+s11+$0x0], $0xffff  }
.Ltmp1:
0x3b: {  	_ = 	snop;
	(pc) =	sbr.rel @p1 .LBB2_4-.Ltmp1, $2  }
0x3c: {  	_ =	sdelay $0x2  }
0x3d: {  	s16 =	sadd.s32 $0x140, s16;
	[tilespmem:v2+s13+$0x0] =	vst.idx.add.f32.msk $0xffff, v1  }
0x3e: {  	[bflag:$0x0] =	sbarrier.arrive $0xFFFF  }
0x3f: {  	[spmem:s2] =	stream.indirect.scatter.add.f32 [tilespmem:s13], [sflag:$0x1], $0x2710, s12, s9, $0xb8;
	[tilespmem:$0x9EC0] =	vst v63  }
0x40: {  	_ =	swait.ge [sflag:s9], $0x2710  }
0x41: {  	[sflag:s9] =	ssyncset.done $0x0  }
0x42: {  	s15 =	sadd.s32 $0x1, s15;
	[sflag:s9] =	ssyncadd.s32 $0xFFFFD8F0  }
0x43: {  	s16 =	simm.s32 @!p0 $0x1C01;
	p1 =	sne.s32 s15, s8;
	[bflag:$0x0] =	sbarrier.arrive $0xFFFF  }
0x44: {  	[hbm:s7], [sflag:s16] =	dma.local @!p0 [spmem:s14], $0x4E2  }
.Ltmp2:
0x45: {  	_ = 	snop;
	(pc) =	sbr.rel @p1 .LBB2_1-.Ltmp2, $4  }
0x46: {  	s16 =	simm.s32 @!p0 $0x1  }
0x47: {  	_ =	swait.ge @!p0 [sflag:s16], $0x4E2  }
0x48: {  	[sflag:s16] =	ssyncset.done @!p0 $0x0  }
0x49: {  	[sflag:s16] =	ssyncadd.s32 @!p0 $0xFFFFFB1E  }
0x4a: {  	_ =	sfence.sel $0x180000  }
0x4b: {  	[bflag:$0x0] =	sbarrier.arrive $0xFFFF  }
0x4c: {  	_ =	strace $0x9000004D  }
0x4d: {  	s0 =	sadd.s32 @!p0 $0x100000, s0;
	[bflag:$0x2] =	sbarrier.arrive $0xFFFF  }
0x4e: {  	[sflag:s0] =	ssyncadd.tile.s32 @!p0 $0x1;
	_ =	shalt  }
.Lfunc_end2:
_tile_overlayer_lowered:
.L_overlay_start_2:
0x4f: {  	(tag) =	ssettag $0x2  }
0x50: {  	s0 =	rddreg [dreg:$0x0];
	s2 =	stileid.u32  }
0x51: {  	s1 =	rddreg [dreg:$0x1];
	p0 =	sne.s32 s2, $0x0  }
0x52: {  	s3 =	rddreg [dreg:$0x2];
	[bflag:$0x3] =	sbarrier.arrive $0xFFFF;
	s2 =	simm.s32 @!p0 $0x1C01  }
0x53: {  	[timem:s3], [sflag:s2] =	dma.local @!p0 [hbm:s0], s1  }
0x54: {  	s0 =	simm.s32 @!p0 $0x1  }
0x55: {  	_ =	swait.ge @!p0 [sflag:s0], s1  }
0x56: {  	s1 =	ssub.s32 @!p0 $0x0, s1;
	[sflag:s0] =	ssyncset.done @!p0 $0x0  }
0x57: {  	[sflag:s0] =	ssyncadd.s32 @!p0 s1  }
0x58: {  	[bflag:$0x3] =	sbarrier.arrive $0xFFFF  }
0x59: {  	_ =	shalt  }

// kernel: kernel.9.cloned.1.call-start
scs
__scs_entry_jumppad:
0x0: {  	(pc) =	sbr.rel $0x88, $3  }
0x1: {  	(tag) =	ssettag $0x0;
	lr =	simm.s32 $0x1  }
0x2: {  	[smem:$0x3F99] =	sst lr;
	_ =	strace $0xD0000000  }
0x3: {  	_ = 	snop  }
0x4: {  	_ = 	snop  }
0x5: {  	_ = 	snop  }
0x6: {  	_ = 	snop  }
0x7: {  	_ = 	snop  }
__scs_overlays_trampoline_lowered:
0x8: {  	[smem:$0x3FA8] =	sst s0  }
0x9: {  	[smem:$0x3FA9] =	sst s1  }
0xa: {  	[smem:$0x3FAA] =	sst s2  }
0xb: {  	[smem:$0x3FAB] =	sst s3  }
0xc: {  	[smem:$0x3FAC] =	sst s4  }
0xd: {  	[smem:$0x3FAD] =	sst s5  }
0xe: {  	[smem:$0x3FAE] =	sst s6  }
0xf: {  	[smem:$0x3FAF] =	sst s7  }
0x10: {  	[smem:$0x3FB0] =	sst s8  }
0x11: {  	[smem:$0x3FB1] =	sst s9;
	s0 =	simm.s32 @!p0 $0x0  }
0x12: {  	s1 =	sld [smem:$0x3F97];
	s0 =	simm.s32 @p0 $0x1  }
0x13: {  	[smem:$0x3FB2] =	sst s0;
	s0 =	simm.s32 @!p1 $0x0  }
0x14: {  	s2 =	sld [smem:$0x3F96];
	s0 =	simm.s32 @p1 $0x1  }
0x15: {  	[smem:$0x3FB3] =	sst s0;
	s0 =	simm.s32 @!p2 $0x0  }
0x16: {  	s3 =	sld [smem:$0x3FDB];
	s0 =	simm.s32 @p2 $0x1  }
0x17: {  	s4 =	simm.s32 $0x1BF5;
	[smem:$0x3FB5] =	sst s0  }
0x18: {  	s0 =	sld [smem:$0x3F98];
	_ =	swait.ge [sflag:s4], $0x0  }
0x19: {  	s7 =	sld [smem:$0x3F99]  }
0x1a: {  	s8 =	sadd.s32 $0xFFFFE003, lr  }
0x1b: {  	s9 =	sadd.s32 $0xFFFFFEF7, lr;
	s5 =	simm.s32 $0xFFFFFFFF;
	p2 =	slt.u32 s8, $0xFFFFF086  }
0x1c: {  	p1 =	slt.u32 s9, $0xF7A;
	s5 =	simm.s32 @!p2 $0x0  }
0x1d: {  	s5 =	simm.s32 @p1 $0x1;
	p0 =	seq.s32 s7, s2  }
0x1e: {  	s7 =	smul.u32 @!p0 $0xF7A, s2;
	p2 =	seq.s32 @!p0 s5, $0x0  }
0x1f: {  	s9 =	smul.u32 $0xF7A, s1;
	s8 =	simm.s32 @!p0 $0x1BF5;
	p2 =	por !p2, p0  }
0x20: {  	[sflag:s8] =	ssyncset.s32 @!p0 $0xFFFFF086;
	s6 =	sadd.s32 @!p0 s3, s7;
	s7 =	simm.s32 @!p0 $0x108  }
0x21: {  	s3 =	sadd.s32 s3, s9;
	s6 =	sadd.s32 @!p0 $0x88, s6;
	s7 =	simm.s32 @p2 $0x1082  }
0x22: {  	[simem:s7], [sflag:s8] =	dma.local @!p0 [hbm:s6], $0xF7A  }
0x23: {  	s9 =	sor.u32 $0xD0000000, s2;
	s6 =	simm.s32 $0x108;
	_ =	swait.ge @!p0 [sflag:s8], $0x0  }
0x24: {  	s3 =	sadd.s32 $0x88, s3;
	s6 =	simm.s32 @!p1 $0x1082;
	[sflag:s4] =	ssyncset.s32 $0xFFFFF086  }
0x25: {  	[simem:s6], [sflag:s4] =	dma.local [hbm:s3], $0xF7A  }
0x26: {  	[smem:$0x3F99] =	sst s1;
	(tag) =	ssettag s2;
	_ =	strace s9  }
0x27: {  	s1 =	sld [smem:$0x3FA9]  }
0x28: {  	s2 =	sld [smem:$0x3FAA]  }
0x29: {  	s4 =	sld [smem:$0x3FAC]  }
0x2a: {  	p0 =	seq.s32 s5, $0x0;
	s5 =	sld [smem:$0x3FAD]  }
0x2b: {  	s6 =	sld [smem:$0x3FAE]  }
0x2c: {  	s7 =	sld [smem:$0x3FAF]  }
0x2d: {  	s3 =	simm.s32 $0x108;
	s8 =	sld [smem:$0x3FB0]  }
0x2e: {  	s3 =	simm.s32 @!p0 $0x1082;
	s9 =	sld [smem:$0x3FB1]  }
0x2f: {  	lr =	sadd.s32 s0, s3;
	s0 =	sld [smem:$0x3FA8]  }
0x30: {  	s3 =	sld [smem:$0x3FAB]  }
0x31: {  	[smem:$0x3FB4] =	sst s10  }
0x32: {  	s10 =	sld [smem:$0x3FB2];
	_ =	sdelay $0x3  }
0x33: {  	p0 =	seq.s32 s10, $0x1;
	s10 =	sld [smem:$0x3FB4];
	_ =	sdelay $0x3  }
0x34: {  	[smem:$0x3FB4] =	sst s10  }
0x35: {  	s10 =	sld [smem:$0x3FB3];
	_ =	sdelay $0x3  }
0x36: {  	p1 =	seq.s32 s10, $0x1;
	s10 =	sld [smem:$0x3FB4];
	_ =	sdelay $0x3  }
0x37: {  	[smem:$0x3FB4] =	sst s10  }
0x38: {  	s10 =	sld [smem:$0x3FB5]  }
0x39: {  	_ = 	snop;
	(pc) =	sbr.ind lr, $3  }
0x3a: {  	_ = 	snop  }
0x3b: {  	_ = 	snop  }
0x3c: {  	p2 =	seq.s32 s10, $0x1;
	s10 =	sld [smem:$0x3FB4]  }
0x3d: {  	_ =	shalt  }
0x3e: {  	_ =	shalt  }
0x3f: {  	_ =	shalt  }
0x40: {  	_ =	shalt  }
0x41: {  	_ =	shalt  }
0x42: {  	_ =	shalt  }
0x43: {  	_ =	shalt  }
0x44: {  	_ =	shalt  }
0x45: {  	_ =	shalt  }
0x46: {  	_ =	shalt  }
0x47: {  	_ =	shalt  }
0x48: {  	_ =	shalt  }
0x49: {  	_ =	shalt  }
0x4a: {  	_ =	shalt  }
0x4b: {  	_ =	shalt  }
0x4c: {  	_ =	shalt  }
0x4d: {  	_ =	shalt  }
0x4e: {  	_ =	shalt  }
0x4f: {  	_ =	shalt  }
0x50: {  	_ =	shalt  }
0x51: {  	_ =	shalt  }
0x52: {  	_ =	shalt  }
0x53: {  	_ =	shalt  }
0x54: {  	_ =	shalt  }
0x55: {  	_ =	shalt  }
0x56: {  	_ =	shalt  }
0x57: {  	_ =	shalt  }
0x58: {  	_ =	shalt  }
0x59: {  	_ =	shalt  }
0x5a: {  	_ =	shalt  }
0x5b: {  	_ =	shalt  }
0x5c: {  	_ =	shalt  }
0x5d: {  	_ =	shalt  }
0x5e: {  	_ =	shalt  }
0x5f: {  	_ =	shalt  }
0x60: {  	_ =	shalt  }
0x61: {  	_ =	shalt  }
0x62: {  	_ =	shalt  }
0x63: {  	_ =	shalt  }
0x64: {  	_ =	shalt  }
0x65: {  	_ =	shalt  }
0x66: {  	_ =	shalt  }
0x67: {  	_ =	shalt  }
0x68: {  	_ =	shalt  }
0x69: {  	_ =	shalt  }
0x6a: {  	_ =	shalt  }
0x6b: {  	_ =	shalt  }
0x6c: {  	_ =	shalt  }
0x6d: {  	_ =	shalt  }
0x6e: {  	_ =	shalt  }
0x6f: {  	_ =	shalt  }
0x70: {  	_ =	shalt  }
0x71: {  	_ =	shalt  }
0x72: {  	_ =	shalt  }
0x73: {  	_ =	shalt  }
0x74: {  	_ =	shalt  }
0x75: {  	_ =	shalt  }
0x76: {  	_ =	shalt  }
0x77: {  	_ =	shalt  }
0x78: {  	_ =	shalt  }
0x79: {  	_ =	shalt  }
0x7a: {  	_ =	shalt  }
0x7b: {  	_ =	shalt  }
0x7c: {  	_ =	shalt  }
0x7d: {  	_ =	shalt  }
0x7e: {  	_ =	shalt  }
0x7f: {  	_ =	shalt  }
0x80: {  	_ =	shalt  }
0x81: {  	_ =	shalt  }
0x82: {  	_ =	shalt  }
0x83: {  	_ =	shalt  }
0x84: {  	_ =	shalt  }
0x85: {  	_ =	shalt  }
0x86: {  	_ =	shalt  }
0x87: {  	_ =	shalt  }
.Lfunc_end0:
.L_simem_size_0:
called_computation_lowered:
.L_overlay_start_0:
0x88: {  	s2 =	sld [smem:$0x3FD9]  }
0x89: {  	s3 =	sld [smem:$0x3FFE];
	_ =	sdelay $0x1  }
0x8a: {  	s1 =	srdreg.scid  }
0x8b: {  	s0 =	sand.u32 $0x1, s1  }
0x8c: {  	s17 =	sshll.u32 s0, $0xA;
	s2 =	sadd.s32 s3, s2  }
0x8d: {  	s2 =	sadd.s32 s2, s17  }
0x8e: {  	[smem:$0x3FC0] =	sst s2  }
0x8f: {  	_ = 	snop  }
0x90: {  	s2 =	sld [smem:$0x3FD0];
	(tm) =	ssettm $0x1  }
0x91: {  	s18 =	sld [smem:$0x3FFB];
	_ =	sdelay $0x3  }
0x92: {  	_ =	strace s18  }
0x93: {  	s3 =	sld [smem:$0x3FFC];
	_ =	sdelay $0x3  }
0x94: {  	_ =	strace s3  }
0x95: {  	s3 =	sld [smem:$0x3FFD];
	_ =	sdelay $0x3  }
0x96: {  	_ =	strace s3  }
0x97: {  	_ =	strace $0x8FFFFFFF  }
0x98: {  	s19 =	sld [smem:$0x3FDB];
	_ =	sdelay $0x1  }
0x99: {  	s4 =	simm.s32 $_scs_section_size  }
0x9a: {  	s5 =	simm.s32 $_size__tile_overlayer_lowered;
	s6 =	simm.s32 $_tile_overlayer_lowered  }
0x9b: {  	s22 =	simm.s32 $0x1BFF;
	s21 =	sshll.u32 s6, $0x1;
	s3 =	sadd.s32 s4, s19  }
0x9c: {  	s7 =	simm.s32 $0x0;
	s20 =	sshll.u32 s5, $0x1;
	s5 =	sadd.s32 s21, s3  }
0x9d: {  	[timem:s7], [sflag:s22] =	dma.local [hbm:s5], s20  }
0x9e: {  	_ =	swait.ge [sflag:s22], s20  }
0x9f: {  	s4 =	ssub.s32 $0x0, s20;
	[sflag:s22] =	ssyncset.done $0x0  }
0xa0: {  	[sflag:s22] =	ssyncadd.s32 s4;
	_ =	sdelay $0x1  }
0xa1: {  	s23 =	simm.s32 $0x1B8B  }
0xa2: {  	_ =	swait.ge [sflag:s23], $0x1  }
0xa3: {  	[sflag:s23] =	ssyncset.done $0x0  }
0xa4: {  	s25 =	simm.s32 $0x1B8E;
	s24 =	sld [smem:$0x3FFE];
	[sflag:s23] =	ssyncadd.s32 $0xFFFFFFFF  }
0xa5: {  	s26 =	simm.s32 $execute0_lowered;
	[smem:$0x3FD2] =	sst s25  }
0xa6: {  	s5 =	sshll.u32 s26, $0x1;
	_ =	strace $0x80000046;
	[dreg:$0x1] =	wrdreg $0xFFFFFFFF  }
0xa7: {  	s28 =	simm.s32 $_size_execute0_lowered;
	s3 =	sadd.s32 s3, s5;
	[dreg:$0x0] =	wrdreg $0x0  }
0xa8: {  	s5 =	sshll.u32 s28, $0x1;
	[dreg:$0x2] =	wrdreg s3  }
0xa9: {  	[dreg:$0x3] =	wrdreg s5  }
0xaa: {  	[dreg:$0x4] =	wrdreg $0xC0  }
0xab: {  	_ =	task [dreg:s7], $0x5FFFF  }
0xac: {  	[dreg:$0x1] =	wrdreg $0xFFFFFFFF  }
0xad: {  	[dreg:$0x0] =	wrdreg $0x60  }
0xae: {  	[dreg:$0x2] =	wrdreg s24  }
0xaf: {  	[dreg:$0x3] =	wrdreg s2  }
0xb0: {  	[dreg:$0x4] =	wrdreg $0x9C480  }
0xb1: {  	[dreg:$0x5] =	wrdreg $0x9  }
0xb2: {  	_ =	task.clear_ibuf [dreg:s7], $0x6FFFF;
	_ =	strace $0x90000046  }
0xb3: {  	s29 =	simm.s32 $0x9;
	_ =	strace $0x80000048  }
0xb4: {  	_ =	swait.ge [sflag:s29], $0x1  }
0xb5: {  	[sflag:s29] =	ssyncadd.s32 $0xFFFFFFFF  }
0xb6: {  	_ =	strace $0x90000048  }
0xb7: {  	_ =	sfence  }
0xb8: {  	s30 =	sld [smem:$0x0];
	_ =	sdelay $0x2  }
0xb9: {  	s31 =	sshll.u32 s1, $0xD;
	s1 =	sshrl.u32 s1, $0x2  }
0xba: {  	s3 =	sand.u32 $0x4000, s31;
	s1 =	sadd.s32 s1, s30  }
0xbb: {  	s0 =	sor.u32 s3, s0;
	s1 =	sshll.u32 s1, $0x11  }
0xbc: {  	s0 =	sor.u32 s1, s0  }
0xbd: {  	s0 =	sadd.s32 $0x8F2B, s0  }
0xbe: {  	[sflag:s0] =	ssyncadd.remote.s32 $0x1  }
0xbf: {  	_ =	sfence.sel $0xFFFF  }
0xc0: {  	[dreg:$0x0] =	wrdreg $0xFFFFFFFF;
	(pc) =	sbr.abs _section_cstart, $3  }
0xc1: {  	[dreg:$0x1] =	wrdreg $0xFFFFFFFF  }
0xc2: {  	_ =	task.clear_ibuf [dreg:s7], $0x2FFFF;
	_ =	strace $0x9FFFFFFF  }
0xc3: {  	(tm) =	ssettm $0x7FFFFFFF  }
tec
execute0_lowered:
.L_overlay_start_1:
0x0: {  	(tag) =	ssettag $0x1  }
0x1: {  	s4 =	rddreg [dreg:$0x0]  }
0x2: {  	s0 =	srdreg.scid;
	s1 =	rddreg [dreg:$0x1]  }
0x3: {  	s11 =	stileid.u32;
	s2 =	rddreg [dreg:$0x2];
	s3 =	simm.s32 $0x0  }
0x4: {  	s9 =	simm.s32 $0x2710;
	s10 =	simm.s32 $0x9C40;
	s12 =	simm.s32 $0x7530  }
0x5: {  	s13 =	simm.s32 $0x2;
	s5 =	sand.u32 $0x1, s0;
	s31 =	sshll.u32 s11, $0x1  }
0x6: {  	s15 =	simm.s32 $0x0;
	s0 =	rddreg [dreg:$0x3];
	s6 =	sor.u32 s5, s31  }
0x7: {  	[smem:$0x7FF] =	sst s3;
	p0 =	sne.s32 s11, $0x0;
	s6 =	smul.u32 $0x2710, s6  }
0x8: {  	s11 =	simm.s32 $0x4E20;
	s7 =	smul.u32 $0x9C4, s5;
	s5 =	ssub.s32 $0x2, s5  }
0x9: {  	_ =	strace $0x80000047;
	s14 =	sshrl.u32 @!p0 s2, $0x3;
	s6 =	sshrl.u32 s6, $0x3  }
0xa: {  	s8 =	sshrl.u32 s5, $0x1;
	s7 =	sadd.s32 s7, s4;
	s6 =	sadd.s32 s6, s4  }
0xb: {  	s8 =	ssub.s32 s5, s8;
	s4 =	sadd.s32 $0x1800, s6;
	s5 =	sadd.s32 $0xB440, s6  }
0xc: {  	v0 =	vimm.f32 $0.0e+00;
	v1 =	vimm.f32 $1.000000000e+00;
	s6 =	sadd.s32 $0x15200, s7;
	s7 =	smax.u32 s8, $0x1;
	s8 =	simm.s32 $0x1  }
.LBB2_1:
0xd: {  	[tilespmem:s3], [sflag:$0x1] =	stream.linear.gather [hbm4b:s4+s3], $0x2710, $0x38;
	[tilespmem:$0xA130] =	vst v63  }
0xe: {  	_ =	swait.ge [sflag:s8], $0x2710  }
0xf: {  	[sflag:s8] =	ssyncset.done $0x0  }
0x10: {  	[sflag:s8] =	ssyncadd.s32 $0xFFFFD8F0  }
0x11: {  	[tilespmem:s9], [sflag:$0x1] =	stream.linear.gather [hbm4b:s5+s3], $0x2710, $0x38;
	[tilespmem:$0xA130] =	vst v63  }
0x12: {  	_ =	swait.ge [sflag:s8], $0x2710  }
0x13: {  	[sflag:s8] =	ssyncset.done $0x0  }
0x14: {  	[sflag:s8] =	ssyncadd.s32 $0xFFFFD8F0  }
0x15: {  	[tilespmem:s10], [sflag:$0x1] =	stream.linear.gather [hbm4b:s1+s3], $0x8, $0x38;
	[tilespmem:$0xA130] =	vst v63  }
0x16: {  	_ =	swait.ge [sflag:s8], $0x8  }
0x17: {  	[sflag:s8] =	ssyncset.done $0x0  }
0x18: {  	s16 =	simm.s32 $0x40;
	s17 =	simm.s32 $0x0;
	[sflag:s8] =	ssyncadd.s32 $0xFFFFFFF8  }
.LBB2_2:
0x19: {  	p1 =	sne.s32 s16, $0x9C00;
	[tilespmem:s17+$0x4E20] =	vst v0;
	s18 =	smov.u32 s16;
	s16 =	sadd.s32 $0x40, s16  }
.Ltmp0:
0x1a: {  	[tilespmem:s17+$0x7530] =	vst v0;
	(pc) =	sbr.rel @p1 .LBB2_2-.Ltmp0, $2  }
0x1b: {  	_ =	sdelay $0x2  }
0x1c: {  	s17 =	sshra.s32 s18, $0x2  }
0x1d: {  	[tilespmem:s17+$0x4E20] =	vst v0  }
0x1e: {  	[tilespmem:s17+$0x7530] =	vst v0;
	s16 =	simm.s32 @!p0 $0x4E20  }
0x1f: {  	[spmem:s2] =	stream.linear.scatter @!p0 [tilespmem:s16], [sflag:$0x1], $0x4E20, $0x38;
	[tilespmem:$0xA130] =	vst v63  }
0x20: {  	s16 =	simm.s32 @!p0 $0x1  }
0x21: {  	_ =	swait.ge @!p0 [sflag:s16], $0x4E20  }
0x22: {  	s17 =	simm.s32 $0x50;
	[sflag:s16] =	ssyncset.done @!p0 $0x0  }
0x23: {  	s18 =	simm.s32 $0x2760;
	[sflag:s16] =	ssyncadd.s32 @!p0 $0xFFFFB1E0;
	s16 =	simm.s32 $0xFFFFFFFE  }
.LBB2_4:
0x24: {  	v2 =	vld [tilespmem:s17+$0xFFFFFFB0];
	_ =	sdelay $0x7  }
0x25: {  	[tilespmem:v2+s11+$0x0] =	vst.idx.add.f32.msk $0xffff, v1  }
0x26: {  	v2 =	vld [tilespmem:s18+$0xFFFFFFB0];
	_ =	sdelay $0x7  }
0x27: {  	[tilespmem:v2+s12+$0x0] =	vst.idx.add.f32.msk $0xffff, v1  }
0x28: {  	v2 =	vld [tilespmem:s17+$0xFFFFFFC0];
	_ =	sdelay $0x7  }
0x29: {  	[tilespmem:v2+s11+$0x0] =	vst.idx.add.f32.msk $0xffff, v1  }
0x2a: {  	v2 =	vld [tilespmem:s18+$0xFFFFFFC0];
	_ =	sdelay $0x7  }
0x2b: {  	[tilespmem:v2+s12+$0x0] =	vst.idx.add.f32.msk $0xffff, v1  }
0x2c: {  	v2 =	vld [tilespmem:s17+$0xFFFFFFD0];
	_ =	sdelay $0x7  }
0x2d: {  	[tilespmem:v2+s11+$0x0] =	vst.idx.add.f32.msk $0xffff, v1  }
0x2e: {  	v2 =	vld [tilespmem:s18+$0xFFFFFFD0];
	_ =	sdelay $0x7  }
0x2f: {  	[tilespmem:v2+s12+$0x0] =	vst.idx.add.f32.msk $0xffff, v1  }
0x30: {  	v2 =	vld [tilespmem:s17+$0xFFFFFFE0];
	_ =	sdelay $0x7  }
0x31: {  	[tilespmem:v2+s11+$0x0] =	vst.idx.add.f32.msk $0xffff, v1  }
0x32: {  	v2 =	vld [tilespmem:s18+$0xFFFFFFE0];
	_ =	sdelay $0x7  }
0x33: {  	[tilespmem:v2+s12+$0x0] =	vst.idx.add.f32.msk $0xffff, v1  }
0x34: {  	v2 =	vld [tilespmem:s17+$0xFFFFFFF0];
	_ =	sdelay $0x7  }
0x35: {  	[tilespmem:v2+s11+$0x0] =	vst.idx.add.f32.msk $0xffff, v1  }
0x36: {  	v2 =	vld [tilespmem:s18+$0xFFFFFFF0];
	_ =	sdelay $0x7  }
0x37: {  	[tilespmem:v2+s12+$0x0] =	vst.idx.add.f32.msk $0xffff, v1  }
0x38: {  	v2 =	vld [tilespmem:s17+$0x0];
	_ =	sdelay $0x7  }
0x39: {  	[tilespmem:v2+s11+$0x0] =	vst.idx.add.f32.msk $0xffff, v1  }
0x3a: {  	v2 =	vld [tilespmem:s18+$0x0];
	_ =	sdelay $0x7  }
0x3b: {  	[tilespmem:v2+s12+$0x0] =	vst.idx.add.f32.msk $0xffff, v1  }
0x3c: {  	v2 =	vld [tilespmem:s17+$0x10];
	_ =	sdelay $0x7  }
0x3d: {  	[tilespmem:v2+s11+$0x0] =	vst.idx.add.f32.msk $0xffff, v1  }
0x3e: {  	v2 =	vld [tilespmem:s18+$0x10];
	_ =	sdelay $0x7  }
0x3f: {  	[tilespmem:v2+s12+$0x0] =	vst.idx.add.f32.msk $0xffff, v1  }
0x40: {  	v2 =	vld [tilespmem:s17+$0x20];
	_ =	sdelay $0x7  }
0x41: {  	[tilespmem:v2+s11+$0x0] =	vst.idx.add.f32.msk $0xffff, v1  }
0x42: {  	v2 =	vld [tilespmem:s18+$0x20];
	_ =	sdelay $0x7  }
0x43: {  	[tilespmem:v2+s12+$0x0] =	vst.idx.add.f32.msk $0xffff, v1  }
0x44: {  	v2 =	vld [tilespmem:s17+$0x30];
	_ =	sdelay $0x7  }
0x45: {  	[tilespmem:v2+s11+$0x0] =	vst.idx.add.f32.msk $0xffff, v1  }
0x46: {  	v2 =	vld [tilespmem:s18+$0x30];
	_ =	sdelay $0x7  }
0x47: {  	[tilespmem:v2+s12+$0x0] =	vst.idx.add.f32.msk $0xffff, v1  }
0x48: {  	v2 =	vld [tilespmem:s17+$0x40];
	_ =	sdelay $0x7  }
0x49: {  	[tilespmem:v2+s11+$0x0] =	vst.idx.add.f32.msk $0xffff, v1  }
0x4a: {  	v2 =	vld [tilespmem:s18+$0x40];
	_ =	sdelay $0x1  }
0x4b: {  	s16 =	sadd.s32 $0x2, s16  }
0x4c: {  	p1 =	slt.u32 s16, $0x7A  }
.Ltmp1:
0x4d: {  	_ = 	snop;
	(pc) =	sbr.rel @p1 .LBB2_4-.Ltmp1, $2  }
0x4e: {  	_ =	sdelay $0x2  }
0x4f: {  	s17 =	sadd.s32 $0xA0, s17;
	s18 =	sadd.s32 $0xA0, s18;
	[tilespmem:v2+s12+$0x0] =	vst.idx.add.f32.msk $0xffff, v1  }
0x50: {  	v2 =	vld [tilespmem:$0x26C0];
	_ =	sdelay $0x7  }
0x51: {  	[tilespmem:v2+s11+$0x0] =	vst.idx.add.f32.msk $0xffff, v1  }
0x52: {  	v2 =	vld [tilespmem:$0x4DD0];
	_ =	sdelay $0x7  }
0x53: {  	[tilespmem:v2+s12+$0x0] =	vst.idx.add.f32.msk $0xffff, v1  }
0x54: {  	v2 =	vld [tilespmem:$0x26D0];
	_ =	sdelay $0x7  }
0x55: {  	[tilespmem:v2+s11+$0x0] =	vst.idx.add.f32.msk $0xffff, v1  }
0x56: {  	v2 =	vld [tilespmem:$0x4DE0];
	_ =	sdelay $0x7  }
0x57: {  	[tilespmem:v2+s12+$0x0] =	vst.idx.add.f32.msk $0xffff, v1  }
0x58: {  	v2 =	vld [tilespmem:$0x26E0];
	_ =	sdelay $0x7  }
0x59: {  	[tilespmem:v2+s11+$0x0] =	vst.idx.add.f32.msk $0xffff, v1  }
0x5a: {  	v2 =	vld [tilespmem:$0x4DF0];
	_ =	sdelay $0x7  }
0x5b: {  	[tilespmem:v2+s12+$0x0] =	vst.idx.add.f32.msk $0xffff, v1  }
0x5c: {  	v2 =	vld [tilespmem:$0x26F0];
	_ =	sdelay $0x7  }
0x5d: {  	[tilespmem:v2+s11+$0x0] =	vst.idx.add.f32.msk $0xffff, v1  }
0x5e: {  	v2 =	vld [tilespmem:$0x4E00];
	_ =	sdelay $0x7  }
0x5f: {  	[tilespmem:v2+s12+$0x0] =	vst.idx.add.f32.msk $0xffff, v1  }
0x60: {  	v2 =	vld [tilespmem:$0x2700];
	_ =	sdelay $0x7  }
0x61: {  	[tilespmem:v2+s11+$0x0] =	vst.idx.add.f32.msk $0xffff, v1  }
0x62: {  	v2 =	vld [tilespmem:$0x4E10];
	_ =	sdelay $0x7  }
0x63: {  	[tilespmem:v2+s12+$0x0] =	vst.idx.add.f32.msk $0xffff, v1  }
0x64: {  	[bflag:$0x0] =	sbarrier.arrive $0xFFFF  }
0x65: {  	[spmem:s2] =	stream.indirect.scatter.add.f32 [tilespmem:s11], [sflag:$0x1], $0x2710, s10, s13, $0xb8;
	[tilespmem:$0xA130] =	vst v63  }
0x66: {  	_ =	swait.ge [sflag:s8], $0x4E20  }
0x67: {  	[sflag:s8] =	ssyncset.done $0x0  }
0x68: {  	s15 =	sadd.s32 $0x1, s15;
	[sflag:s8] =	ssyncadd.s32 $0xFFFFB1E0  }
0x69: {  	s16 =	simm.s32 @!p0 $0x1C01;
	p1 =	sne.s32 s15, s7;
	[bflag:$0x0] =	sbarrier.arrive $0xFFFF  }
0x6a: {  	[hbm:s6], [sflag:s16] =	dma.local @!p0 [spmem:s14], $0x9C4  }
.Ltmp2:
0x6b: {  	_ = 	snop;
	(pc) =	sbr.rel @p1 .LBB2_1-.Ltmp2, $4  }
0x6c: {  	s16 =	simm.s32 @!p0 $0x1  }
0x6d: {  	_ =	swait.ge @!p0 [sflag:s16], $0x9C4  }
0x6e: {  	[sflag:s16] =	ssyncset.done @!p0 $0x0  }
0x6f: {  	[sflag:s16] =	ssyncadd.s32 @!p0 $0xFFFFF63C  }
0x70: {  	_ =	sfence.sel $0x180000  }
0x71: {  	[bflag:$0x0] =	sbarrier.arrive $0xFFFF  }
0x72: {  	_ =	strace $0x90000047  }
0x73: {  	s0 =	sadd.s32 @!p0 $0x100000, s0;
	[bflag:$0x2] =	sbarrier.arrive $0xFFFF  }
0x74: {  	[sflag:s0] =	ssyncadd.tile.s32 @!p0 $0x1;
	_ =	shalt  }
.Lfunc_end2:
_tile_overlayer_lowered:
.L_overlay_start_2:
0x75: {  	(tag) =	ssettag $0x2  }
0x76: {  	s0 =	rddreg [dreg:$0x0];
	s2 =	stileid.u32  }
0x77: {  	s1 =	rddreg [dreg:$0x1];
	p0 =	sne.s32 s2, $0x0  }
0x78: {  	s3 =	rddreg [dreg:$0x2];
	[bflag:$0x3] =	sbarrier.arrive $0xFFFF;
	s2 =	simm.s32 @!p0 $0x1C01  }
0x79: {  	[timem:s3], [sflag:s2] =	dma.local @!p0 [hbm:s0], s1  }
0x7a: {  	s0 =	simm.s32 @!p0 $0x1  }
0x7b: {  	_ =	swait.ge @!p0 [sflag:s0], s1  }
0x7c: {  	s1 =	ssub.s32 @!p0 $0x0, s1;
	[sflag:s0] =	ssyncset.done @!p0 $0x0  }
0x7d: {  	[sflag:s0] =	ssyncadd.s32 @!p0 s1  }
0x7e: {  	[bflag:$0x3] =	sbarrier.arrive $0xFFFF  }
0x7f: {  	_ =	shalt  }

</sc_bundles>
